<compile_context>
chip_gen: v7x
topology: tpu7x:2x2x1
jax: 0.10.2.dev20260603
libtpu: 0.0.44.dev20260713+nightly
codegen_flags: <defaults>
</compile_context>

<pallas_src>
import functools

import jax
import jax.numpy as jnp
from jax import lax
from jax.experimental import pallas as pl
from jax.experimental.pallas import tpu as pltpu
from jax.experimental.pallas import tpu_sc as plsc

_VOCAB = 1000
_VPAD = 1024
_B = 1024
_T = 50
_N = _B * _T
_NC = 2
_NS = 16
_NW = _NC * _NS
_NPART = 1
_PB = _B // _NPART
_BPW = _PB // _NW
_TPW = _BPW * _T
_OFFS = (0, 16, 32, 34)


def _row_lse_body(t_ref, o_ref):
    t = t_ref[...]
    m = jnp.max(t, axis=1)
    s = jnp.sum(jnp.exp(t - m[:, None]), axis=1)
    o_ref[pl.ds(0, _VOCAB)] = jnp.log(s) + m


def _row_lse(table):
    return pl.pallas_call(
        _row_lse_body,
        out_shape=jax.ShapeDtypeStruct((_VPAD,), jnp.float32),
    )(table)


def _loss_body(p_ref, o_ref):
    o_ref[...] = (jnp.sum(p_ref[...]) * (1.0 / _N)).reshape(1, 1)


def _loss_reduce(partials):
    return pl.pallas_call(
        _loss_body,
        out_shape=jax.ShapeDtypeStruct((1, 1), jnp.float32),
    )(partials)


@functools.lru_cache(maxsize=1)
def _sc_gather_fn():
    @functools.partial(
        pl.kernel,
        out_type=(
            jax.ShapeDtypeStruct((_PB, _T, _VOCAB), jnp.float32),
            jax.ShapeDtypeStruct((_NW, 16), jnp.float32),
        ),
        mesh=plsc.VectorSubcoreMesh(core_axis_name="c", subcore_axis_name="s"),
        compiler_params=pltpu.CompilerParams(needs_layout_passes=False),
        scratch_types=[
            pltpu.VMEM((_TPW,), jnp.int32),
            pltpu.VMEM((_TPW,), jnp.int32),
            [pltpu.VMEM((8, _T), jnp.int32)] * 2,
            [pltpu.VMEM((_T,), jnp.int32)] * 2,
            [pltpu.VMEM((_T,), jnp.float32)] * 2,
            pltpu.VMEM((_T, 128), jnp.float32),
            [pltpu.VMEM((_T, _VOCAB), jnp.float32)] * 2,
            pltpu.VMEM((_VPAD,), jnp.float32),
            pltpu.VMEM((16,), jnp.float32),
            [pltpu.SemaphoreType.DMA] * 2,
            pltpu.SemaphoreType.DMA,
            [pltpu.SemaphoreType.DMA] * 2,
        ],
    )
    def _sc_gather(idx_hbm, tgt_hbm, tab8_hbm, tabflat_hbm,
                   lse_hbm, out_hbm, part_hbm,
                   idx_v, tgt_v, gidx_v, flat_v, picked_v, tail_v,
                   stage_v, lse_v, acc_v, sem_g, sem_t, sem_w):
        wid = lax.axis_index("s") * _NC + lax.axis_index("c")
        tbase = wid * _TPW
        bbase = wid * _BPW
        pltpu.sync_copy(lse_hbm, lse_v)
        pltpu.sync_copy(idx_hbm.at[pl.ds(tbase, _TPW)], idx_v)
        pltpu.sync_copy(tgt_hbm.at[pl.ds(tbase, _TPW)], tgt_v)
        acc_v[...] = jnp.zeros((16,), jnp.float32)
        lane = lax.iota(jnp.int32, 16)

        def build_indices(p, j):
            t0 = j * _T
            for o in _OFFS:
                i16 = idx_v[pl.ds(t0 + o, 16)]
                t16 = tgt_v[pl.ds(t0 + o, 16)]
                flat_v[p][pl.ds(o, 16)] = i16 * _VOCAB + t16
                s16 = i16 * 8
                for ct in range(8):
                    gidx_v[p][ct, pl.ds(o, 16)] = s16 + ct

        def fire_main(p, j):
            cps = [pltpu.async_copy(
                tab8_hbm.at[gidx_v[p].at[ct]],
                stage_v[p].at[:, pl.ds(ct * 128, 128)], sem_g[p])
                for ct in range(7)]
            cps.append(pltpu.async_copy(
                tabflat_hbm.at[flat_v[p]], picked_v[p], sem_g[p]))
            return cps

        def fire_tail(p):
            return pltpu.async_copy(tab8_hbm.at[gidx_v[p].at[7]], tail_v,
                                    sem_t)

        def tail_copy(p):
            def tail(r, c):
                for k in (0, 16, 32, 48, 64, 80, 88):
                    stage_v[p][r, pl.ds(896 + k, 16)] = tail_v[r, pl.ds(k, 16)]
                return c
            lax.fori_loop(0, _T, tail, 0, unroll=5)

        def loss_accum(p, j):
            t0 = j * _T
            for o in _OFFS:
                i16 = idx_v[pl.ds(t0 + o, 16)]
                lse16 = plsc.load_gather(lse_v, [i16])
                p16 = picked_v[p][pl.ds(o, 16)]
                contrib = lse16 - p16
                if o == 34:
                    contrib = jnp.where(lane >= 14, contrib,
                                        jnp.zeros((16,), jnp.float32))
                acc_v[...] = acc_v[...] + contrib

        def drain_write(p, g):
            @pl.when(g > 0)
            def _():
                pltpu.make_async_copy(stage_v[p], out_hbm.at[bbase],
                                      sem_w[p]).wait()

        def body(g, carry):
            j0 = g * 2
            drain_write(0, g)
            build_indices(0, j0)
            m0 = fire_main(0, j0)
            t0 = fire_tail(0)
            drain_write(1, g)
            build_indices(1, j0 + 1)
            m1 = fire_main(1, j0 + 1)
            for c in m0:
                c.wait()
            t0.wait()
            tail_copy(0)
            pltpu.async_copy(stage_v[0], out_hbm.at[bbase + j0], sem_w[0])
            t1 = fire_tail(1)
            loss_accum(0, j0)
            for c in m1:
                c.wait()
            t1.wait()
            tail_copy(1)
            pltpu.async_copy(stage_v[1], out_hbm.at[bbase + j0 + 1], sem_w[1])
            loss_accum(1, j0 + 1)
            return carry

        lax.fori_loop(0, _BPW // 2, body, 0)
        for p in (0, 1):
            pltpu.make_async_copy(stage_v[p], out_hbm.at[bbase],
                                  sem_w[p]).wait()
        pltpu.sync_copy(acc_v, part_hbm.at[wid])

    return _sc_gather


def kernel(idx, targets, table):
    table8 = jnp.pad(table, ((0, 0), (0, _VPAD - _VOCAB))).reshape(
        _VOCAB * 8, 128)
    table_flat = table.reshape(_VOCAB * _VOCAB)
    row_lse = _row_lse(table)
    idx_f = idx.reshape(_N)
    tgt_f = targets.reshape(_N)
    logits, partials = _sc_gather_fn()(
        idx_f, tgt_f, table8, table_flat, row_lse)
    loss = _loss_reduce(partials)[0, 0]
    return (logits, loss)

# --- scband reference (transcript-rebuilt; emitter-appended) ---
"""Pipeline reference for scband-bigram-model-13408887899006 (READ-ONLY COPY).

The authoritative reference and input builder live on the scoring server;
editing this copy changes nothing except your own understanding.
"""

import jax, jax.numpy as jnp
import numpy as np

VOCAB = 1000
B = 1024
T = 50

def setup_inputs(seed: int = 0) -> dict:
    key = jax.random.key(seed)
    k1, k2, k3 = jax.random.split(key, 3)
    idx = jax.random.randint(k1, (B, T), 0, VOCAB, dtype=jnp.int32)
    targets = jax.random.randint(k2, (B, T), 0, VOCAB, dtype=jnp.int32)
    # BigramModel's embedding_model maps a token id to vocab-sized logits:
    # an [VOCAB, VOCAB] embedding table (nn.Embedding(vocab, vocab)).
    table = jax.random.normal(k3, (VOCAB, VOCAB), dtype=jnp.float32) * 0.02
    return {"idx": idx, "targets": targets, "table": table}

def reference(idx, targets, table):
    # logits = embedding_model(idx): gather rows of the bigram table
    logits = jnp.take(table, idx, axis=0)  # [B, T, VOCAB]
    Bv, Tv, Cv = logits.shape
    logits2 = logits.reshape(Bv * Tv, Cv)
    tflat = targets.reshape(Bv * Tv)
    # F.cross_entropy with mean reduction
    lse = jax.nn.logsumexp(logits2, axis=-1)
    picked = jnp.take_along_axis(logits2, tflat[:, None], axis=1)[:, 0]
    loss = jnp.mean(lse - picked)
    return (logits, loss)

if __name__ == "__main__":
    import jax
    _d = setup_inputs()
    print(jax.jit(kernel)(*tuple(_d.values())))

</pallas_src>

<mosaic_0001>
#map = affine_map<(d0, d1) -> (0)>
#map1 = affine_map<(d0, d1) -> (0, 0)>
#map2 = affine_map<(d0, d1) -> (0, 0, 0)>
module attributes {stable_mosaic.version = 14 : i64} {
  func.func @_sc_gather(%arg0: i32, %arg1: i32, %arg2: memref<51200xi32, #tpu.memory_space<hbm>>, %arg3: memref<51200xi32, #tpu.memory_space<hbm>>, %arg4: memref<8000x128xf32, #tpu.memory_space<hbm>>, %arg5: memref<1000000xf32, #tpu.memory_space<hbm>>, %arg6: memref<1024xf32, #tpu.memory_space<hbm>>, %arg7: memref<1024x50x1000xf32, #tpu.memory_space<hbm>>, %arg8: memref<32x16xf32, #tpu.memory_space<hbm>>, %arg9: memref<1600xi32, #tpu.memory_space<vmem>>, %arg10: memref<1600xi32, #tpu.memory_space<vmem>>, %arg11: memref<8x50xi32, #tpu.memory_space<vmem>>, %arg12: memref<8x50xi32, #tpu.memory_space<vmem>>, %arg13: memref<50xi32, #tpu.memory_space<vmem>>, %arg14: memref<50xi32, #tpu.memory_space<vmem>>, %arg15: memref<50xf32, #tpu.memory_space<vmem>>, %arg16: memref<50xf32, #tpu.memory_space<vmem>>, %arg17: memref<50x128xf32, #tpu.memory_space<vmem>>, %arg18: memref<50x1000xf32, #tpu.memory_space<vmem>>, %arg19: memref<50x1000xf32, #tpu.memory_space<vmem>>, %arg20: memref<1024xf32, #tpu.memory_space<vmem>>, %arg21: memref<16xf32, #tpu.memory_space<vmem>>, %arg22: memref<!tpu.dma_semaphore, #tpu.memory_space<semaphore_mem>>, %arg23: memref<!tpu.dma_semaphore, #tpu.memory_space<semaphore_mem>>, %arg24: memref<!tpu.dma_semaphore, #tpu.memory_space<semaphore_mem>>, %arg25: memref<!tpu.dma_semaphore, #tpu.memory_space<semaphore_mem>>, %arg26: memref<!tpu.dma_semaphore, #tpu.memory_space<semaphore_mem>>) attributes {dimension_semantics = [#tpu.dimension_semantics<core_parallel>, #tpu.dimension_semantics<subcore_parallel>], iteration_bounds = array<i64: 2, 16>, scalar_prefetch = 0 : i64, scratch_operands = 18 : i64, tpu.core_type = #tpu.core_type<sc_vector_subcore>, window_params = [{transform_indices = #map}, {transform_indices = #map}, {transform_indices = #map1}, {transform_indices = #map}, {transform_indices = #map}, {transform_indices = #map2}, {transform_indices = #map1}]} {
    %mul3A = arith.constant 2 : i32
    %mul3A_0 = arith.muli %arg1, %mul3A : i32
    %add3A = arith.addi %mul3A_0, %arg0 : i32
    %mul3A_1 = arith.constant 1600 : i32
    %mul3A_2 = arith.muli %add3A, %mul3A_1 : i32
    %mul3A_3 = arith.constant 32 : i32
    %mul3A_4 = arith.muli %add3A, %mul3A_3 : i32
    "tpu.region"() ({
      %run_scoped3A = tpu.sem_alloc : memref<!tpu.dma_semaphore, #tpu.memory_space<semaphore_mem>>
      tpu.enqueue_dma source(%arg6 : memref<1024xf32, #tpu.memory_space<hbm>>) target(%arg20 : memref<1024xf32, #tpu.memory_space<vmem>>) target_semaphore(%run_scoped3A : memref<!tpu.dma_semaphore, #tpu.memory_space<semaphore_mem>>)
      tpu.wait_dma2 semaphore(%run_scoped3A : memref<!tpu.dma_semaphore, #tpu.memory_space<semaphore_mem>>) src(%arg6 : memref<1024xf32, #tpu.memory_space<hbm>>) dst(%arg20 : memref<1024xf32, #tpu.memory_space<vmem>>)
      tpu.yield
    }) : () -> ()
    "tpu.region"() ({
      %run_scoped3A = tpu.sem_alloc : memref<!tpu.dma_semaphore, #tpu.memory_space<semaphore_mem>>
      %dma_start3A = tpu.memref_slice %arg2[%mul3A_2] : memref<51200xi32, #tpu.memory_space<hbm>> -> memref<1600xi32, #tpu.memory_space<hbm>>
      %dma_start3A_27 = tpu.memref_slice %arg2[%mul3A_2] : memref<51200xi32, #tpu.memory_space<hbm>> -> memref<1600xi32, #tpu.memory_space<hbm>>
      tpu.enqueue_dma source(%dma_start3A_27 : memref<1600xi32, #tpu.memory_space<hbm>>) target(%arg9 : memref<1600xi32, #tpu.memory_space<vmem>>) target_semaphore(%run_scoped3A : memref<!tpu.dma_semaphore, #tpu.memory_space<semaphore_mem>>)
      %dma_wait3A_28 = tpu.memref_slice %arg2[%mul3A_2] : memref<51200xi32, #tpu.memory_space<hbm>> -> memref<1600xi32, #tpu.memory_space<hbm>>
      %dma_wait3A_29 = tpu.memref_slice %arg2[%mul3A_2] : memref<51200xi32, #tpu.memory_space<hbm>> -> memref<1600xi32, #tpu.memory_space<hbm>>
      tpu.wait_dma2 semaphore(%run_scoped3A : memref<!tpu.dma_semaphore, #tpu.memory_space<semaphore_mem>>) src(%dma_wait3A_29 : memref<1600xi32, #tpu.memory_space<hbm>>) dst(%arg9 : memref<1600xi32, #tpu.memory_space<vmem>>)
      tpu.yield
    }) : () -> ()
    "tpu.region"() ({
      %run_scoped3A = tpu.sem_alloc : memref<!tpu.dma_semaphore, #tpu.memory_space<semaphore_mem>>
      %dma_start3A = tpu.memref_slice %arg3[%mul3A_2] : memref<51200xi32, #tpu.memory_space<hbm>> -> memref<1600xi32, #tpu.memory_space<hbm>>
      %dma_start3A_27 = tpu.memref_slice %arg3[%mul3A_2] : memref<51200xi32, #tpu.memory_space<hbm>> -> memref<1600xi32, #tpu.memory_space<hbm>>
      tpu.enqueue_dma source(%dma_start3A_27 : memref<1600xi32, #tpu.memory_space<hbm>>) target(%arg10 : memref<1600xi32, #tpu.memory_space<vmem>>) target_semaphore(%run_scoped3A : memref<!tpu.dma_semaphore, #tpu.memory_space<semaphore_mem>>)
      %dma_wait3A_28 = tpu.memref_slice %arg3[%mul3A_2] : memref<51200xi32, #tpu.memory_space<hbm>> -> memref<1600xi32, #tpu.memory_space<hbm>>
      %dma_wait3A_29 = tpu.memref_slice %arg3[%mul3A_2] : memref<51200xi32, #tpu.memory_space<hbm>> -> memref<1600xi32, #tpu.memory_space<hbm>>
      tpu.wait_dma2 semaphore(%run_scoped3A : memref<!tpu.dma_semaphore, #tpu.memory_space<semaphore_mem>>) src(%dma_wait3A_29 : memref<1600xi32, #tpu.memory_space<hbm>>) dst(%arg10 : memref<1600xi32, #tpu.memory_space<vmem>>)
      tpu.yield
    }) : () -> ()
    %broadcast_in_dim3A = arith.constant 0.000000e+00 : f32
    %broadcast_in_dim3A_5 = vector.broadcast %broadcast_in_dim3A : f32 to vector<16xf32>
    %swap3A = arith.constant 0 : index
    %swap3A_6 = tpu.vector_load %arg21[%swap3A] {strides = array<i32>} : memref<16xf32, #tpu.memory_space<vmem>>, vector<16xf32>,
    tpu.vector_store %arg21[%swap3A], %broadcast_in_dim3A_5 {strides = array<i32>} : memref<16xf32, #tpu.memory_space<vmem>>, vector<16xf32>,
    %iota3A = tpu.iota {dimensions = array<i32: 0>} : vector<16xi32>
    %scan3A = arith.constant 0 : i32
    %scan3A_7 = arith.constant 0 : i32
    %scan3A_8 = arith.constant 16 : i32
    %scan3A_9 = arith.addi %scan3A_7, %scan3A_8 : i32
    %scan3A_10 = arith.constant 1 : i32
    scf.for %scan3A_27 = %scan3A_7 to %scan3A_9 step %scan3A_10  : i32 {
      %mul3A_28 = arith.constant 2 : i32
      %mul3A_29 = arith.muli %scan3A_27, %mul3A_28 : i32
      %gt3A = arith.constant 0 : i32
      %gt3A_30 = arith.cmpi sgt, %scan3A_27, %gt3A : i32
      %convert_element_type3A = arith.extui %gt3A_30 : i1 to i32
      %cond3A = arith.constant 0 : i32
      %cond3A_31 = arith.cmpi ne, %convert_element_type3A, %cond3A : i32
      scf.if %cond3A_31 {
        %dma_wait3A_1093 = arith.constant 0 : i32
        %dma_wait3A_1094 = arith.constant 0 : i32
        %dma_wait3A_1095 = tpu.memref_slice %arg7[%mul3A_4, %dma_wait3A_1093, %dma_wait3A_1094] : memref<1024x50x1000xf32, #tpu.memory_space<hbm>> -> memref<1x50x1000xf32, #tpu.memory_space<hbm>>
        %dma_wait3A_1096 = tpu.memref_squeeze %dma_wait3A_1095 : memref<1x50x1000xf32, #tpu.memory_space<hbm>> -> memref<50x1000xf32, #tpu.memory_space<hbm>>
        %dma_wait3A_1097 = arith.constant 0 : i32
        %dma_wait3A_1098 = arith.constant 0 : i32
        %dma_wait3A_1099 = tpu.memref_slice %arg7[%mul3A_4, %dma_wait3A_1097, %dma_wait3A_1098] : memref<1024x50x1000xf32, #tpu.memory_space<hbm>> -> memref<1x50x1000xf32, #tpu.memory_space<hbm>>
        %dma_wait3A_1100 = tpu.memref_squeeze %dma_wait3A_1099 : memref<1x50x1000xf32, #tpu.memory_space<hbm>> -> memref<50x1000xf32, #tpu.memory_space<hbm>>
        tpu.wait_dma2 semaphore(%arg25 : memref<!tpu.dma_semaphore, #tpu.memory_space<semaphore_mem>>) src(%arg18 : memref<50x1000xf32, #tpu.memory_space<vmem>>) dst(%dma_wait3A_1100 : memref<50x1000xf32, #tpu.memory_space<hbm>>)
      } else {
      }
      %mul3A_32 = arith.constant 50 : i32
      %mul3A_33 = arith.muli %mul3A_29, %mul3A_32 : i32
      %add3A_34 = arith.constant 0 : i32
      %add3A_35 = arith.addi %mul3A_33, %add3A_34 : i32
      %get3A = arith.index_cast %add3A_35 : i32 to index
      %get3A_36 = tpu.vector_load %arg9[%get3A] {strides = array<i32>} : memref<1600xi32, #tpu.memory_space<vmem>>, vector<16xi32>,
      %add3A_37 = arith.constant 0 : i32
      %add3A_38 = arith.addi %mul3A_33, %add3A_37 : i32
      %get3A_39 = arith.index_cast %add3A_38 : i32 to index
      %get3A_40 = tpu.vector_load %arg10[%get3A_39] {strides = array<i32>} : memref<1600xi32, #tpu.memory_space<vmem>>, vector<16xi32>,
      %mul3A_41 = arith.constant 1000 : i32
      %mul3A_42 = vector.broadcast %mul3A_41 : i32 to vector<16xi32>
      %mul3A_43 = arith.muli %get3A_36, %mul3A_42 : vector<16xi32>
      %add3A_44 = arith.addi %mul3A_43, %get3A_40 : vector<16xi32>
      %swap3A_45 = arith.constant 0 : index
      %swap3A_46 = tpu.vector_load %arg13[%swap3A_45] {strides = array<i32>} : memref<50xi32, #tpu.memory_space<vmem>>, vector<16xi32>,
      tpu.vector_store %arg13[%swap3A_45], %add3A_44 {strides = array<i32>} : memref<50xi32, #tpu.memory_space<vmem>>, vector<16xi32>,
      %mul3A_47 = arith.constant 8 : i32
      %mul3A_48 = vector.broadcast %mul3A_47 : i32 to vector<16xi32>
      %mul3A_49 = arith.muli %get3A_36, %mul3A_48 : vector<16xi32>
      %add3A_50 = arith.constant 0 : i32
      %add3A_51 = vector.broadcast %add3A_50 : i32 to vector<16xi32>
      %add3A_52 = arith.addi %mul3A_49, %add3A_51 : vector<16xi32>
      %swap3A_53 = arith.constant 0 : i32
      %swap3A_54 = arith.index_cast %swap3A_53 : i32 to index
      %swap3A_55 = arith.constant 0 : index
      %swap3A_56 = tpu.vector_load %arg11[%swap3A_54, %swap3A_55] {strides = array<i32>} : memref<8x50xi32, #tpu.memory_space<vmem>>, vector<16xi32>,
      tpu.vector_store %arg11[%swap3A_54, %swap3A_55], %add3A_52 {strides = array<i32>} : memref<8x50xi32, #tpu.memory_space<vmem>>, vector<16xi32>,
      %add3A_57 = arith.constant 1 : i32
      %add3A_58 = vector.broadcast %add3A_57 : i32 to vector<16xi32>
      %add3A_59 = arith.addi %mul3A_49, %add3A_58 : vector<16xi32>
      %swap3A_60 = arith.constant 1 : i32
      %swap3A_61 = arith.index_cast %swap3A_60 : i32 to index
      %swap3A_62 = arith.constant 0 : index
      %swap3A_63 = tpu.vector_load %arg11[%swap3A_61, %swap3A_62] {strides = array<i32>} : memref<8x50xi32, #tpu.memory_space<vmem>>, vector<16xi32>,
      tpu.vector_store %arg11[%swap3A_61, %swap3A_62], %add3A_59 {strides = array<i32>} : memref<8x50xi32, #tpu.memory_space<vmem>>, vector<16xi32>,
      %add3A_64 = arith.constant 2 : i32
      %add3A_65 = vector.broadcast %add3A_64 : i32 to vector<16xi32>
      %add3A_66 = arith.addi %mul3A_49, %add3A_65 : vector<16xi32>
      %swap3A_67 = arith.constant 2 : i32
      %swap3A_68 = arith.index_cast %swap3A_67 : i32 to index
      %swap3A_69 = arith.constant 0 : index
      %swap3A_70 = tpu.vector_load %arg11[%swap3A_68, %swap3A_69] {strides = array<i32>} : memref<8x50xi32, #tpu.memory_space<vmem>>, vector<16xi32>,
      tpu.vector_store %arg11[%swap3A_68, %swap3A_69], %add3A_66 {strides = array<i32>} : memref<8x50xi32, #tpu.memory_space<vmem>>, vector<16xi32>,
      %add3A_71 = arith.constant 3 : i32
      %add3A_72 = vector.broadcast %add3A_71 : i32 to vector<16xi32>
      %add3A_73 = arith.addi %mul3A_49, %add3A_72 : vector<16xi32>
      %swap3A_74 = arith.constant 3 : i32
      %swap3A_75 = arith.index_cast %swap3A_74 : i32 to index
      %swap3A_76 = arith.constant 0 : index
      %swap3A_77 = tpu.vector_load %arg11[%swap3A_75, %swap3A_76] {strides = array<i32>} : memref<8x50xi32, #tpu.memory_space<vmem>>, vector<16xi32>,
      tpu.vector_store %arg11[%swap3A_75, %swap3A_76], %add3A_73 {strides = array<i32>} : memref<8x50xi32, #tpu.memory_space<vmem>>, vector<16xi32>,
      %add3A_78 = arith.constant 4 : i32
      %add3A_79 = vector.broadcast %add3A_78 : i32 to vector<16xi32>
      %add3A_80 = arith.addi %mul3A_49, %add3A_79 : vector<16xi32>
      %swap3A_81 = arith.constant 4 : i32
      %swap3A_82 = arith.index_cast %swap3A_81 : i32 to index
      %swap3A_83 = arith.constant 0 : index
      %swap3A_84 = tpu.vector_load %arg11[%swap3A_82, %swap3A_83] {strides = array<i32>} : memref<8x50xi32, #tpu.memory_space<vmem>>, vector<16xi32>,
      tpu.vector_store %arg11[%swap3A_82, %swap3A_83], %add3A_80 {strides = array<i32>} : memref<8x50xi32, #tpu.memory_space<vmem>>, vector<16xi32>,
      %add3A_85 = arith.constant 5 : i32
      %add3A_86 = vector.broadcast %add3A_85 : i32 to vector<16xi32>
      %add3A_87 = arith.addi %mul3A_49, %add3A_86 : vector<16xi32>
      %swap3A_88 = arith.constant 5 : i32
      %swap3A_89 = arith.index_cast %swap3A_88 : i32 to index
      %swap3A_90 = arith.constant 0 : index
      %swap3A_91 = tpu.vector_load %arg11[%swap3A_89, %swap3A_90] {strides = array<i32>} : memref<8x50xi32, #tpu.memory_space<vmem>>, vector<16xi32>,
      tpu.vector_store %arg11[%swap3A_89, %swap3A_90], %add3A_87 {strides = array<i32>} : memref<8x50xi32, #tpu.memory_space<vmem>>, vector<16xi32>,
      %add3A_92 = arith.constant 6 : i32
      %add3A_93 = vector.broadcast %add3A_92 : i32 to vector<16xi32>
      %add3A_94 = arith.addi %mul3A_49, %add3A_93 : vector<16xi32>
      %swap3A_95 = arith.constant 6 : i32
      %swap3A_96 = arith.index_cast %swap3A_95 : i32 to index
      %swap3A_97 = arith.constant 0 : index
      %swap3A_98 = tpu.vector_load %arg11[%swap3A_96, %swap3A_97] {strides = array<i32>} : memref<8x50xi32, #tpu.memory_space<vmem>>, vector<16xi32>,
      tpu.vector_store %arg11[%swap3A_96, %swap3A_97], %add3A_94 {strides = array<i32>} : memref<8x50xi32, #tpu.memory_space<vmem>>, vector<16xi32>,
      %add3A_99 = arith.constant 7 : i32
      %add3A_100 = vector.broadcast %add3A_99 : i32 to vector<16xi32>
      %add3A_101 = arith.addi %mul3A_49, %add3A_100 : vector<16xi32>
      %swap3A_102 = arith.constant 7 : i32
      %swap3A_103 = arith.index_cast %swap3A_102 : i32 to index
      %swap3A_104 = arith.constant 0 : index
      %swap3A_105 = tpu.vector_load %arg11[%swap3A_103, %swap3A_104] {strides = array<i32>} : memref<8x50xi32, #tpu.memory_space<vmem>>, vector<16xi32>,
      tpu.vector_store %arg11[%swap3A_103, %swap3A_104], %add3A_101 {strides = array<i32>} : memref<8x50xi32, #tpu.memory_space<vmem>>, vector<16xi32>,
      %add3A_106 = arith.constant 16 : i32
      %add3A_107 = arith.addi %mul3A_33, %add3A_106 : i32
      %get3A_108 = arith.index_cast %add3A_107 : i32 to index
      %get3A_109 = tpu.vector_load %arg9[%get3A_108] {strides = array<i32>} : memref<1600xi32, #tpu.memory_space<vmem>>, vector<16xi32>,
      %add3A_110 = arith.constant 16 : i32
      %add3A_111 = arith.addi %mul3A_33, %add3A_110 : i32
      %get3A_112 = arith.index_cast %add3A_111 : i32 to index
      %get3A_113 = tpu.vector_load %arg10[%get3A_112] {strides = array<i32>} : memref<1600xi32, #tpu.memory_space<vmem>>, vector<16xi32>,
      %mul3A_114 = arith.constant 1000 : i32
      %mul3A_115 = vector.broadcast %mul3A_114 : i32 to vector<16xi32>
      %mul3A_116 = arith.muli %get3A_109, %mul3A_115 : vector<16xi32>
      %add3A_117 = arith.addi %mul3A_116, %get3A_113 : vector<16xi32>
      %swap3A_118 = arith.constant 16 : index
      %swap3A_119 = tpu.vector_load %arg13[%swap3A_118] {strides = array<i32>} : memref<50xi32, #tpu.memory_space<vmem>>, vector<16xi32>,
      tpu.vector_store %arg13[%swap3A_118], %add3A_117 {strides = array<i32>} : memref<50xi32, #tpu.memory_space<vmem>>, vector<16xi32>,
      %mul3A_120 = arith.constant 8 : i32
      %mul3A_121 = vector.broadcast %mul3A_120 : i32 to vector<16xi32>
      %mul3A_122 = arith.muli %get3A_109, %mul3A_121 : vector<16xi32>
      %add3A_123 = arith.constant 0 : i32
      %add3A_124 = vector.broadcast %add3A_123 : i32 to vector<16xi32>
      %add3A_125 = arith.addi %mul3A_122, %add3A_124 : vector<16xi32>
      %swap3A_126 = arith.constant 0 : i32
      %swap3A_127 = arith.index_cast %swap3A_126 : i32 to index
      %swap3A_128 = arith.constant 16 : index
      %swap3A_129 = tpu.vector_load %arg11[%swap3A_127, %swap3A_128] {strides = array<i32>} : memref<8x50xi32, #tpu.memory_space<vmem>>, vector<16xi32>,
      tpu.vector_store %arg11[%swap3A_127, %swap3A_128], %add3A_125 {strides = array<i32>} : memref<8x50xi32, #tpu.memory_space<vmem>>, vector<16xi32>,
      %add3A_130 = arith.constant 1 : i32
      %add3A_131 = vector.broadcast %add3A_130 : i32 to vector<16xi32>
      %add3A_132 = arith.addi %mul3A_122, %add3A_131 : vector<16xi32>
      %swap3A_133 = arith.constant 1 : i32
      %swap3A_134 = arith.index_cast %swap3A_133 : i32 to index
      %swap3A_135 = arith.constant 16 : index
      %swap3A_136 = tpu.vector_load %arg11[%swap3A_134, %swap3A_135] {strides = array<i32>} : memref<8x50xi32, #tpu.memory_space<vmem>>, vector<16xi32>,
      tpu.vector_store %arg11[%swap3A_134, %swap3A_135], %add3A_132 {strides = array<i32>} : memref<8x50xi32, #tpu.memory_space<vmem>>, vector<16xi32>,
      %add3A_137 = arith.constant 2 : i32
      %add3A_138 = vector.broadcast %add3A_137 : i32 to vector<16xi32>
      %add3A_139 = arith.addi %mul3A_122, %add3A_138 : vector<16xi32>
      %swap3A_140 = arith.constant 2 : i32
      %swap3A_141 = arith.index_cast %swap3A_140 : i32 to index
      %swap3A_142 = arith.constant 16 : index
      %swap3A_143 = tpu.vector_load %arg11[%swap3A_141, %swap3A_142] {strides = array<i32>} : memref<8x50xi32, #tpu.memory_space<vmem>>, vector<16xi32>,
      tpu.vector_store %arg11[%swap3A_141, %swap3A_142], %add3A_139 {strides = array<i32>} : memref<8x50xi32, #tpu.memory_space<vmem>>, vector<16xi32>,
      %add3A_144 = arith.constant 3 : i32
      %add3A_145 = vector.broadcast %add3A_144 : i32 to vector<16xi32>
      %add3A_146 = arith.addi %mul3A_122, %add3A_145 : vector<16xi32>
      %swap3A_147 = arith.constant 3 : i32
      %swap3A_148 = arith.index_cast %swap3A_147 : i32 to index
      %swap3A_149 = arith.constant 16 : index
      %swap3A_150 = tpu.vector_load %arg11[%swap3A_148, %swap3A_149] {strides = array<i32>} : memref<8x50xi32, #tpu.memory_space<vmem>>, vector<16xi32>,
      tpu.vector_store %arg11[%swap3A_148, %swap3A_149], %add3A_146 {strides = array<i32>} : memref<8x50xi32, #tpu.memory_space<vmem>>, vector<16xi32>,
      %add3A_151 = arith.constant 4 : i32
      %add3A_152 = vector.broadcast %add3A_151 : i32 to vector<16xi32>
      %add3A_153 = arith.addi %mul3A_122, %add3A_152 : vector<16xi32>
      %swap3A_154 = arith.constant 4 : i32
      %swap3A_155 = arith.index_cast %swap3A_154 : i32 to index
      %swap3A_156 = arith.constant 16 : index
      %swap3A_157 = tpu.vector_load %arg11[%swap3A_155, %swap3A_156] {strides = array<i32>} : memref<8x50xi32, #tpu.memory_space<vmem>>, vector<16xi32>,
      tpu.vector_store %arg11[%swap3A_155, %swap3A_156], %add3A_153 {strides = array<i32>} : memref<8x50xi32, #tpu.memory_space<vmem>>, vector<16xi32>,
      %add3A_158 = arith.constant 5 : i32
      %add3A_159 = vector.broadcast %add3A_158 : i32 to vector<16xi32>
      %add3A_160 = arith.addi %mul3A_122, %add3A_159 : vector<16xi32>
      %swap3A_161 = arith.constant 5 : i32
      %swap3A_162 = arith.index_cast %swap3A_161 : i32 to index
      %swap3A_163 = arith.constant 16 : index
      %swap3A_164 = tpu.vector_load %arg11[%swap3A_162, %swap3A_163] {strides = array<i32>} : memref<8x50xi32, #tpu.memory_space<vmem>>, vector<16xi32>,
      tpu.vector_store %arg11[%swap3A_162, %swap3A_163], %add3A_160 {strides = array<i32>} : memref<8x50xi32, #tpu.memory_space<vmem>>, vector<16xi32>,
      %add3A_165 = arith.constant 6 : i32
      %add3A_166 = vector.broadcast %add3A_165 : i32 to vector<16xi32>
      %add3A_167 = arith.addi %mul3A_122, %add3A_166 : vector<16xi32>
      %swap3A_168 = arith.constant 6 : i32
      %swap3A_169 = arith.index_cast %swap3A_168 : i32 to index
      %swap3A_170 = arith.constant 16 : index
      %swap3A_171 = tpu.vector_load %arg11[%swap3A_169, %swap3A_170] {strides = array<i32>} : memref<8x50xi32, #tpu.memory_space<vmem>>, vector<16xi32>,
      tpu.vector_store %arg11[%swap3A_169, %swap3A_170], %add3A_167 {strides = array<i32>} : memref<8x50xi32, #tpu.memory_space<vmem>>, vector<16xi32>,
      %add3A_172 = arith.constant 7 : i32
      %add3A_173 = vector.broadcast %add3A_172 : i32 to vector<16xi32>
      %add3A_174 = arith.addi %mul3A_122, %add3A_173 : vector<16xi32>
      %swap3A_175 = arith.constant 7 : i32
      %swap3A_176 = arith.index_cast %swap3A_175 : i32 to index
      %swap3A_177 = arith.constant 16 : index
      %swap3A_178 = tpu.vector_load %arg11[%swap3A_176, %swap3A_177] {strides = array<i32>} : memref<8x50xi32, #tpu.memory_space<vmem>>, vector<16xi32>,
      tpu.vector_store %arg11[%swap3A_176, %swap3A_177], %add3A_174 {strides = array<i32>} : memref<8x50xi32, #tpu.memory_space<vmem>>, vector<16xi32>,
      %add3A_179 = arith.constant 32 : i32
      %add3A_180 = arith.addi %mul3A_33, %add3A_179 : i32
      %get3A_181 = arith.index_cast %add3A_180 : i32 to index
      %get3A_182 = tpu.vector_load %arg9[%get3A_181] {strides = array<i32>} : memref<1600xi32, #tpu.memory_space<vmem>>, vector<16xi32>,
      %add3A_183 = arith.constant 32 : i32
      %add3A_184 = arith.addi %mul3A_33, %add3A_183 : i32
      %get3A_185 = arith.index_cast %add3A_184 : i32 to index
      %get3A_186 = tpu.vector_load %arg10[%get3A_185] {strides = array<i32>} : memref<1600xi32, #tpu.memory_space<vmem>>, vector<16xi32>,
      %mul3A_187 = arith.constant 1000 : i32
      %mul3A_188 = vector.broadcast %mul3A_187 : i32 to vector<16xi32>
      %mul3A_189 = arith.muli %get3A_182, %mul3A_188 : vector<16xi32>
      %add3A_190 = arith.addi %mul3A_189, %get3A_186 : vector<16xi32>
      %swap3A_191 = arith.constant 32 : index
      %swap3A_192 = tpu.vector_load %arg13[%swap3A_191] {strides = array<i32>} : memref<50xi32, #tpu.memory_space<vmem>>, vector<16xi32>,
      tpu.vector_store %arg13[%swap3A_191], %add3A_190 {strides = array<i32>} : memref<50xi32, #tpu.memory_space<vmem>>, vector<16xi32>,
      %mul3A_193 = arith.constant 8 : i32
      %mul3A_194 = vector.broadcast %mul3A_193 : i32 to vector<16xi32>
      %mul3A_195 = arith.muli %get3A_182, %mul3A_194 : vector<16xi32>
      %add3A_196 = arith.constant 0 : i32
      %add3A_197 = vector.broadcast %add3A_196 : i32 to vector<16xi32>
      %add3A_198 = arith.addi %mul3A_195, %add3A_197 : vector<16xi32>
      %swap3A_199 = arith.constant 0 : i32
      %swap3A_200 = arith.index_cast %swap3A_199 : i32 to index
      %swap3A_201 = arith.constant 32 : index
      %swap3A_202 = tpu.vector_load %arg11[%swap3A_200, %swap3A_201] {strides = array<i32>} : memref<8x50xi32, #tpu.memory_space<vmem>>, vector<16xi32>,
      tpu.vector_store %arg11[%swap3A_200, %swap3A_201], %add3A_198 {strides = array<i32>} : memref<8x50xi32, #tpu.memory_space<vmem>>, vector<16xi32>,
      %add3A_203 = arith.constant 1 : i32
      %add3A_204 = vector.broadcast %add3A_203 : i32 to vector<16xi32>
      %add3A_205 = arith.addi %mul3A_195, %add3A_204 : vector<16xi32>
      %swap3A_206 = arith.constant 1 : i32
      %swap3A_207 = arith.index_cast %swap3A_206 : i32 to index
      %swap3A_208 = arith.constant 32 : index
      %swap3A_209 = tpu.vector_load %arg11[%swap3A_207, %swap3A_208] {strides = array<i32>} : memref<8x50xi32, #tpu.memory_space<vmem>>, vector<16xi32>,
      tpu.vector_store %arg11[%swap3A_207, %swap3A_208], %add3A_205 {strides = array<i32>} : memref<8x50xi32, #tpu.memory_space<vmem>>, vector<16xi32>,
      %add3A_210 = arith.constant 2 : i32
      %add3A_211 = vector.broadcast %add3A_210 : i32 to vector<16xi32>
      %add3A_212 = arith.addi %mul3A_195, %add3A_211 : vector<16xi32>
      %swap3A_213 = arith.constant 2 : i32
      %swap3A_214 = arith.index_cast %swap3A_213 : i32 to index
      %swap3A_215 = arith.constant 32 : index
      %swap3A_216 = tpu.vector_load %arg11[%swap3A_214, %swap3A_215] {strides = array<i32>} : memref<8x50xi32, #tpu.memory_space<vmem>>, vector<16xi32>,
      tpu.vector_store %arg11[%swap3A_214, %swap3A_215], %add3A_212 {strides = array<i32>} : memref<8x50xi32, #tpu.memory_space<vmem>>, vector<16xi32>,
      %add3A_217 = arith.constant 3 : i32
      %add3A_218 = vector.broadcast %add3A_217 : i32 to vector<16xi32>
      %add3A_219 = arith.addi %mul3A_195, %add3A_218 : vector<16xi32>
      %swap3A_220 = arith.constant 3 : i32
      %swap3A_221 = arith.index_cast %swap3A_220 : i32 to index
      %swap3A_222 = arith.constant 32 : index
      %swap3A_223 = tpu.vector_load %arg11[%swap3A_221, %swap3A_222] {strides = array<i32>} : memref<8x50xi32, #tpu.memory_space<vmem>>, vector<16xi32>,
      tpu.vector_store %arg11[%swap3A_221, %swap3A_222], %add3A_219 {strides = array<i32>} : memref<8x50xi32, #tpu.memory_space<vmem>>, vector<16xi32>,
      %add3A_224 = arith.constant 4 : i32
      %add3A_225 = vector.broadcast %add3A_224 : i32 to vector<16xi32>
      %add3A_226 = arith.addi %mul3A_195, %add3A_225 : vector<16xi32>
      %swap3A_227 = arith.constant 4 : i32
      %swap3A_228 = arith.index_cast %swap3A_227 : i32 to index
      %swap3A_229 = arith.constant 32 : index
      %swap3A_230 = tpu.vector_load %arg11[%swap3A_228, %swap3A_229] {strides = array<i32>} : memref<8x50xi32, #tpu.memory_space<vmem>>, vector<16xi32>,
      tpu.vector_store %arg11[%swap3A_228, %swap3A_229], %add3A_226 {strides = array<i32>} : memref<8x50xi32, #tpu.memory_space<vmem>>, vector<16xi32>,
      %add3A_231 = arith.constant 5 : i32
      %add3A_232 = vector.broadcast %add3A_231 : i32 to vector<16xi32>
      %add3A_233 = arith.addi %mul3A_195, %add3A_232 : vector<16xi32>
      %swap3A_234 = arith.constant 5 : i32
      %swap3A_235 = arith.index_cast %swap3A_234 : i32 to index
      %swap3A_236 = arith.constant 32 : index
      %swap3A_237 = tpu.vector_load %arg11[%swap3A_235, %swap3A_236] {strides = array<i32>} : memref<8x50xi32, #tpu.memory_space<vmem>>, vector<16xi32>,
      tpu.vector_store %arg11[%swap3A_235, %swap3A_236], %add3A_233 {strides = array<i32>} : memref<8x50xi32, #tpu.memory_space<vmem>>, vector<16xi32>,
      %add3A_238 = arith.constant 6 : i32
      %add3A_239 = vector.broadcast %add3A_238 : i32 to vector<16xi32>
      %add3A_240 = arith.addi %mul3A_195, %add3A_239 : vector<16xi32>
      %swap3A_241 = arith.constant 6 : i32
      %swap3A_242 = arith.index_cast %swap3A_241 : i32 to index
      %swap3A_243 = arith.constant 32 : index
      %swap3A_244 = tpu.vector_load %arg11[%swap3A_242, %swap3A_243] {strides = array<i32>} : memref<8x50xi32, #tpu.memory_space<vmem>>, vector<16xi32>,
      tpu.vector_store %arg11[%swap3A_242, %swap3A_243], %add3A_240 {strides = array<i32>} : memref<8x50xi32, #tpu.memory_space<vmem>>, vector<16xi32>,
      %add3A_245 = arith.constant 7 : i32
      %add3A_246 = vector.broadcast %add3A_245 : i32 to vector<16xi32>
      %add3A_247 = arith.addi %mul3A_195, %add3A_246 : vector<16xi32>
      %swap3A_248 = arith.constant 7 : i32
      %swap3A_249 = arith.index_cast %swap3A_248 : i32 to index
      %swap3A_250 = arith.constant 32 : index
      %swap3A_251 = tpu.vector_load %arg11[%swap3A_249, %swap3A_250] {strides = array<i32>} : memref<8x50xi32, #tpu.memory_space<vmem>>, vector<16xi32>,
      tpu.vector_store %arg11[%swap3A_249, %swap3A_250], %add3A_247 {strides = array<i32>} : memref<8x50xi32, #tpu.memory_space<vmem>>, vector<16xi32>,
      %add3A_252 = arith.constant 34 : i32
      %add3A_253 = arith.addi %mul3A_33, %add3A_252 : i32
      %get3A_254 = arith.index_cast %add3A_253 : i32 to index
      %get3A_255 = tpu.vector_load %arg9[%get3A_254] {strides = array<i32>} : memref<1600xi32, #tpu.memory_space<vmem>>, vector<16xi32>,
      %add3A_256 = arith.constant 34 : i32
      %add3A_257 = arith.addi %mul3A_33, %add3A_256 : i32
      %get3A_258 = arith.index_cast %add3A_257 : i32 to index
      %get3A_259 = tpu.vector_load %arg10[%get3A_258] {strides = array<i32>} : memref<1600xi32, #tpu.memory_space<vmem>>, vector<16xi32>,
      %mul3A_260 = arith.constant 1000 : i32
      %mul3A_261 = vector.broadcast %mul3A_260 : i32 to vector<16xi32>
      %mul3A_262 = arith.muli %get3A_255, %mul3A_261 : vector<16xi32>
      %add3A_263 = arith.addi %mul3A_262, %get3A_259 : vector<16xi32>
      %swap3A_264 = arith.constant 34 : index
      %swap3A_265 = tpu.vector_load %arg13[%swap3A_264] {strides = array<i32>} : memref<50xi32, #tpu.memory_space<vmem>>, vector<16xi32>,
      tpu.vector_store %arg13[%swap3A_264], %add3A_263 {strides = array<i32>} : memref<50xi32, #tpu.memory_space<vmem>>, vector<16xi32>,
      %mul3A_266 = arith.constant 8 : i32
      %mul3A_267 = vector.broadcast %mul3A_266 : i32 to vector<16xi32>
      %mul3A_268 = arith.muli %get3A_255, %mul3A_267 : vector<16xi32>
      %add3A_269 = arith.constant 0 : i32
      %add3A_270 = vector.broadcast %add3A_269 : i32 to vector<16xi32>
      %add3A_271 = arith.addi %mul3A_268, %add3A_270 : vector<16xi32>
      %swap3A_272 = arith.constant 0 : i32
      %swap3A_273 = arith.index_cast %swap3A_272 : i32 to index
      %swap3A_274 = arith.constant 34 : index
      %swap3A_275 = tpu.vector_load %arg11[%swap3A_273, %swap3A_274] {strides = array<i32>} : memref<8x50xi32, #tpu.memory_space<vmem>>, vector<16xi32>,
      tpu.vector_store %arg11[%swap3A_273, %swap3A_274], %add3A_271 {strides = array<i32>} : memref<8x50xi32, #tpu.memory_space<vmem>>, vector<16xi32>,
      %add3A_276 = arith.constant 1 : i32
      %add3A_277 = vector.broadcast %add3A_276 : i32 to vector<16xi32>
      %add3A_278 = arith.addi %mul3A_268, %add3A_277 : vector<16xi32>
      %swap3A_279 = arith.constant 1 : i32
      %swap3A_280 = arith.index_cast %swap3A_279 : i32 to index
      %swap3A_281 = arith.constant 34 : index
      %swap3A_282 = tpu.vector_load %arg11[%swap3A_280, %swap3A_281] {strides = array<i32>} : memref<8x50xi32, #tpu.memory_space<vmem>>, vector<16xi32>,
      tpu.vector_store %arg11[%swap3A_280, %swap3A_281], %add3A_278 {strides = array<i32>} : memref<8x50xi32, #tpu.memory_space<vmem>>, vector<16xi32>,
      %add3A_283 = arith.constant 2 : i32
      %add3A_284 = vector.broadcast %add3A_283 : i32 to vector<16xi32>
      %add3A_285 = arith.addi %mul3A_268, %add3A_284 : vector<16xi32>
      %swap3A_286 = arith.constant 2 : i32
      %swap3A_287 = arith.index_cast %swap3A_286 : i32 to index
      %swap3A_288 = arith.constant 34 : index
      %swap3A_289 = tpu.vector_load %arg11[%swap3A_287, %swap3A_288] {strides = array<i32>} : memref<8x50xi32, #tpu.memory_space<vmem>>, vector<16xi32>,
      tpu.vector_store %arg11[%swap3A_287, %swap3A_288], %add3A_285 {strides = array<i32>} : memref<8x50xi32, #tpu.memory_space<vmem>>, vector<16xi32>,
      %add3A_290 = arith.constant 3 : i32
      %add3A_291 = vector.broadcast %add3A_290 : i32 to vector<16xi32>
      %add3A_292 = arith.addi %mul3A_268, %add3A_291 : vector<16xi32>
      %swap3A_293 = arith.constant 3 : i32
      %swap3A_294 = arith.index_cast %swap3A_293 : i32 to index
      %swap3A_295 = arith.constant 34 : index
      %swap3A_296 = tpu.vector_load %arg11[%swap3A_294, %swap3A_295] {strides = array<i32>} : memref<8x50xi32, #tpu.memory_space<vmem>>, vector<16xi32>,
      tpu.vector_store %arg11[%swap3A_294, %swap3A_295], %add3A_292 {strides = array<i32>} : memref<8x50xi32, #tpu.memory_space<vmem>>, vector<16xi32>,
      %add3A_297 = arith.constant 4 : i32
      %add3A_298 = vector.broadcast %add3A_297 : i32 to vector<16xi32>
      %add3A_299 = arith.addi %mul3A_268, %add3A_298 : vector<16xi32>
      %swap3A_300 = arith.constant 4 : i32
      %swap3A_301 = arith.index_cast %swap3A_300 : i32 to index
      %swap3A_302 = arith.constant 34 : index
      %swap3A_303 = tpu.vector_load %arg11[%swap3A_301, %swap3A_302] {strides = array<i32>} : memref<8x50xi32, #tpu.memory_space<vmem>>, vector<16xi32>,
      tpu.vector_store %arg11[%swap3A_301, %swap3A_302], %add3A_299 {strides = array<i32>} : memref<8x50xi32, #tpu.memory_space<vmem>>, vector<16xi32>,
      %add3A_304 = arith.constant 5 : i32
      %add3A_305 = vector.broadcast %add3A_304 : i32 to vector<16xi32>
      %add3A_306 = arith.addi %mul3A_268, %add3A_305 : vector<16xi32>
      %swap3A_307 = arith.constant 5 : i32
      %swap3A_308 = arith.index_cast %swap3A_307 : i32 to index
      %swap3A_309 = arith.constant 34 : index
      %swap3A_310 = tpu.vector_load %arg11[%swap3A_308, %swap3A_309] {strides = array<i32>} : memref<8x50xi32, #tpu.memory_space<vmem>>, vector<16xi32>,
      tpu.vector_store %arg11[%swap3A_308, %swap3A_309], %add3A_306 {strides = array<i32>} : memref<8x50xi32, #tpu.memory_space<vmem>>, vector<16xi32>,
      %add3A_311 = arith.constant 6 : i32
      %add3A_312 = vector.broadcast %add3A_311 : i32 to vector<16xi32>
      %add3A_313 = arith.addi %mul3A_268, %add3A_312 : vector<16xi32>
      %swap3A_314 = arith.constant 6 : i32
      %swap3A_315 = arith.index_cast %swap3A_314 : i32 to index
      %swap3A_316 = arith.constant 34 : index
      %swap3A_317 = tpu.vector_load %arg11[%swap3A_315, %swap3A_316] {strides = array<i32>} : memref<8x50xi32, #tpu.memory_space<vmem>>, vector<16xi32>,
      tpu.vector_store %arg11[%swap3A_315, %swap3A_316], %add3A_313 {strides = array<i32>} : memref<8x50xi32, #tpu.memory_space<vmem>>, vector<16xi32>,
      %add3A_318 = arith.constant 7 : i32
      %add3A_319 = vector.broadcast %add3A_318 : i32 to vector<16xi32>
      %add3A_320 = arith.addi %mul3A_268, %add3A_319 : vector<16xi32>
      %swap3A_321 = arith.constant 7 : i32
      %swap3A_322 = arith.index_cast %swap3A_321 : i32 to index
      %swap3A_323 = arith.constant 34 : index
      %swap3A_324 = tpu.vector_load %arg11[%swap3A_322, %swap3A_323] {strides = array<i32>} : memref<8x50xi32, #tpu.memory_space<vmem>>, vector<16xi32>,
      tpu.vector_store %arg11[%swap3A_322, %swap3A_323], %add3A_320 {strides = array<i32>} : memref<8x50xi32, #tpu.memory_space<vmem>>, vector<16xi32>,
      %dma_start3A = arith.constant 0 : i32
      %dma_start3A_325 = arith.constant 0 : i32
      %dma_start3A_326 = arith.constant 0 : i32
      %dma_start3A_327 = tpu.memref_slice %arg18[%dma_start3A_325, %dma_start3A_326] : memref<50x1000xf32, #tpu.memory_space<vmem>> -> memref<50x128xf32, #tpu.memory_space<vmem>>
      %dma_start3A_328 = arith.constant 0 : i32
      %dma_start3A_329 = tpu.memref_slice %arg11[%dma_start3A, %dma_start3A_328] : memref<8x50xi32, #tpu.memory_space<vmem>> -> memref<1x50xi32, #tpu.memory_space<vmem>>
      %dma_start3A_330 = tpu.memref_squeeze %dma_start3A_329 : memref<1x50xi32, #tpu.memory_space<vmem>> -> memref<50xi32, #tpu.memory_space<vmem>>
      %dma_start3A_331 = arith.constant 0 : i32
      %dma_start3A_332 = arith.constant 0 : i32
      %dma_start3A_333 = tpu.memref_slice %arg4[%dma_start3A_331, %dma_start3A_332] : memref<8000x128xf32, #tpu.memory_space<hbm>> -> memref<8000x128xf32, #tpu.memory_space<hbm>>
      tpu.enqueue_indirect_dma source(%dma_start3A_333 : memref<8000x128xf32, #tpu.memory_space<hbm>>) target(%dma_start3A_327 : memref<50x128xf32, #tpu.memory_space<vmem>>) offsets(%dma_start3A_330 : memref<50xi32, #tpu.memory_space<vmem>>) semaphore(%arg22 : memref<!tpu.dma_semaphore, #tpu.memory_space<semaphore_mem>>)
      %dma_start3A_334 = arith.constant 1 : i32
      %dma_start3A_335 = arith.constant 0 : i32
      %dma_start3A_336 = arith.constant 128 : i32
      %dma_start3A_337 = tpu.memref_slice %arg18[%dma_start3A_335, %dma_start3A_336] : memref<50x1000xf32, #tpu.memory_space<vmem>> -> memref<50x128xf32, #tpu.memory_space<vmem>>
      %dma_start3A_338 = arith.constant 0 : i32
      %dma_start3A_339 = tpu.memref_slice %arg11[%dma_start3A_334, %dma_start3A_338] : memref<8x50xi32, #tpu.memory_space<vmem>> -> memref<1x50xi32, #tpu.memory_space<vmem>>
      %dma_start3A_340 = tpu.memref_squeeze %dma_start3A_339 : memref<1x50xi32, #tpu.memory_space<vmem>> -> memref<50xi32, #tpu.memory_space<vmem>>
      %dma_start3A_341 = arith.constant 0 : i32
      %dma_start3A_342 = arith.constant 0 : i32
      %dma_start3A_343 = tpu.memref_slice %arg4[%dma_start3A_341, %dma_start3A_342] : memref<8000x128xf32, #tpu.memory_space<hbm>> -> memref<8000x128xf32, #tpu.memory_space<hbm>>
      tpu.enqueue_indirect_dma source(%dma_start3A_343 : memref<8000x128xf32, #tpu.memory_space<hbm>>) target(%dma_start3A_337 : memref<50x128xf32, #tpu.memory_space<vmem>>) offsets(%dma_start3A_340 : memref<50xi32, #tpu.memory_space<vmem>>) semaphore(%arg22 : memref<!tpu.dma_semaphore, #tpu.memory_space<semaphore_mem>>)
      %dma_start3A_344 = arith.constant 2 : i32
      %dma_start3A_345 = arith.constant 0 : i32
      %dma_start3A_346 = arith.constant 256 : i32
      %dma_start3A_347 = tpu.memref_slice %arg18[%dma_start3A_345, %dma_start3A_346] : memref<50x1000xf32, #tpu.memory_space<vmem>> -> memref<50x128xf32, #tpu.memory_space<vmem>>
      %dma_start3A_348 = arith.constant 0 : i32
      %dma_start3A_349 = tpu.memref_slice %arg11[%dma_start3A_344, %dma_start3A_348] : memref<8x50xi32, #tpu.memory_space<vmem>> -> memref<1x50xi32, #tpu.memory_space<vmem>>
      %dma_start3A_350 = tpu.memref_squeeze %dma_start3A_349 : memref<1x50xi32, #tpu.memory_space<vmem>> -> memref<50xi32, #tpu.memory_space<vmem>>
      %dma_start3A_351 = arith.constant 0 : i32
      %dma_start3A_352 = arith.constant 0 : i32
      %dma_start3A_353 = tpu.memref_slice %arg4[%dma_start3A_351, %dma_start3A_352] : memref<8000x128xf32, #tpu.memory_space<hbm>> -> memref<8000x128xf32, #tpu.memory_space<hbm>>
      tpu.enqueue_indirect_dma source(%dma_start3A_353 : memref<8000x128xf32, #tpu.memory_space<hbm>>) target(%dma_start3A_347 : memref<50x128xf32, #tpu.memory_space<vmem>>) offsets(%dma_start3A_350 : memref<50xi32, #tpu.memory_space<vmem>>) semaphore(%arg22 : memref<!tpu.dma_semaphore, #tpu.memory_space<semaphore_mem>>)
      %dma_start3A_354 = arith.constant 3 : i32
      %dma_start3A_355 = arith.constant 0 : i32
      %dma_start3A_356 = arith.constant 384 : i32
      %dma_start3A_357 = tpu.memref_slice %arg18[%dma_start3A_355, %dma_start3A_356] : memref<50x1000xf32, #tpu.memory_space<vmem>> -> memref<50x128xf32, #tpu.memory_space<vmem>>
      %dma_start3A_358 = arith.constant 0 : i32
      %dma_start3A_359 = tpu.memref_slice %arg11[%dma_start3A_354, %dma_start3A_358] : memref<8x50xi32, #tpu.memory_space<vmem>> -> memref<1x50xi32, #tpu.memory_space<vmem>>
      %dma_start3A_360 = tpu.memref_squeeze %dma_start3A_359 : memref<1x50xi32, #tpu.memory_space<vmem>> -> memref<50xi32, #tpu.memory_space<vmem>>
      %dma_start3A_361 = arith.constant 0 : i32
      %dma_start3A_362 = arith.constant 0 : i32
      %dma_start3A_363 = tpu.memref_slice %arg4[%dma_start3A_361, %dma_start3A_362] : memref<8000x128xf32, #tpu.memory_space<hbm>> -> memref<8000x128xf32, #tpu.memory_space<hbm>>
      tpu.enqueue_indirect_dma source(%dma_start3A_363 : memref<8000x128xf32, #tpu.memory_space<hbm>>) target(%dma_start3A_357 : memref<50x128xf32, #tpu.memory_space<vmem>>) offsets(%dma_start3A_360 : memref<50xi32, #tpu.memory_space<vmem>>) semaphore(%arg22 : memref<!tpu.dma_semaphore, #tpu.memory_space<semaphore_mem>>)
      %dma_start3A_364 = arith.constant 4 : i32
      %dma_start3A_365 = arith.constant 0 : i32
      %dma_start3A_366 = arith.constant 512 : i32
      %dma_start3A_367 = tpu.memref_slice %arg18[%dma_start3A_365, %dma_start3A_366] : memref<50x1000xf32, #tpu.memory_space<vmem>> -> memref<50x128xf32, #tpu.memory_space<vmem>>
      %dma_start3A_368 = arith.constant 0 : i32
      %dma_start3A_369 = tpu.memref_slice %arg11[%dma_start3A_364, %dma_start3A_368] : memref<8x50xi32, #tpu.memory_space<vmem>> -> memref<1x50xi32, #tpu.memory_space<vmem>>
      %dma_start3A_370 = tpu.memref_squeeze %dma_start3A_369 : memref<1x50xi32, #tpu.memory_space<vmem>> -> memref<50xi32, #tpu.memory_space<vmem>>
      %dma_start3A_371 = arith.constant 0 : i32
      %dma_start3A_372 = arith.constant 0 : i32
      %dma_start3A_373 = tpu.memref_slice %arg4[%dma_start3A_371, %dma_start3A_372] : memref<8000x128xf32, #tpu.memory_space<hbm>> -> memref<8000x128xf32, #tpu.memory_space<hbm>>
      tpu.enqueue_indirect_dma source(%dma_start3A_373 : memref<8000x128xf32, #tpu.memory_space<hbm>>) target(%dma_start3A_367 : memref<50x128xf32, #tpu.memory_space<vmem>>) offsets(%dma_start3A_370 : memref<50xi32, #tpu.memory_space<vmem>>) semaphore(%arg22 : memref<!tpu.dma_semaphore, #tpu.memory_space<semaphore_mem>>)
      %dma_start3A_374 = arith.constant 5 : i32
      %dma_start3A_375 = arith.constant 0 : i32
      %dma_start3A_376 = arith.constant 640 : i32
      %dma_start3A_377 = tpu.memref_slice %arg18[%dma_start3A_375, %dma_start3A_376] : memref<50x1000xf32, #tpu.memory_space<vmem>> -> memref<50x128xf32, #tpu.memory_space<vmem>>
      %dma_start3A_378 = arith.constant 0 : i32
      %dma_start3A_379 = tpu.memref_slice %arg11[%dma_start3A_374, %dma_start3A_378] : memref<8x50xi32, #tpu.memory_space<vmem>> -> memref<1x50xi32, #tpu.memory_space<vmem>>
      %dma_start3A_380 = tpu.memref_squeeze %dma_start3A_379 : memref<1x50xi32, #tpu.memory_space<vmem>> -> memref<50xi32, #tpu.memory_space<vmem>>
      %dma_start3A_381 = arith.constant 0 : i32
      %dma_start3A_382 = arith.constant 0 : i32
      %dma_start3A_383 = tpu.memref_slice %arg4[%dma_start3A_381, %dma_start3A_382] : memref<8000x128xf32, #tpu.memory_space<hbm>> -> memref<8000x128xf32, #tpu.memory_space<hbm>>
      tpu.enqueue_indirect_dma source(%dma_start3A_383 : memref<8000x128xf32, #tpu.memory_space<hbm>>) target(%dma_start3A_377 : memref<50x128xf32, #tpu.memory_space<vmem>>) offsets(%dma_start3A_380 : memref<50xi32, #tpu.memory_space<vmem>>) semaphore(%arg22 : memref<!tpu.dma_semaphore, #tpu.memory_space<semaphore_mem>>)
      %dma_start3A_384 = arith.constant 6 : i32
      %dma_start3A_385 = arith.constant 0 : i32
      %dma_start3A_386 = arith.constant 768 : i32
      %dma_start3A_387 = tpu.memref_slice %arg18[%dma_start3A_385, %dma_start3A_386] : memref<50x1000xf32, #tpu.memory_space<vmem>> -> memref<50x128xf32, #tpu.memory_space<vmem>>
      %dma_start3A_388 = arith.constant 0 : i32
      %dma_start3A_389 = tpu.memref_slice %arg11[%dma_start3A_384, %dma_start3A_388] : memref<8x50xi32, #tpu.memory_space<vmem>> -> memref<1x50xi32, #tpu.memory_space<vmem>>
      %dma_start3A_390 = tpu.memref_squeeze %dma_start3A_389 : memref<1x50xi32, #tpu.memory_space<vmem>> -> memref<50xi32, #tpu.memory_space<vmem>>
      %dma_start3A_391 = arith.constant 0 : i32
      %dma_start3A_392 = arith.constant 0 : i32
      %dma_start3A_393 = tpu.memref_slice %arg4[%dma_start3A_391, %dma_start3A_392] : memref<8000x128xf32, #tpu.memory_space<hbm>> -> memref<8000x128xf32, #tpu.memory_space<hbm>>
      tpu.enqueue_indirect_dma source(%dma_start3A_393 : memref<8000x128xf32, #tpu.memory_space<hbm>>) target(%dma_start3A_387 : memref<50x128xf32, #tpu.memory_space<vmem>>) offsets(%dma_start3A_390 : memref<50xi32, #tpu.memory_space<vmem>>) semaphore(%arg22 : memref<!tpu.dma_semaphore, #tpu.memory_space<semaphore_mem>>)
      %dma_start3A_394 = arith.constant 0 : i32
      %dma_start3A_395 = tpu.memref_slice %arg5[%dma_start3A_394] : memref<1000000xf32, #tpu.memory_space<hbm>> -> memref<1000000xf32, #tpu.memory_space<hbm>>
      tpu.enqueue_indirect_dma source(%dma_start3A_395 : memref<1000000xf32, #tpu.memory_space<hbm>>) target(%arg15 : memref<50xf32, #tpu.memory_space<vmem>>) offsets(%arg13 : memref<50xi32, #tpu.memory_space<vmem>>) semaphore(%arg22 : memref<!tpu.dma_semaphore, #tpu.memory_space<semaphore_mem>>)
      %dma_start3A_396 = arith.constant 7 : i32
      %dma_start3A_397 = arith.constant 0 : i32
      %dma_start3A_398 = tpu.memref_slice %arg11[%dma_start3A_396, %dma_start3A_397] : memref<8x50xi32, #tpu.memory_space<vmem>> -> memref<1x50xi32, #tpu.memory_space<vmem>>
      %dma_start3A_399 = tpu.memref_squeeze %dma_start3A_398 : memref<1x50xi32, #tpu.memory_space<vmem>> -> memref<50xi32, #tpu.memory_space<vmem>>
      %dma_start3A_400 = arith.constant 0 : i32
      %dma_start3A_401 = arith.constant 0 : i32
      %dma_start3A_402 = tpu.memref_slice %arg4[%dma_start3A_400, %dma_start3A_401] : memref<8000x128xf32, #tpu.memory_space<hbm>> -> memref<8000x128xf32, #tpu.memory_space<hbm>>
      tpu.enqueue_indirect_dma source(%dma_start3A_402 : memref<8000x128xf32, #tpu.memory_space<hbm>>) target(%arg17 : memref<50x128xf32, #tpu.memory_space<vmem>>) offsets(%dma_start3A_399 : memref<50xi32, #tpu.memory_space<vmem>>) semaphore(%arg24 : memref<!tpu.dma_semaphore, #tpu.memory_space<semaphore_mem>>)
      %gt3A_403 = arith.constant 0 : i32
      %gt3A_404 = arith.cmpi sgt, %scan3A_27, %gt3A_403 : i32
      %convert_element_type3A_405 = arith.extui %gt3A_404 : i1 to i32
      %cond3A_406 = arith.constant 0 : i32
      %cond3A_407 = arith.cmpi ne, %convert_element_type3A_405, %cond3A_406 : i32
      scf.if %cond3A_407 {
        %dma_wait3A_1093 = arith.constant 0 : i32
        %dma_wait3A_1094 = arith.constant 0 : i32
        %dma_wait3A_1095 = tpu.memref_slice %arg7[%mul3A_4, %dma_wait3A_1093, %dma_wait3A_1094] : memref<1024x50x1000xf32, #tpu.memory_space<hbm>> -> memref<1x50x1000xf32, #tpu.memory_space<hbm>>
        %dma_wait3A_1096 = tpu.memref_squeeze %dma_wait3A_1095 : memref<1x50x1000xf32, #tpu.memory_space<hbm>> -> memref<50x1000xf32, #tpu.memory_space<hbm>>
        %dma_wait3A_1097 = arith.constant 0 : i32
        %dma_wait3A_1098 = arith.constant 0 : i32
        %dma_wait3A_1099 = tpu.memref_slice %arg7[%mul3A_4, %dma_wait3A_1097, %dma_wait3A_1098] : memref<1024x50x1000xf32, #tpu.memory_space<hbm>> -> memref<1x50x1000xf32, #tpu.memory_space<hbm>>
        %dma_wait3A_1100 = tpu.memref_squeeze %dma_wait3A_1099 : memref<1x50x1000xf32, #tpu.memory_space<hbm>> -> memref<50x1000xf32, #tpu.memory_space<hbm>>
        tpu.wait_dma2 semaphore(%arg26 : memref<!tpu.dma_semaphore, #tpu.memory_space<semaphore_mem>>) src(%arg19 : memref<50x1000xf32, #tpu.memory_space<vmem>>) dst(%dma_wait3A_1100 : memref<50x1000xf32, #tpu.memory_space<hbm>>)
      } else {
      }
      %add3A_408 = arith.constant 1 : i32
      %add3A_409 = arith.addi %mul3A_29, %add3A_408 : i32
      %mul3A_410 = arith.constant 50 : i32
      %mul3A_411 = arith.muli %add3A_409, %mul3A_410 : i32
      %add3A_412 = arith.constant 0 : i32
      %add3A_413 = arith.addi %mul3A_411, %add3A_412 : i32
      %get3A_414 = arith.index_cast %add3A_413 : i32 to index
      %get3A_415 = tpu.vector_load %arg9[%get3A_414] {strides = array<i32>} : memref<1600xi32, #tpu.memory_space<vmem>>, vector<16xi32>,
      %add3A_416 = arith.constant 0 : i32
      %add3A_417 = arith.addi %mul3A_411, %add3A_416 : i32
      %get3A_418 = arith.index_cast %add3A_417 : i32 to index
      %get3A_419 = tpu.vector_load %arg10[%get3A_418] {strides = array<i32>} : memref<1600xi32, #tpu.memory_space<vmem>>, vector<16xi32>,
      %mul3A_420 = arith.constant 1000 : i32
      %mul3A_421 = vector.broadcast %mul3A_420 : i32 to vector<16xi32>
      %mul3A_422 = arith.muli %get3A_415, %mul3A_421 : vector<16xi32>
      %add3A_423 = arith.addi %mul3A_422, %get3A_419 : vector<16xi32>
      %swap3A_424 = arith.constant 0 : index
      %swap3A_425 = tpu.vector_load %arg14[%swap3A_424] {strides = array<i32>} : memref<50xi32, #tpu.memory_space<vmem>>, vector<16xi32>,
      tpu.vector_store %arg14[%swap3A_424], %add3A_423 {strides = array<i32>} : memref<50xi32, #tpu.memory_space<vmem>>, vector<16xi32>,
      %mul3A_426 = arith.constant 8 : i32
      %mul3A_427 = vector.broadcast %mul3A_426 : i32 to vector<16xi32>
      %mul3A_428 = arith.muli %get3A_415, %mul3A_427 : vector<16xi32>
      %add3A_429 = arith.constant 0 : i32
      %add3A_430 = vector.broadcast %add3A_429 : i32 to vector<16xi32>
      %add3A_431 = arith.addi %mul3A_428, %add3A_430 : vector<16xi32>
      %swap3A_432 = arith.constant 0 : i32
      %swap3A_433 = arith.index_cast %swap3A_432 : i32 to index
      %swap3A_434 = arith.constant 0 : index
      %swap3A_435 = tpu.vector_load %arg12[%swap3A_433, %swap3A_434] {strides = array<i32>} : memref<8x50xi32, #tpu.memory_space<vmem>>, vector<16xi32>,
      tpu.vector_store %arg12[%swap3A_433, %swap3A_434], %add3A_431 {strides = array<i32>} : memref<8x50xi32, #tpu.memory_space<vmem>>, vector<16xi32>,
      %add3A_436 = arith.constant 1 : i32
      %add3A_437 = vector.broadcast %add3A_436 : i32 to vector<16xi32>
      %add3A_438 = arith.addi %mul3A_428, %add3A_437 : vector<16xi32>
      %swap3A_439 = arith.constant 1 : i32
      %swap3A_440 = arith.index_cast %swap3A_439 : i32 to index
      %swap3A_441 = arith.constant 0 : index
      %swap3A_442 = tpu.vector_load %arg12[%swap3A_440, %swap3A_441] {strides = array<i32>} : memref<8x50xi32, #tpu.memory_space<vmem>>, vector<16xi32>,
      tpu.vector_store %arg12[%swap3A_440, %swap3A_441], %add3A_438 {strides = array<i32>} : memref<8x50xi32, #tpu.memory_space<vmem>>, vector<16xi32>,
      %add3A_443 = arith.constant 2 : i32
      %add3A_444 = vector.broadcast %add3A_443 : i32 to vector<16xi32>
      %add3A_445 = arith.addi %mul3A_428, %add3A_444 : vector<16xi32>
      %swap3A_446 = arith.constant 2 : i32
      %swap3A_447 = arith.index_cast %swap3A_446 : i32 to index
      %swap3A_448 = arith.constant 0 : index
      %swap3A_449 = tpu.vector_load %arg12[%swap3A_447, %swap3A_448] {strides = array<i32>} : memref<8x50xi32, #tpu.memory_space<vmem>>, vector<16xi32>,
      tpu.vector_store %arg12[%swap3A_447, %swap3A_448], %add3A_445 {strides = array<i32>} : memref<8x50xi32, #tpu.memory_space<vmem>>, vector<16xi32>,
      %add3A_450 = arith.constant 3 : i32
      %add3A_451 = vector.broadcast %add3A_450 : i32 to vector<16xi32>
      %add3A_452 = arith.addi %mul3A_428, %add3A_451 : vector<16xi32>
      %swap3A_453 = arith.constant 3 : i32
      %swap3A_454 = arith.index_cast %swap3A_453 : i32 to index
      %swap3A_455 = arith.constant 0 : index
      %swap3A_456 = tpu.vector_load %arg12[%swap3A_454, %swap3A_455] {strides = array<i32>} : memref<8x50xi32, #tpu.memory_space<vmem>>, vector<16xi32>,
      tpu.vector_store %arg12[%swap3A_454, %swap3A_455], %add3A_452 {strides = array<i32>} : memref<8x50xi32, #tpu.memory_space<vmem>>, vector<16xi32>,
      %add3A_457 = arith.constant 4 : i32
      %add3A_458 = vector.broadcast %add3A_457 : i32 to vector<16xi32>
      %add3A_459 = arith.addi %mul3A_428, %add3A_458 : vector<16xi32>
      %swap3A_460 = arith.constant 4 : i32
      %swap3A_461 = arith.index_cast %swap3A_460 : i32 to index
      %swap3A_462 = arith.constant 0 : index
      %swap3A_463 = tpu.vector_load %arg12[%swap3A_461, %swap3A_462] {strides = array<i32>} : memref<8x50xi32, #tpu.memory_space<vmem>>, vector<16xi32>,
      tpu.vector_store %arg12[%swap3A_461, %swap3A_462], %add3A_459 {strides = array<i32>} : memref<8x50xi32, #tpu.memory_space<vmem>>, vector<16xi32>,
      %add3A_464 = arith.constant 5 : i32
      %add3A_465 = vector.broadcast %add3A_464 : i32 to vector<16xi32>
      %add3A_466 = arith.addi %mul3A_428, %add3A_465 : vector<16xi32>
      %swap3A_467 = arith.constant 5 : i32
      %swap3A_468 = arith.index_cast %swap3A_467 : i32 to index
      %swap3A_469 = arith.constant 0 : index
      %swap3A_470 = tpu.vector_load %arg12[%swap3A_468, %swap3A_469] {strides = array<i32>} : memref<8x50xi32, #tpu.memory_space<vmem>>, vector<16xi32>,
      tpu.vector_store %arg12[%swap3A_468, %swap3A_469], %add3A_466 {strides = array<i32>} : memref<8x50xi32, #tpu.memory_space<vmem>>, vector<16xi32>,
      %add3A_471 = arith.constant 6 : i32
      %add3A_472 = vector.broadcast %add3A_471 : i32 to vector<16xi32>
      %add3A_473 = arith.addi %mul3A_428, %add3A_472 : vector<16xi32>
      %swap3A_474 = arith.constant 6 : i32
      %swap3A_475 = arith.index_cast %swap3A_474 : i32 to index
      %swap3A_476 = arith.constant 0 : index
      %swap3A_477 = tpu.vector_load %arg12[%swap3A_475, %swap3A_476] {strides = array<i32>} : memref<8x50xi32, #tpu.memory_space<vmem>>, vector<16xi32>,
      tpu.vector_store %arg12[%swap3A_475, %swap3A_476], %add3A_473 {strides = array<i32>} : memref<8x50xi32, #tpu.memory_space<vmem>>, vector<16xi32>,
      %add3A_478 = arith.constant 7 : i32
      %add3A_479 = vector.broadcast %add3A_478 : i32 to vector<16xi32>
      %add3A_480 = arith.addi %mul3A_428, %add3A_479 : vector<16xi32>
      %swap3A_481 = arith.constant 7 : i32
      %swap3A_482 = arith.index_cast %swap3A_481 : i32 to index
      %swap3A_483 = arith.constant 0 : index
      %swap3A_484 = tpu.vector_load %arg12[%swap3A_482, %swap3A_483] {strides = array<i32>} : memref<8x50xi32, #tpu.memory_space<vmem>>, vector<16xi32>,
      tpu.vector_store %arg12[%swap3A_482, %swap3A_483], %add3A_480 {strides = array<i32>} : memref<8x50xi32, #tpu.memory_space<vmem>>, vector<16xi32>,
      %add3A_485 = arith.constant 16 : i32
      %add3A_486 = arith.addi %mul3A_411, %add3A_485 : i32
      %get3A_487 = arith.index_cast %add3A_486 : i32 to index
      %get3A_488 = tpu.vector_load %arg9[%get3A_487] {strides = array<i32>} : memref<1600xi32, #tpu.memory_space<vmem>>, vector<16xi32>,
      %add3A_489 = arith.constant 16 : i32
      %add3A_490 = arith.addi %mul3A_411, %add3A_489 : i32
      %get3A_491 = arith.index_cast %add3A_490 : i32 to index
      %get3A_492 = tpu.vector_load %arg10[%get3A_491] {strides = array<i32>} : memref<1600xi32, #tpu.memory_space<vmem>>, vector<16xi32>,
      %mul3A_493 = arith.constant 1000 : i32
      %mul3A_494 = vector.broadcast %mul3A_493 : i32 to vector<16xi32>
      %mul3A_495 = arith.muli %get3A_488, %mul3A_494 : vector<16xi32>
      %add3A_496 = arith.addi %mul3A_495, %get3A_492 : vector<16xi32>
      %swap3A_497 = arith.constant 16 : index
      %swap3A_498 = tpu.vector_load %arg14[%swap3A_497] {strides = array<i32>} : memref<50xi32, #tpu.memory_space<vmem>>, vector<16xi32>,
      tpu.vector_store %arg14[%swap3A_497], %add3A_496 {strides = array<i32>} : memref<50xi32, #tpu.memory_space<vmem>>, vector<16xi32>,
      %mul3A_499 = arith.constant 8 : i32
      %mul3A_500 = vector.broadcast %mul3A_499 : i32 to vector<16xi32>
      %mul3A_501 = arith.muli %get3A_488, %mul3A_500 : vector<16xi32>
      %add3A_502 = arith.constant 0 : i32
      %add3A_503 = vector.broadcast %add3A_502 : i32 to vector<16xi32>
      %add3A_504 = arith.addi %mul3A_501, %add3A_503 : vector<16xi32>
      %swap3A_505 = arith.constant 0 : i32
      %swap3A_506 = arith.index_cast %swap3A_505 : i32 to index
      %swap3A_507 = arith.constant 16 : index
      %swap3A_508 = tpu.vector_load %arg12[%swap3A_506, %swap3A_507] {strides = array<i32>} : memref<8x50xi32, #tpu.memory_space<vmem>>, vector<16xi32>,
      tpu.vector_store %arg12[%swap3A_506, %swap3A_507], %add3A_504 {strides = array<i32>} : memref<8x50xi32, #tpu.memory_space<vmem>>, vector<16xi32>,
      %add3A_509 = arith.constant 1 : i32
      %add3A_510 = vector.broadcast %add3A_509 : i32 to vector<16xi32>
      %add3A_511 = arith.addi %mul3A_501, %add3A_510 : vector<16xi32>
      %swap3A_512 = arith.constant 1 : i32
      %swap3A_513 = arith.index_cast %swap3A_512 : i32 to index
      %swap3A_514 = arith.constant 16 : index
      %swap3A_515 = tpu.vector_load %arg12[%swap3A_513, %swap3A_514] {strides = array<i32>} : memref<8x50xi32, #tpu.memory_space<vmem>>, vector<16xi32>,
      tpu.vector_store %arg12[%swap3A_513, %swap3A_514], %add3A_511 {strides = array<i32>} : memref<8x50xi32, #tpu.memory_space<vmem>>, vector<16xi32>,
      %add3A_516 = arith.constant 2 : i32
      %add3A_517 = vector.broadcast %add3A_516 : i32 to vector<16xi32>
      %add3A_518 = arith.addi %mul3A_501, %add3A_517 : vector<16xi32>
      %swap3A_519 = arith.constant 2 : i32
      %swap3A_520 = arith.index_cast %swap3A_519 : i32 to index
      %swap3A_521 = arith.constant 16 : index
      %swap3A_522 = tpu.vector_load %arg12[%swap3A_520, %swap3A_521] {strides = array<i32>} : memref<8x50xi32, #tpu.memory_space<vmem>>, vector<16xi32>,
      tpu.vector_store %arg12[%swap3A_520, %swap3A_521], %add3A_518 {strides = array<i32>} : memref<8x50xi32, #tpu.memory_space<vmem>>, vector<16xi32>,
      %add3A_523 = arith.constant 3 : i32
      %add3A_524 = vector.broadcast %add3A_523 : i32 to vector<16xi32>
      %add3A_525 = arith.addi %mul3A_501, %add3A_524 : vector<16xi32>
      %swap3A_526 = arith.constant 3 : i32
      %swap3A_527 = arith.index_cast %swap3A_526 : i32 to index
      %swap3A_528 = arith.constant 16 : index
      %swap3A_529 = tpu.vector_load %arg12[%swap3A_527, %swap3A_528] {strides = array<i32>} : memref<8x50xi32, #tpu.memory_space<vmem>>, vector<16xi32>,
      tpu.vector_store %arg12[%swap3A_527, %swap3A_528], %add3A_525 {strides = array<i32>} : memref<8x50xi32, #tpu.memory_space<vmem>>, vector<16xi32>,
      %add3A_530 = arith.constant 4 : i32
      %add3A_531 = vector.broadcast %add3A_530 : i32 to vector<16xi32>
      %add3A_532 = arith.addi %mul3A_501, %add3A_531 : vector<16xi32>
      %swap3A_533 = arith.constant 4 : i32
      %swap3A_534 = arith.index_cast %swap3A_533 : i32 to index
      %swap3A_535 = arith.constant 16 : index
      %swap3A_536 = tpu.vector_load %arg12[%swap3A_534, %swap3A_535] {strides = array<i32>} : memref<8x50xi32, #tpu.memory_space<vmem>>, vector<16xi32>,
      tpu.vector_store %arg12[%swap3A_534, %swap3A_535], %add3A_532 {strides = array<i32>} : memref<8x50xi32, #tpu.memory_space<vmem>>, vector<16xi32>,
      %add3A_537 = arith.constant 5 : i32
      %add3A_538 = vector.broadcast %add3A_537 : i32 to vector<16xi32>
      %add3A_539 = arith.addi %mul3A_501, %add3A_538 : vector<16xi32>
      %swap3A_540 = arith.constant 5 : i32
      %swap3A_541 = arith.index_cast %swap3A_540 : i32 to index
      %swap3A_542 = arith.constant 16 : index
      %swap3A_543 = tpu.vector_load %arg12[%swap3A_541, %swap3A_542] {strides = array<i32>} : memref<8x50xi32, #tpu.memory_space<vmem>>, vector<16xi32>,
      tpu.vector_store %arg12[%swap3A_541, %swap3A_542], %add3A_539 {strides = array<i32>} : memref<8x50xi32, #tpu.memory_space<vmem>>, vector<16xi32>,
      %add3A_544 = arith.constant 6 : i32
      %add3A_545 = vector.broadcast %add3A_544 : i32 to vector<16xi32>
      %add3A_546 = arith.addi %mul3A_501, %add3A_545 : vector<16xi32>
      %swap3A_547 = arith.constant 6 : i32
      %swap3A_548 = arith.index_cast %swap3A_547 : i32 to index
      %swap3A_549 = arith.constant 16 : index
      %swap3A_550 = tpu.vector_load %arg12[%swap3A_548, %swap3A_549] {strides = array<i32>} : memref<8x50xi32, #tpu.memory_space<vmem>>, vector<16xi32>,
      tpu.vector_store %arg12[%swap3A_548, %swap3A_549], %add3A_546 {strides = array<i32>} : memref<8x50xi32, #tpu.memory_space<vmem>>, vector<16xi32>,
      %add3A_551 = arith.constant 7 : i32
      %add3A_552 = vector.broadcast %add3A_551 : i32 to vector<16xi32>
      %add3A_553 = arith.addi %mul3A_501, %add3A_552 : vector<16xi32>
      %swap3A_554 = arith.constant 7 : i32
      %swap3A_555 = arith.index_cast %swap3A_554 : i32 to index
      %swap3A_556 = arith.constant 16 : index
      %swap3A_557 = tpu.vector_load %arg12[%swap3A_555, %swap3A_556] {strides = array<i32>} : memref<8x50xi32, #tpu.memory_space<vmem>>, vector<16xi32>,
      tpu.vector_store %arg12[%swap3A_555, %swap3A_556], %add3A_553 {strides = array<i32>} : memref<8x50xi32, #tpu.memory_space<vmem>>, vector<16xi32>,
      %add3A_558 = arith.constant 32 : i32
      %add3A_559 = arith.addi %mul3A_411, %add3A_558 : i32
      %get3A_560 = arith.index_cast %add3A_559 : i32 to index
      %get3A_561 = tpu.vector_load %arg9[%get3A_560] {strides = array<i32>} : memref<1600xi32, #tpu.memory_space<vmem>>, vector<16xi32>,
      %add3A_562 = arith.constant 32 : i32
      %add3A_563 = arith.addi %mul3A_411, %add3A_562 : i32
      %get3A_564 = arith.index_cast %add3A_563 : i32 to index
      %get3A_565 = tpu.vector_load %arg10[%get3A_564] {strides = array<i32>} : memref<1600xi32, #tpu.memory_space<vmem>>, vector<16xi32>,
      %mul3A_566 = arith.constant 1000 : i32
      %mul3A_567 = vector.broadcast %mul3A_566 : i32 to vector<16xi32>
      %mul3A_568 = arith.muli %get3A_561, %mul3A_567 : vector<16xi32>
      %add3A_569 = arith.addi %mul3A_568, %get3A_565 : vector<16xi32>
      %swap3A_570 = arith.constant 32 : index
      %swap3A_571 = tpu.vector_load %arg14[%swap3A_570] {strides = array<i32>} : memref<50xi32, #tpu.memory_space<vmem>>, vector<16xi32>,
      tpu.vector_store %arg14[%swap3A_570], %add3A_569 {strides = array<i32>} : memref<50xi32, #tpu.memory_space<vmem>>, vector<16xi32>,
      %mul3A_572 = arith.constant 8 : i32
      %mul3A_573 = vector.broadcast %mul3A_572 : i32 to vector<16xi32>
      %mul3A_574 = arith.muli %get3A_561, %mul3A_573 : vector<16xi32>
      %add3A_575 = arith.constant 0 : i32
      %add3A_576 = vector.broadcast %add3A_575 : i32 to vector<16xi32>
      %add3A_577 = arith.addi %mul3A_574, %add3A_576 : vector<16xi32>
      %swap3A_578 = arith.constant 0 : i32
      %swap3A_579 = arith.index_cast %swap3A_578 : i32 to index
      %swap3A_580 = arith.constant 32 : index
      %swap3A_581 = tpu.vector_load %arg12[%swap3A_579, %swap3A_580] {strides = array<i32>} : memref<8x50xi32, #tpu.memory_space<vmem>>, vector<16xi32>,
      tpu.vector_store %arg12[%swap3A_579, %swap3A_580], %add3A_577 {strides = array<i32>} : memref<8x50xi32, #tpu.memory_space<vmem>>, vector<16xi32>,
      %add3A_582 = arith.constant 1 : i32
      %add3A_583 = vector.broadcast %add3A_582 : i32 to vector<16xi32>
      %add3A_584 = arith.addi %mul3A_574, %add3A_583 : vector<16xi32>
      %swap3A_585 = arith.constant 1 : i32
      %swap3A_586 = arith.index_cast %swap3A_585 : i32 to index
      %swap3A_587 = arith.constant 32 : index
      %swap3A_588 = tpu.vector_load %arg12[%swap3A_586, %swap3A_587] {strides = array<i32>} : memref<8x50xi32, #tpu.memory_space<vmem>>, vector<16xi32>,
      tpu.vector_store %arg12[%swap3A_586, %swap3A_587], %add3A_584 {strides = array<i32>} : memref<8x50xi32, #tpu.memory_space<vmem>>, vector<16xi32>,
      %add3A_589 = arith.constant 2 : i32
      %add3A_590 = vector.broadcast %add3A_589 : i32 to vector<16xi32>
      %add3A_591 = arith.addi %mul3A_574, %add3A_590 : vector<16xi32>
      %swap3A_592 = arith.constant 2 : i32
      %swap3A_593 = arith.index_cast %swap3A_592 : i32 to index
      %swap3A_594 = arith.constant 32 : index
      %swap3A_595 = tpu.vector_load %arg12[%swap3A_593, %swap3A_594] {strides = array<i32>} : memref<8x50xi32, #tpu.memory_space<vmem>>, vector<16xi32>,
      tpu.vector_store %arg12[%swap3A_593, %swap3A_594], %add3A_591 {strides = array<i32>} : memref<8x50xi32, #tpu.memory_space<vmem>>, vector<16xi32>,
      %add3A_596 = arith.constant 3 : i32
      %add3A_597 = vector.broadcast %add3A_596 : i32 to vector<16xi32>
      %add3A_598 = arith.addi %mul3A_574, %add3A_597 : vector<16xi32>
      %swap3A_599 = arith.constant 3 : i32
      %swap3A_600 = arith.index_cast %swap3A_599 : i32 to index
      %swap3A_601 = arith.constant 32 : index
      %swap3A_602 = tpu.vector_load %arg12[%swap3A_600, %swap3A_601] {strides = array<i32>} : memref<8x50xi32, #tpu.memory_space<vmem>>, vector<16xi32>,
      tpu.vector_store %arg12[%swap3A_600, %swap3A_601], %add3A_598 {strides = array<i32>} : memref<8x50xi32, #tpu.memory_space<vmem>>, vector<16xi32>,
      %add3A_603 = arith.constant 4 : i32
      %add3A_604 = vector.broadcast %add3A_603 : i32 to vector<16xi32>
      %add3A_605 = arith.addi %mul3A_574, %add3A_604 : vector<16xi32>
      %swap3A_606 = arith.constant 4 : i32
      %swap3A_607 = arith.index_cast %swap3A_606 : i32 to index
      %swap3A_608 = arith.constant 32 : index
      %swap3A_609 = tpu.vector_load %arg12[%swap3A_607, %swap3A_608] {strides = array<i32>} : memref<8x50xi32, #tpu.memory_space<vmem>>, vector<16xi32>,
      tpu.vector_store %arg12[%swap3A_607, %swap3A_608], %add3A_605 {strides = array<i32>} : memref<8x50xi32, #tpu.memory_space<vmem>>, vector<16xi32>,
      %add3A_610 = arith.constant 5 : i32
      %add3A_611 = vector.broadcast %add3A_610 : i32 to vector<16xi32>
      %add3A_612 = arith.addi %mul3A_574, %add3A_611 : vector<16xi32>
      %swap3A_613 = arith.constant 5 : i32
      %swap3A_614 = arith.index_cast %swap3A_613 : i32 to index
      %swap3A_615 = arith.constant 32 : index
      %swap3A_616 = tpu.vector_load %arg12[%swap3A_614, %swap3A_615] {strides = array<i32>} : memref<8x50xi32, #tpu.memory_space<vmem>>, vector<16xi32>,
      tpu.vector_store %arg12[%swap3A_614, %swap3A_615], %add3A_612 {strides = array<i32>} : memref<8x50xi32, #tpu.memory_space<vmem>>, vector<16xi32>,
      %add3A_617 = arith.constant 6 : i32
      %add3A_618 = vector.broadcast %add3A_617 : i32 to vector<16xi32>
      %add3A_619 = arith.addi %mul3A_574, %add3A_618 : vector<16xi32>
      %swap3A_620 = arith.constant 6 : i32
      %swap3A_621 = arith.index_cast %swap3A_620 : i32 to index
      %swap3A_622 = arith.constant 32 : index
      %swap3A_623 = tpu.vector_load %arg12[%swap3A_621, %swap3A_622] {strides = array<i32>} : memref<8x50xi32, #tpu.memory_space<vmem>>, vector<16xi32>,
      tpu.vector_store %arg12[%swap3A_621, %swap3A_622], %add3A_619 {strides = array<i32>} : memref<8x50xi32, #tpu.memory_space<vmem>>, vector<16xi32>,
      %add3A_624 = arith.constant 7 : i32
      %add3A_625 = vector.broadcast %add3A_624 : i32 to vector<16xi32>
      %add3A_626 = arith.addi %mul3A_574, %add3A_625 : vector<16xi32>
      %swap3A_627 = arith.constant 7 : i32
      %swap3A_628 = arith.index_cast %swap3A_627 : i32 to index
      %swap3A_629 = arith.constant 32 : index
      %swap3A_630 = tpu.vector_load %arg12[%swap3A_628, %swap3A_629] {strides = array<i32>} : memref<8x50xi32, #tpu.memory_space<vmem>>, vector<16xi32>,
      tpu.vector_store %arg12[%swap3A_628, %swap3A_629], %add3A_626 {strides = array<i32>} : memref<8x50xi32, #tpu.memory_space<vmem>>, vector<16xi32>,
      %add3A_631 = arith.constant 34 : i32
      %add3A_632 = arith.addi %mul3A_411, %add3A_631 : i32
      %get3A_633 = arith.index_cast %add3A_632 : i32 to index
      %get3A_634 = tpu.vector_load %arg9[%get3A_633] {strides = array<i32>} : memref<1600xi32, #tpu.memory_space<vmem>>, vector<16xi32>,
      %add3A_635 = arith.constant 34 : i32
      %add3A_636 = arith.addi %mul3A_411, %add3A_635 : i32
      %get3A_637 = arith.index_cast %add3A_636 : i32 to index
      %get3A_638 = tpu.vector_load %arg10[%get3A_637] {strides = array<i32>} : memref<1600xi32, #tpu.memory_space<vmem>>, vector<16xi32>,
      %mul3A_639 = arith.constant 1000 : i32
      %mul3A_640 = vector.broadcast %mul3A_639 : i32 to vector<16xi32>
      %mul3A_641 = arith.muli %get3A_634, %mul3A_640 : vector<16xi32>
      %add3A_642 = arith.addi %mul3A_641, %get3A_638 : vector<16xi32>
      %swap3A_643 = arith.constant 34 : index
      %swap3A_644 = tpu.vector_load %arg14[%swap3A_643] {strides = array<i32>} : memref<50xi32, #tpu.memory_space<vmem>>, vector<16xi32>,
      tpu.vector_store %arg14[%swap3A_643], %add3A_642 {strides = array<i32>} : memref<50xi32, #tpu.memory_space<vmem>>, vector<16xi32>,
      %mul3A_645 = arith.constant 8 : i32
      %mul3A_646 = vector.broadcast %mul3A_645 : i32 to vector<16xi32>
      %mul3A_647 = arith.muli %get3A_634, %mul3A_646 : vector<16xi32>
      %add3A_648 = arith.constant 0 : i32
      %add3A_649 = vector.broadcast %add3A_648 : i32 to vector<16xi32>
      %add3A_650 = arith.addi %mul3A_647, %add3A_649 : vector<16xi32>
      %swap3A_651 = arith.constant 0 : i32
      %swap3A_652 = arith.index_cast %swap3A_651 : i32 to index
      %swap3A_653 = arith.constant 34 : index
      %swap3A_654 = tpu.vector_load %arg12[%swap3A_652, %swap3A_653] {strides = array<i32>} : memref<8x50xi32, #tpu.memory_space<vmem>>, vector<16xi32>,
      tpu.vector_store %arg12[%swap3A_652, %swap3A_653], %add3A_650 {strides = array<i32>} : memref<8x50xi32, #tpu.memory_space<vmem>>, vector<16xi32>,
      %add3A_655 = arith.constant 1 : i32
      %add3A_656 = vector.broadcast %add3A_655 : i32 to vector<16xi32>
      %add3A_657 = arith.addi %mul3A_647, %add3A_656 : vector<16xi32>
      %swap3A_658 = arith.constant 1 : i32
      %swap3A_659 = arith.index_cast %swap3A_658 : i32 to index
      %swap3A_660 = arith.constant 34 : index
      %swap3A_661 = tpu.vector_load %arg12[%swap3A_659, %swap3A_660] {strides = array<i32>} : memref<8x50xi32, #tpu.memory_space<vmem>>, vector<16xi32>,
      tpu.vector_store %arg12[%swap3A_659, %swap3A_660], %add3A_657 {strides = array<i32>} : memref<8x50xi32, #tpu.memory_space<vmem>>, vector<16xi32>,
      %add3A_662 = arith.constant 2 : i32
      %add3A_663 = vector.broadcast %add3A_662 : i32 to vector<16xi32>
      %add3A_664 = arith.addi %mul3A_647, %add3A_663 : vector<16xi32>
      %swap3A_665 = arith.constant 2 : i32
      %swap3A_666 = arith.index_cast %swap3A_665 : i32 to index
      %swap3A_667 = arith.constant 34 : index
      %swap3A_668 = tpu.vector_load %arg12[%swap3A_666, %swap3A_667] {strides = array<i32>} : memref<8x50xi32, #tpu.memory_space<vmem>>, vector<16xi32>,
      tpu.vector_store %arg12[%swap3A_666, %swap3A_667], %add3A_664 {strides = array<i32>} : memref<8x50xi32, #tpu.memory_space<vmem>>, vector<16xi32>,
      %add3A_669 = arith.constant 3 : i32
      %add3A_670 = vector.broadcast %add3A_669 : i32 to vector<16xi32>
      %add3A_671 = arith.addi %mul3A_647, %add3A_670 : vector<16xi32>
      %swap3A_672 = arith.constant 3 : i32
      %swap3A_673 = arith.index_cast %swap3A_672 : i32 to index
      %swap3A_674 = arith.constant 34 : index
      %swap3A_675 = tpu.vector_load %arg12[%swap3A_673, %swap3A_674] {strides = array<i32>} : memref<8x50xi32, #tpu.memory_space<vmem>>, vector<16xi32>,
      tpu.vector_store %arg12[%swap3A_673, %swap3A_674], %add3A_671 {strides = array<i32>} : memref<8x50xi32, #tpu.memory_space<vmem>>, vector<16xi32>,
      %add3A_676 = arith.constant 4 : i32
      %add3A_677 = vector.broadcast %add3A_676 : i32 to vector<16xi32>
      %add3A_678 = arith.addi %mul3A_647, %add3A_677 : vector<16xi32>
      %swap3A_679 = arith.constant 4 : i32
      %swap3A_680 = arith.index_cast %swap3A_679 : i32 to index
      %swap3A_681 = arith.constant 34 : index
      %swap3A_682 = tpu.vector_load %arg12[%swap3A_680, %swap3A_681] {strides = array<i32>} : memref<8x50xi32, #tpu.memory_space<vmem>>, vector<16xi32>,
      tpu.vector_store %arg12[%swap3A_680, %swap3A_681], %add3A_678 {strides = array<i32>} : memref<8x50xi32, #tpu.memory_space<vmem>>, vector<16xi32>,
      %add3A_683 = arith.constant 5 : i32
      %add3A_684 = vector.broadcast %add3A_683 : i32 to vector<16xi32>
      %add3A_685 = arith.addi %mul3A_647, %add3A_684 : vector<16xi32>
      %swap3A_686 = arith.constant 5 : i32
      %swap3A_687 = arith.index_cast %swap3A_686 : i32 to index
      %swap3A_688 = arith.constant 34 : index
      %swap3A_689 = tpu.vector_load %arg12[%swap3A_687, %swap3A_688] {strides = array<i32>} : memref<8x50xi32, #tpu.memory_space<vmem>>, vector<16xi32>,
      tpu.vector_store %arg12[%swap3A_687, %swap3A_688], %add3A_685 {strides = array<i32>} : memref<8x50xi32, #tpu.memory_space<vmem>>, vector<16xi32>,
      %add3A_690 = arith.constant 6 : i32
      %add3A_691 = vector.broadcast %add3A_690 : i32 to vector<16xi32>
      %add3A_692 = arith.addi %mul3A_647, %add3A_691 : vector<16xi32>
      %swap3A_693 = arith.constant 6 : i32
      %swap3A_694 = arith.index_cast %swap3A_693 : i32 to index
      %swap3A_695 = arith.constant 34 : index
      %swap3A_696 = tpu.vector_load %arg12[%swap3A_694, %swap3A_695] {strides = array<i32>} : memref<8x50xi32, #tpu.memory_space<vmem>>, vector<16xi32>,
      tpu.vector_store %arg12[%swap3A_694, %swap3A_695], %add3A_692 {strides = array<i32>} : memref<8x50xi32, #tpu.memory_space<vmem>>, vector<16xi32>,
      %add3A_697 = arith.constant 7 : i32
      %add3A_698 = vector.broadcast %add3A_697 : i32 to vector<16xi32>
      %add3A_699 = arith.addi %mul3A_647, %add3A_698 : vector<16xi32>
      %swap3A_700 = arith.constant 7 : i32
      %swap3A_701 = arith.index_cast %swap3A_700 : i32 to index
      %swap3A_702 = arith.constant 34 : index
      %swap3A_703 = tpu.vector_load %arg12[%swap3A_701, %swap3A_702] {strides = array<i32>} : memref<8x50xi32, #tpu.memory_space<vmem>>, vector<16xi32>,
      tpu.vector_store %arg12[%swap3A_701, %swap3A_702], %add3A_699 {strides = array<i32>} : memref<8x50xi32, #tpu.memory_space<vmem>>, vector<16xi32>,
      %add3A_704 = arith.constant 1 : i32
      %add3A_705 = arith.addi %mul3A_29, %add3A_704 : i32
      %dma_start3A_706 = arith.constant 0 : i32
      %dma_start3A_707 = arith.constant 0 : i32
      %dma_start3A_708 = arith.constant 0 : i32
      %dma_start3A_709 = tpu.memref_slice %arg19[%dma_start3A_707, %dma_start3A_708] : memref<50x1000xf32, #tpu.memory_space<vmem>> -> memref<50x128xf32, #tpu.memory_space<vmem>>
      %dma_start3A_710 = arith.constant 0 : i32
      %dma_start3A_711 = tpu.memref_slice %arg12[%dma_start3A_706, %dma_start3A_710] : memref<8x50xi32, #tpu.memory_space<vmem>> -> memref<1x50xi32, #tpu.memory_space<vmem>>
      %dma_start3A_712 = tpu.memref_squeeze %dma_start3A_711 : memref<1x50xi32, #tpu.memory_space<vmem>> -> memref<50xi32, #tpu.memory_space<vmem>>
      %dma_start3A_713 = arith.constant 0 : i32
      %dma_start3A_714 = arith.constant 0 : i32
      %dma_start3A_715 = tpu.memref_slice %arg4[%dma_start3A_713, %dma_start3A_714] : memref<8000x128xf32, #tpu.memory_space<hbm>> -> memref<8000x128xf32, #tpu.memory_space<hbm>>
      tpu.enqueue_indirect_dma source(%dma_start3A_715 : memref<8000x128xf32, #tpu.memory_space<hbm>>) target(%dma_start3A_709 : memref<50x128xf32, #tpu.memory_space<vmem>>) offsets(%dma_start3A_712 : memref<50xi32, #tpu.memory_space<vmem>>) semaphore(%arg23 : memref<!tpu.dma_semaphore, #tpu.memory_space<semaphore_mem>>)
      %dma_start3A_716 = arith.constant 1 : i32
      %dma_start3A_717 = arith.constant 0 : i32
      %dma_start3A_718 = arith.constant 128 : i32
      %dma_start3A_719 = tpu.memref_slice %arg19[%dma_start3A_717, %dma_start3A_718] : memref<50x1000xf32, #tpu.memory_space<vmem>> -> memref<50x128xf32, #tpu.memory_space<vmem>>
      %dma_start3A_720 = arith.constant 0 : i32
      %dma_start3A_721 = tpu.memref_slice %arg12[%dma_start3A_716, %dma_start3A_720] : memref<8x50xi32, #tpu.memory_space<vmem>> -> memref<1x50xi32, #tpu.memory_space<vmem>>
      %dma_start3A_722 = tpu.memref_squeeze %dma_start3A_721 : memref<1x50xi32, #tpu.memory_space<vmem>> -> memref<50xi32, #tpu.memory_space<vmem>>
      %dma_start3A_723 = arith.constant 0 : i32
      %dma_start3A_724 = arith.constant 0 : i32
      %dma_start3A_725 = tpu.memref_slice %arg4[%dma_start3A_723, %dma_start3A_724] : memref<8000x128xf32, #tpu.memory_space<hbm>> -> memref<8000x128xf32, #tpu.memory_space<hbm>>
      tpu.enqueue_indirect_dma source(%dma_start3A_725 : memref<8000x128xf32, #tpu.memory_space<hbm>>) target(%dma_start3A_719 : memref<50x128xf32, #tpu.memory_space<vmem>>) offsets(%dma_start3A_722 : memref<50xi32, #tpu.memory_space<vmem>>) semaphore(%arg23 : memref<!tpu.dma_semaphore, #tpu.memory_space<semaphore_mem>>)
      %dma_start3A_726 = arith.constant 2 : i32
      %dma_start3A_727 = arith.constant 0 : i32
      %dma_start3A_728 = arith.constant 256 : i32
      %dma_start3A_729 = tpu.memref_slice %arg19[%dma_start3A_727, %dma_start3A_728] : memref<50x1000xf32, #tpu.memory_space<vmem>> -> memref<50x128xf32, #tpu.memory_space<vmem>>
      %dma_start3A_730 = arith.constant 0 : i32
      %dma_start3A_731 = tpu.memref_slice %arg12[%dma_start3A_726, %dma_start3A_730] : memref<8x50xi32, #tpu.memory_space<vmem>> -> memref<1x50xi32, #tpu.memory_space<vmem>>
      %dma_start3A_732 = tpu.memref_squeeze %dma_start3A_731 : memref<1x50xi32, #tpu.memory_space<vmem>> -> memref<50xi32, #tpu.memory_space<vmem>>
      %dma_start3A_733 = arith.constant 0 : i32
      %dma_start3A_734 = arith.constant 0 : i32
      %dma_start3A_735 = tpu.memref_slice %arg4[%dma_start3A_733, %dma_start3A_734] : memref<8000x128xf32, #tpu.memory_space<hbm>> -> memref<8000x128xf32, #tpu.memory_space<hbm>>
      tpu.enqueue_indirect_dma source(%dma_start3A_735 : memref<8000x128xf32, #tpu.memory_space<hbm>>) target(%dma_start3A_729 : memref<50x128xf32, #tpu.memory_space<vmem>>) offsets(%dma_start3A_732 : memref<50xi32, #tpu.memory_space<vmem>>) semaphore(%arg23 : memref<!tpu.dma_semaphore, #tpu.memory_space<semaphore_mem>>)
      %dma_start3A_736 = arith.constant 3 : i32
      %dma_start3A_737 = arith.constant 0 : i32
      %dma_start3A_738 = arith.constant 384 : i32
      %dma_start3A_739 = tpu.memref_slice %arg19[%dma_start3A_737, %dma_start3A_738] : memref<50x1000xf32, #tpu.memory_space<vmem>> -> memref<50x128xf32, #tpu.memory_space<vmem>>
      %dma_start3A_740 = arith.constant 0 : i32
      %dma_start3A_741 = tpu.memref_slice %arg12[%dma_start3A_736, %dma_start3A_740] : memref<8x50xi32, #tpu.memory_space<vmem>> -> memref<1x50xi32, #tpu.memory_space<vmem>>
      %dma_start3A_742 = tpu.memref_squeeze %dma_start3A_741 : memref<1x50xi32, #tpu.memory_space<vmem>> -> memref<50xi32, #tpu.memory_space<vmem>>
      %dma_start3A_743 = arith.constant 0 : i32
      %dma_start3A_744 = arith.constant 0 : i32
      %dma_start3A_745 = tpu.memref_slice %arg4[%dma_start3A_743, %dma_start3A_744] : memref<8000x128xf32, #tpu.memory_space<hbm>> -> memref<8000x128xf32, #tpu.memory_space<hbm>>
      tpu.enqueue_indirect_dma source(%dma_start3A_745 : memref<8000x128xf32, #tpu.memory_space<hbm>>) target(%dma_start3A_739 : memref<50x128xf32, #tpu.memory_space<vmem>>) offsets(%dma_start3A_742 : memref<50xi32, #tpu.memory_space<vmem>>) semaphore(%arg23 : memref<!tpu.dma_semaphore, #tpu.memory_space<semaphore_mem>>)
      %dma_start3A_746 = arith.constant 4 : i32
      %dma_start3A_747 = arith.constant 0 : i32
      %dma_start3A_748 = arith.constant 512 : i32
      %dma_start3A_749 = tpu.memref_slice %arg19[%dma_start3A_747, %dma_start3A_748] : memref<50x1000xf32, #tpu.memory_space<vmem>> -> memref<50x128xf32, #tpu.memory_space<vmem>>
      %dma_start3A_750 = arith.constant 0 : i32
      %dma_start3A_751 = tpu.memref_slice %arg12[%dma_start3A_746, %dma_start3A_750] : memref<8x50xi32, #tpu.memory_space<vmem>> -> memref<1x50xi32, #tpu.memory_space<vmem>>
      %dma_start3A_752 = tpu.memref_squeeze %dma_start3A_751 : memref<1x50xi32, #tpu.memory_space<vmem>> -> memref<50xi32, #tpu.memory_space<vmem>>
      %dma_start3A_753 = arith.constant 0 : i32
      %dma_start3A_754 = arith.constant 0 : i32
      %dma_start3A_755 = tpu.memref_slice %arg4[%dma_start3A_753, %dma_start3A_754] : memref<8000x128xf32, #tpu.memory_space<hbm>> -> memref<8000x128xf32, #tpu.memory_space<hbm>>
      tpu.enqueue_indirect_dma source(%dma_start3A_755 : memref<8000x128xf32, #tpu.memory_space<hbm>>) target(%dma_start3A_749 : memref<50x128xf32, #tpu.memory_space<vmem>>) offsets(%dma_start3A_752 : memref<50xi32, #tpu.memory_space<vmem>>) semaphore(%arg23 : memref<!tpu.dma_semaphore, #tpu.memory_space<semaphore_mem>>)
      %dma_start3A_756 = arith.constant 5 : i32
      %dma_start3A_757 = arith.constant 0 : i32
      %dma_start3A_758 = arith.constant 640 : i32
      %dma_start3A_759 = tpu.memref_slice %arg19[%dma_start3A_757, %dma_start3A_758] : memref<50x1000xf32, #tpu.memory_space<vmem>> -> memref<50x128xf32, #tpu.memory_space<vmem>>
      %dma_start3A_760 = arith.constant 0 : i32
      %dma_start3A_761 = tpu.memref_slice %arg12[%dma_start3A_756, %dma_start3A_760] : memref<8x50xi32, #tpu.memory_space<vmem>> -> memref<1x50xi32, #tpu.memory_space<vmem>>
      %dma_start3A_762 = tpu.memref_squeeze %dma_start3A_761 : memref<1x50xi32, #tpu.memory_space<vmem>> -> memref<50xi32, #tpu.memory_space<vmem>>
      %dma_start3A_763 = arith.constant 0 : i32
      %dma_start3A_764 = arith.constant 0 : i32
      %dma_start3A_765 = tpu.memref_slice %arg4[%dma_start3A_763, %dma_start3A_764] : memref<8000x128xf32, #tpu.memory_space<hbm>> -> memref<8000x128xf32, #tpu.memory_space<hbm>>
      tpu.enqueue_indirect_dma source(%dma_start3A_765 : memref<8000x128xf32, #tpu.memory_space<hbm>>) target(%dma_start3A_759 : memref<50x128xf32, #tpu.memory_space<vmem>>) offsets(%dma_start3A_762 : memref<50xi32, #tpu.memory_space<vmem>>) semaphore(%arg23 : memref<!tpu.dma_semaphore, #tpu.memory_space<semaphore_mem>>)
      %dma_start3A_766 = arith.constant 6 : i32
      %dma_start3A_767 = arith.constant 0 : i32
      %dma_start3A_768 = arith.constant 768 : i32
      %dma_start3A_769 = tpu.memref_slice %arg19[%dma_start3A_767, %dma_start3A_768] : memref<50x1000xf32, #tpu.memory_space<vmem>> -> memref<50x128xf32, #tpu.memory_space<vmem>>
      %dma_start3A_770 = arith.constant 0 : i32
      %dma_start3A_771 = tpu.memref_slice %arg12[%dma_start3A_766, %dma_start3A_770] : memref<8x50xi32, #tpu.memory_space<vmem>> -> memref<1x50xi32, #tpu.memory_space<vmem>>
      %dma_start3A_772 = tpu.memref_squeeze %dma_start3A_771 : memref<1x50xi32, #tpu.memory_space<vmem>> -> memref<50xi32, #tpu.memory_space<vmem>>
      %dma_start3A_773 = arith.constant 0 : i32
      %dma_start3A_774 = arith.constant 0 : i32
      %dma_start3A_775 = tpu.memref_slice %arg4[%dma_start3A_773, %dma_start3A_774] : memref<8000x128xf32, #tpu.memory_space<hbm>> -> memref<8000x128xf32, #tpu.memory_space<hbm>>
      tpu.enqueue_indirect_dma source(%dma_start3A_775 : memref<8000x128xf32, #tpu.memory_space<hbm>>) target(%dma_start3A_769 : memref<50x128xf32, #tpu.memory_space<vmem>>) offsets(%dma_start3A_772 : memref<50xi32, #tpu.memory_space<vmem>>) semaphore(%arg23 : memref<!tpu.dma_semaphore, #tpu.memory_space<semaphore_mem>>)
      %dma_start3A_776 = arith.constant 0 : i32
      %dma_start3A_777 = tpu.memref_slice %arg5[%dma_start3A_776] : memref<1000000xf32, #tpu.memory_space<hbm>> -> memref<1000000xf32, #tpu.memory_space<hbm>>
      tpu.enqueue_indirect_dma source(%dma_start3A_777 : memref<1000000xf32, #tpu.memory_space<hbm>>) target(%arg16 : memref<50xf32, #tpu.memory_space<vmem>>) offsets(%arg14 : memref<50xi32, #tpu.memory_space<vmem>>) semaphore(%arg23 : memref<!tpu.dma_semaphore, #tpu.memory_space<semaphore_mem>>)
      %dma_wait3A_778 = arith.constant 0 : i32
      %dma_wait3A_779 = arith.constant 0 : i32
      %dma_wait3A_780 = arith.constant 0 : i32
      %dma_wait3A_781 = tpu.memref_slice %arg18[%dma_wait3A_779, %dma_wait3A_780] : memref<50x1000xf32, #tpu.memory_space<vmem>> -> memref<50x128xf32, #tpu.memory_space<vmem>>
      %dma_wait3A_782 = arith.constant 0 : i32
      %dma_wait3A_783 = tpu.memref_slice %arg11[%dma_wait3A_778, %dma_wait3A_782] : memref<8x50xi32, #tpu.memory_space<vmem>> -> memref<1x50xi32, #tpu.memory_space<vmem>>
      %dma_wait3A_784 = tpu.memref_squeeze %dma_wait3A_783 : memref<1x50xi32, #tpu.memory_space<vmem>> -> memref<50xi32, #tpu.memory_space<vmem>>
      %dma_wait3A_785 = arith.constant 0 : i32
      %dma_wait3A_786 = arith.constant 0 : i32
      %dma_wait3A_787 = tpu.memref_slice %arg4[%dma_wait3A_785, %dma_wait3A_786] : memref<8000x128xf32, #tpu.memory_space<hbm>> -> memref<8000x128xf32, #tpu.memory_space<hbm>>
      tpu.wait_indirect_dma semaphore(%arg22 : memref<!tpu.dma_semaphore, #tpu.memory_space<semaphore_mem>>) src(%dma_wait3A_787 : memref<8000x128xf32, #tpu.memory_space<hbm>>) dst(%dma_wait3A_781 : memref<50x128xf32, #tpu.memory_space<vmem>>)
      %dma_wait3A_788 = arith.constant 1 : i32
      %dma_wait3A_789 = arith.constant 0 : i32
      %dma_wait3A_790 = arith.constant 128 : i32
      %dma_wait3A_791 = tpu.memref_slice %arg18[%dma_wait3A_789, %dma_wait3A_790] : memref<50x1000xf32, #tpu.memory_space<vmem>> -> memref<50x128xf32, #tpu.memory_space<vmem>>
      %dma_wait3A_792 = arith.constant 0 : i32
      %dma_wait3A_793 = tpu.memref_slice %arg11[%dma_wait3A_788, %dma_wait3A_792] : memref<8x50xi32, #tpu.memory_space<vmem>> -> memref<1x50xi32, #tpu.memory_space<vmem>>
      %dma_wait3A_794 = tpu.memref_squeeze %dma_wait3A_793 : memref<1x50xi32, #tpu.memory_space<vmem>> -> memref<50xi32, #tpu.memory_space<vmem>>
      %dma_wait3A_795 = arith.constant 0 : i32
      %dma_wait3A_796 = arith.constant 0 : i32
      %dma_wait3A_797 = tpu.memref_slice %arg4[%dma_wait3A_795, %dma_wait3A_796] : memref<8000x128xf32, #tpu.memory_space<hbm>> -> memref<8000x128xf32, #tpu.memory_space<hbm>>
      tpu.wait_indirect_dma semaphore(%arg22 : memref<!tpu.dma_semaphore, #tpu.memory_space<semaphore_mem>>) src(%dma_wait3A_797 : memref<8000x128xf32, #tpu.memory_space<hbm>>) dst(%dma_wait3A_791 : memref<50x128xf32, #tpu.memory_space<vmem>>)
      %dma_wait3A_798 = arith.constant 2 : i32
      %dma_wait3A_799 = arith.constant 0 : i32
      %dma_wait3A_800 = arith.constant 256 : i32
      %dma_wait3A_801 = tpu.memref_slice %arg18[%dma_wait3A_799, %dma_wait3A_800] : memref<50x1000xf32, #tpu.memory_space<vmem>> -> memref<50x128xf32, #tpu.memory_space<vmem>>
      %dma_wait3A_802 = arith.constant 0 : i32
      %dma_wait3A_803 = tpu.memref_slice %arg11[%dma_wait3A_798, %dma_wait3A_802] : memref<8x50xi32, #tpu.memory_space<vmem>> -> memref<1x50xi32, #tpu.memory_space<vmem>>
      %dma_wait3A_804 = tpu.memref_squeeze %dma_wait3A_803 : memref<1x50xi32, #tpu.memory_space<vmem>> -> memref<50xi32, #tpu.memory_space<vmem>>
      %dma_wait3A_805 = arith.constant 0 : i32
      %dma_wait3A_806 = arith.constant 0 : i32
      %dma_wait3A_807 = tpu.memref_slice %arg4[%dma_wait3A_805, %dma_wait3A_806] : memref<8000x128xf32, #tpu.memory_space<hbm>> -> memref<8000x128xf32, #tpu.memory_space<hbm>>
      tpu.wait_indirect_dma semaphore(%arg22 : memref<!tpu.dma_semaphore, #tpu.memory_space<semaphore_mem>>) src(%dma_wait3A_807 : memref<8000x128xf32, #tpu.memory_space<hbm>>) dst(%dma_wait3A_801 : memref<50x128xf32, #tpu.memory_space<vmem>>)
      %dma_wait3A_808 = arith.constant 3 : i32
      %dma_wait3A_809 = arith.constant 0 : i32
      %dma_wait3A_810 = arith.constant 384 : i32
      %dma_wait3A_811 = tpu.memref_slice %arg18[%dma_wait3A_809, %dma_wait3A_810] : memref<50x1000xf32, #tpu.memory_space<vmem>> -> memref<50x128xf32, #tpu.memory_space<vmem>>
      %dma_wait3A_812 = arith.constant 0 : i32
      %dma_wait3A_813 = tpu.memref_slice %arg11[%dma_wait3A_808, %dma_wait3A_812] : memref<8x50xi32, #tpu.memory_space<vmem>> -> memref<1x50xi32, #tpu.memory_space<vmem>>
      %dma_wait3A_814 = tpu.memref_squeeze %dma_wait3A_813 : memref<1x50xi32, #tpu.memory_space<vmem>> -> memref<50xi32, #tpu.memory_space<vmem>>
      %dma_wait3A_815 = arith.constant 0 : i32
      %dma_wait3A_816 = arith.constant 0 : i32
      %dma_wait3A_817 = tpu.memref_slice %arg4[%dma_wait3A_815, %dma_wait3A_816] : memref<8000x128xf32, #tpu.memory_space<hbm>> -> memref<8000x128xf32, #tpu.memory_space<hbm>>
      tpu.wait_indirect_dma semaphore(%arg22 : memref<!tpu.dma_semaphore, #tpu.memory_space<semaphore_mem>>) src(%dma_wait3A_817 : memref<8000x128xf32, #tpu.memory_space<hbm>>) dst(%dma_wait3A_811 : memref<50x128xf32, #tpu.memory_space<vmem>>)
      %dma_wait3A_818 = arith.constant 4 : i32
      %dma_wait3A_819 = arith.constant 0 : i32
      %dma_wait3A_820 = arith.constant 512 : i32
      %dma_wait3A_821 = tpu.memref_slice %arg18[%dma_wait3A_819, %dma_wait3A_820] : memref<50x1000xf32, #tpu.memory_space<vmem>> -> memref<50x128xf32, #tpu.memory_space<vmem>>
      %dma_wait3A_822 = arith.constant 0 : i32
      %dma_wait3A_823 = tpu.memref_slice %arg11[%dma_wait3A_818, %dma_wait3A_822] : memref<8x50xi32, #tpu.memory_space<vmem>> -> memref<1x50xi32, #tpu.memory_space<vmem>>
      %dma_wait3A_824 = tpu.memref_squeeze %dma_wait3A_823 : memref<1x50xi32, #tpu.memory_space<vmem>> -> memref<50xi32, #tpu.memory_space<vmem>>
      %dma_wait3A_825 = arith.constant 0 : i32
      %dma_wait3A_826 = arith.constant 0 : i32
      %dma_wait3A_827 = tpu.memref_slice %arg4[%dma_wait3A_825, %dma_wait3A_826] : memref<8000x128xf32, #tpu.memory_space<hbm>> -> memref<8000x128xf32, #tpu.memory_space<hbm>>
      tpu.wait_indirect_dma semaphore(%arg22 : memref<!tpu.dma_semaphore, #tpu.memory_space<semaphore_mem>>) src(%dma_wait3A_827 : memref<8000x128xf32, #tpu.memory_space<hbm>>) dst(%dma_wait3A_821 : memref<50x128xf32, #tpu.memory_space<vmem>>)
      %dma_wait3A_828 = arith.constant 5 : i32
      %dma_wait3A_829 = arith.constant 0 : i32
      %dma_wait3A_830 = arith.constant 640 : i32
      %dma_wait3A_831 = tpu.memref_slice %arg18[%dma_wait3A_829, %dma_wait3A_830] : memref<50x1000xf32, #tpu.memory_space<vmem>> -> memref<50x128xf32, #tpu.memory_space<vmem>>
      %dma_wait3A_832 = arith.constant 0 : i32
      %dma_wait3A_833 = tpu.memref_slice %arg11[%dma_wait3A_828, %dma_wait3A_832] : memref<8x50xi32, #tpu.memory_space<vmem>> -> memref<1x50xi32, #tpu.memory_space<vmem>>
      %dma_wait3A_834 = tpu.memref_squeeze %dma_wait3A_833 : memref<1x50xi32, #tpu.memory_space<vmem>> -> memref<50xi32, #tpu.memory_space<vmem>>
      %dma_wait3A_835 = arith.constant 0 : i32
      %dma_wait3A_836 = arith.constant 0 : i32
      %dma_wait3A_837 = tpu.memref_slice %arg4[%dma_wait3A_835, %dma_wait3A_836] : memref<8000x128xf32, #tpu.memory_space<hbm>> -> memref<8000x128xf32, #tpu.memory_space<hbm>>
      tpu.wait_indirect_dma semaphore(%arg22 : memref<!tpu.dma_semaphore, #tpu.memory_space<semaphore_mem>>) src(%dma_wait3A_837 : memref<8000x128xf32, #tpu.memory_space<hbm>>) dst(%dma_wait3A_831 : memref<50x128xf32, #tpu.memory_space<vmem>>)
      %dma_wait3A_838 = arith.constant 6 : i32
      %dma_wait3A_839 = arith.constant 0 : i32
      %dma_wait3A_840 = arith.constant 768 : i32
      %dma_wait3A_841 = tpu.memref_slice %arg18[%dma_wait3A_839, %dma_wait3A_840] : memref<50x1000xf32, #tpu.memory_space<vmem>> -> memref<50x128xf32, #tpu.memory_space<vmem>>
      %dma_wait3A_842 = arith.constant 0 : i32
      %dma_wait3A_843 = tpu.memref_slice %arg11[%dma_wait3A_838, %dma_wait3A_842] : memref<8x50xi32, #tpu.memory_space<vmem>> -> memref<1x50xi32, #tpu.memory_space<vmem>>
      %dma_wait3A_844 = tpu.memref_squeeze %dma_wait3A_843 : memref<1x50xi32, #tpu.memory_space<vmem>> -> memref<50xi32, #tpu.memory_space<vmem>>
      %dma_wait3A_845 = arith.constant 0 : i32
      %dma_wait3A_846 = arith.constant 0 : i32
      %dma_wait3A_847 = tpu.memref_slice %arg4[%dma_wait3A_845, %dma_wait3A_846] : memref<8000x128xf32, #tpu.memory_space<hbm>> -> memref<8000x128xf32, #tpu.memory_space<hbm>>
      tpu.wait_indirect_dma semaphore(%arg22 : memref<!tpu.dma_semaphore, #tpu.memory_space<semaphore_mem>>) src(%dma_wait3A_847 : memref<8000x128xf32, #tpu.memory_space<hbm>>) dst(%dma_wait3A_841 : memref<50x128xf32, #tpu.memory_space<vmem>>)
      %dma_wait3A_848 = arith.constant 0 : i32
      %dma_wait3A_849 = tpu.memref_slice %arg5[%dma_wait3A_848] : memref<1000000xf32, #tpu.memory_space<hbm>> -> memref<1000000xf32, #tpu.memory_space<hbm>>
      tpu.wait_indirect_dma semaphore(%arg22 : memref<!tpu.dma_semaphore, #tpu.memory_space<semaphore_mem>>) src(%dma_wait3A_849 : memref<1000000xf32, #tpu.memory_space<hbm>>) dst(%arg15 : memref<50xf32, #tpu.memory_space<vmem>>)
      %dma_wait3A_850 = arith.constant 7 : i32
      %dma_wait3A_851 = arith.constant 0 : i32
      %dma_wait3A_852 = tpu.memref_slice %arg11[%dma_wait3A_850, %dma_wait3A_851] : memref<8x50xi32, #tpu.memory_space<vmem>> -> memref<1x50xi32, #tpu.memory_space<vmem>>
      %dma_wait3A_853 = tpu.memref_squeeze %dma_wait3A_852 : memref<1x50xi32, #tpu.memory_space<vmem>> -> memref<50xi32, #tpu.memory_space<vmem>>
      %dma_wait3A_854 = arith.constant 0 : i32
      %dma_wait3A_855 = arith.constant 0 : i32
      %dma_wait3A_856 = tpu.memref_slice %arg4[%dma_wait3A_854, %dma_wait3A_855] : memref<8000x128xf32, #tpu.memory_space<hbm>> -> memref<8000x128xf32, #tpu.memory_space<hbm>>
      tpu.wait_indirect_dma semaphore(%arg24 : memref<!tpu.dma_semaphore, #tpu.memory_space<semaphore_mem>>) src(%dma_wait3A_856 : memref<8000x128xf32, #tpu.memory_space<hbm>>) dst(%arg17 : memref<50x128xf32, #tpu.memory_space<vmem>>)
      %scan3A_857 = arith.constant 0 : i32
      %scan3A_858 = arith.constant 0 : i32
      %scan3A_859 = arith.constant 50 : i32
      %scan3A_860 = arith.addi %scan3A_858, %scan3A_859 : i32
      %scan3A_861 = arith.constant 5 : i32
      scf.for %scan3A_1093 = %scan3A_858 to %scan3A_860 step %scan3A_861  : i32 {
        %get3A_1094 = arith.index_cast %scan3A_1093 : i32 to index
        %get3A_1095 = arith.constant 0 : index
        %get3A_1096 = tpu.vector_load %arg17[%get3A_1094, %get3A_1095] {strides = array<i32>} : memref<50x128xf32, #tpu.memory_space<vmem>>, vector<16xf32>,
        %swap3A_1097 = arith.index_cast %scan3A_1093 : i32 to index
        %swap3A_1098 = arith.constant 896 : index
        %swap3A_1099 = tpu.vector_load %arg18[%swap3A_1097, %swap3A_1098] {strides = array<i32>} : memref<50x1000xf32, #tpu.memory_space<vmem>>, vector<16xf32>,
        tpu.vector_store %arg18[%swap3A_1097, %swap3A_1098], %get3A_1096 {strides = array<i32>} : memref<50x1000xf32, #tpu.memory_space<vmem>>, vector<16xf32>,
        %get3A_1100 = arith.index_cast %scan3A_1093 : i32 to index
        %get3A_1101 = arith.constant 16 : index
        %get3A_1102 = tpu.vector_load %arg17[%get3A_1100, %get3A_1101] {strides = array<i32>} : memref<50x128xf32, #tpu.memory_space<vmem>>, vector<16xf32>,
        %swap3A_1103 = arith.index_cast %scan3A_1093 : i32 to index
        %swap3A_1104 = arith.constant 912 : index
        %swap3A_1105 = tpu.vector_load %arg18[%swap3A_1103, %swap3A_1104] {strides = array<i32>} : memref<50x1000xf32, #tpu.memory_space<vmem>>, vector<16xf32>,
        tpu.vector_store %arg18[%swap3A_1103, %swap3A_1104], %get3A_1102 {strides = array<i32>} : memref<50x1000xf32, #tpu.memory_space<vmem>>, vector<16xf32>,
        %get3A_1106 = arith.index_cast %scan3A_1093 : i32 to index
        %get3A_1107 = arith.constant 32 : index
        %get3A_1108 = tpu.vector_load %arg17[%get3A_1106, %get3A_1107] {strides = array<i32>} : memref<50x128xf32, #tpu.memory_space<vmem>>, vector<16xf32>,
        %swap3A_1109 = arith.index_cast %scan3A_1093 : i32 to index
        %swap3A_1110 = arith.constant 928 : index
        %swap3A_1111 = tpu.vector_load %arg18[%swap3A_1109, %swap3A_1110] {strides = array<i32>} : memref<50x1000xf32, #tpu.memory_space<vmem>>, vector<16xf32>,
        tpu.vector_store %arg18[%swap3A_1109, %swap3A_1110], %get3A_1108 {strides = array<i32>} : memref<50x1000xf32, #tpu.memory_space<vmem>>, vector<16xf32>,
        %get3A_1112 = arith.index_cast %scan3A_1093 : i32 to index
        %get3A_1113 = arith.constant 48 : index
        %get3A_1114 = tpu.vector_load %arg17[%get3A_1112, %get3A_1113] {strides = array<i32>} : memref<50x128xf32, #tpu.memory_space<vmem>>, vector<16xf32>,
        %swap3A_1115 = arith.index_cast %scan3A_1093 : i32 to index
        %swap3A_1116 = arith.constant 944 : index
        %swap3A_1117 = tpu.vector_load %arg18[%swap3A_1115, %swap3A_1116] {strides = array<i32>} : memref<50x1000xf32, #tpu.memory_space<vmem>>, vector<16xf32>,
        tpu.vector_store %arg18[%swap3A_1115, %swap3A_1116], %get3A_1114 {strides = array<i32>} : memref<50x1000xf32, #tpu.memory_space<vmem>>, vector<16xf32>,
        %get3A_1118 = arith.index_cast %scan3A_1093 : i32 to index
        %get3A_1119 = arith.constant 64 : index
        %get3A_1120 = tpu.vector_load %arg17[%get3A_1118, %get3A_1119] {strides = array<i32>} : memref<50x128xf32, #tpu.memory_space<vmem>>, vector<16xf32>,
        %swap3A_1121 = arith.index_cast %scan3A_1093 : i32 to index
        %swap3A_1122 = arith.constant 960 : index
        %swap3A_1123 = tpu.vector_load %arg18[%swap3A_1121, %swap3A_1122] {strides = array<i32>} : memref<50x1000xf32, #tpu.memory_space<vmem>>, vector<16xf32>,
        tpu.vector_store %arg18[%swap3A_1121, %swap3A_1122], %get3A_1120 {strides = array<i32>} : memref<50x1000xf32, #tpu.memory_space<vmem>>, vector<16xf32>,
        %get3A_1124 = arith.index_cast %scan3A_1093 : i32 to index
        %get3A_1125 = arith.constant 80 : index
        %get3A_1126 = tpu.vector_load %arg17[%get3A_1124, %get3A_1125] {strides = array<i32>} : memref<50x128xf32, #tpu.memory_space<vmem>>, vector<16xf32>,
        %swap3A_1127 = arith.index_cast %scan3A_1093 : i32 to index
        %swap3A_1128 = arith.constant 976 : index
        %swap3A_1129 = tpu.vector_load %arg18[%swap3A_1127, %swap3A_1128] {strides = array<i32>} : memref<50x1000xf32, #tpu.memory_space<vmem>>, vector<16xf32>,
        tpu.vector_store %arg18[%swap3A_1127, %swap3A_1128], %get3A_1126 {strides = array<i32>} : memref<50x1000xf32, #tpu.memory_space<vmem>>, vector<16xf32>,
        %get3A_1130 = arith.index_cast %scan3A_1093 : i32 to index
        %get3A_1131 = arith.constant 88 : index
        %get3A_1132 = tpu.vector_load %arg17[%get3A_1130, %get3A_1131] {strides = array<i32>} : memref<50x128xf32, #tpu.memory_space<vmem>>, vector<16xf32>,
        %swap3A_1133 = arith.index_cast %scan3A_1093 : i32 to index
        %swap3A_1134 = arith.constant 984 : index
        %swap3A_1135 = tpu.vector_load %arg18[%swap3A_1133, %swap3A_1134] {strides = array<i32>} : memref<50x1000xf32, #tpu.memory_space<vmem>>, vector<16xf32>,
        tpu.vector_store %arg18[%swap3A_1133, %swap3A_1134], %get3A_1132 {strides = array<i32>} : memref<50x1000xf32, #tpu.memory_space<vmem>>, vector<16xf32>,
        %scan3A_1136 = arith.constant 1 : i32
        %scan3A_1137 = arith.addi %scan3A_1093, %scan3A_1136 : i32
        %get3A_1138 = arith.index_cast %scan3A_1137 : i32 to index
        %get3A_1139 = arith.constant 0 : index
        %get3A_1140 = tpu.vector_load %arg17[%get3A_1138, %get3A_1139] {strides = array<i32>} : memref<50x128xf32, #tpu.memory_space<vmem>>, vector<16xf32>,
        %swap3A_1141 = arith.index_cast %scan3A_1137 : i32 to index
        %swap3A_1142 = arith.constant 896 : index
        %swap3A_1143 = tpu.vector_load %arg18[%swap3A_1141, %swap3A_1142] {strides = array<i32>} : memref<50x1000xf32, #tpu.memory_space<vmem>>, vector<16xf32>,
        tpu.vector_store %arg18[%swap3A_1141, %swap3A_1142], %get3A_1140 {strides = array<i32>} : memref<50x1000xf32, #tpu.memory_space<vmem>>, vector<16xf32>,
        %get3A_1144 = arith.index_cast %scan3A_1137 : i32 to index
        %get3A_1145 = arith.constant 16 : index
        %get3A_1146 = tpu.vector_load %arg17[%get3A_1144, %get3A_1145] {strides = array<i32>} : memref<50x128xf32, #tpu.memory_space<vmem>>, vector<16xf32>,
        %swap3A_1147 = arith.index_cast %scan3A_1137 : i32 to index
        %swap3A_1148 = arith.constant 912 : index
        %swap3A_1149 = tpu.vector_load %arg18[%swap3A_1147, %swap3A_1148] {strides = array<i32>} : memref<50x1000xf32, #tpu.memory_space<vmem>>, vector<16xf32>,
        tpu.vector_store %arg18[%swap3A_1147, %swap3A_1148], %get3A_1146 {strides = array<i32>} : memref<50x1000xf32, #tpu.memory_space<vmem>>, vector<16xf32>,
        %get3A_1150 = arith.index_cast %scan3A_1137 : i32 to index
        %get3A_1151 = arith.constant 32 : index
        %get3A_1152 = tpu.vector_load %arg17[%get3A_1150, %get3A_1151] {strides = array<i32>} : memref<50x128xf32, #tpu.memory_space<vmem>>, vector<16xf32>,
        %swap3A_1153 = arith.index_cast %scan3A_1137 : i32 to index
        %swap3A_1154 = arith.constant 928 : index
        %swap3A_1155 = tpu.vector_load %arg18[%swap3A_1153, %swap3A_1154] {strides = array<i32>} : memref<50x1000xf32, #tpu.memory_space<vmem>>, vector<16xf32>,
        tpu.vector_store %arg18[%swap3A_1153, %swap3A_1154], %get3A_1152 {strides = array<i32>} : memref<50x1000xf32, #tpu.memory_space<vmem>>, vector<16xf32>,
        %get3A_1156 = arith.index_cast %scan3A_1137 : i32 to index
        %get3A_1157 = arith.constant 48 : index
        %get3A_1158 = tpu.vector_load %arg17[%get3A_1156, %get3A_1157] {strides = array<i32>} : memref<50x128xf32, #tpu.memory_space<vmem>>, vector<16xf32>,
        %swap3A_1159 = arith.index_cast %scan3A_1137 : i32 to index
        %swap3A_1160 = arith.constant 944 : index
        %swap3A_1161 = tpu.vector_load %arg18[%swap3A_1159, %swap3A_1160] {strides = array<i32>} : memref<50x1000xf32, #tpu.memory_space<vmem>>, vector<16xf32>,
        tpu.vector_store %arg18[%swap3A_1159, %swap3A_1160], %get3A_1158 {strides = array<i32>} : memref<50x1000xf32, #tpu.memory_space<vmem>>, vector<16xf32>,
        %get3A_1162 = arith.index_cast %scan3A_1137 : i32 to index
        %get3A_1163 = arith.constant 64 : index
        %get3A_1164 = tpu.vector_load %arg17[%get3A_1162, %get3A_1163] {strides = array<i32>} : memref<50x128xf32, #tpu.memory_space<vmem>>, vector<16xf32>,
        %swap3A_1165 = arith.index_cast %scan3A_1137 : i32 to index
        %swap3A_1166 = arith.constant 960 : index
        %swap3A_1167 = tpu.vector_load %arg18[%swap3A_1165, %swap3A_1166] {strides = array<i32>} : memref<50x1000xf32, #tpu.memory_space<vmem>>, vector<16xf32>,
        tpu.vector_store %arg18[%swap3A_1165, %swap3A_1166], %get3A_1164 {strides = array<i32>} : memref<50x1000xf32, #tpu.memory_space<vmem>>, vector<16xf32>,
        %get3A_1168 = arith.index_cast %scan3A_1137 : i32 to index
        %get3A_1169 = arith.constant 80 : index
        %get3A_1170 = tpu.vector_load %arg17[%get3A_1168, %get3A_1169] {strides = array<i32>} : memref<50x128xf32, #tpu.memory_space<vmem>>, vector<16xf32>,
        %swap3A_1171 = arith.index_cast %scan3A_1137 : i32 to index
        %swap3A_1172 = arith.constant 976 : index
        %swap3A_1173 = tpu.vector_load %arg18[%swap3A_1171, %swap3A_1172] {strides = array<i32>} : memref<50x1000xf32, #tpu.memory_space<vmem>>, vector<16xf32>,
        tpu.vector_store %arg18[%swap3A_1171, %swap3A_1172], %get3A_1170 {strides = array<i32>} : memref<50x1000xf32, #tpu.memory_space<vmem>>, vector<16xf32>,
        %get3A_1174 = arith.index_cast %scan3A_1137 : i32 to index
        %get3A_1175 = arith.constant 88 : index
        %get3A_1176 = tpu.vector_load %arg17[%get3A_1174, %get3A_1175] {strides = array<i32>} : memref<50x128xf32, #tpu.memory_space<vmem>>, vector<16xf32>,
        %swap3A_1177 = arith.index_cast %scan3A_1137 : i32 to index
        %swap3A_1178 = arith.constant 984 : index
        %swap3A_1179 = tpu.vector_load %arg18[%swap3A_1177, %swap3A_1178] {strides = array<i32>} : memref<50x1000xf32, #tpu.memory_space<vmem>>, vector<16xf32>,
        tpu.vector_store %arg18[%swap3A_1177, %swap3A_1178], %get3A_1176 {strides = array<i32>} : memref<50x1000xf32, #tpu.memory_space<vmem>>, vector<16xf32>,
        %scan3A_1180 = arith.constant 2 : i32
        %scan3A_1181 = arith.addi %scan3A_1093, %scan3A_1180 : i32
        %get3A_1182 = arith.index_cast %scan3A_1181 : i32 to index
        %get3A_1183 = arith.constant 0 : index
        %get3A_1184 = tpu.vector_load %arg17[%get3A_1182, %get3A_1183] {strides = array<i32>} : memref<50x128xf32, #tpu.memory_space<vmem>>, vector<16xf32>,
        %swap3A_1185 = arith.index_cast %scan3A_1181 : i32 to index
        %swap3A_1186 = arith.constant 896 : index
        %swap3A_1187 = tpu.vector_load %arg18[%swap3A_1185, %swap3A_1186] {strides = array<i32>} : memref<50x1000xf32, #tpu.memory_space<vmem>>, vector<16xf32>,
        tpu.vector_store %arg18[%swap3A_1185, %swap3A_1186], %get3A_1184 {strides = array<i32>} : memref<50x1000xf32, #tpu.memory_space<vmem>>, vector<16xf32>,
        %get3A_1188 = arith.index_cast %scan3A_1181 : i32 to index
        %get3A_1189 = arith.constant 16 : index
        %get3A_1190 = tpu.vector_load %arg17[%get3A_1188, %get3A_1189] {strides = array<i32>} : memref<50x128xf32, #tpu.memory_space<vmem>>, vector<16xf32>,
        %swap3A_1191 = arith.index_cast %scan3A_1181 : i32 to index
        %swap3A_1192 = arith.constant 912 : index
        %swap3A_1193 = tpu.vector_load %arg18[%swap3A_1191, %swap3A_1192] {strides = array<i32>} : memref<50x1000xf32, #tpu.memory_space<vmem>>, vector<16xf32>,
        tpu.vector_store %arg18[%swap3A_1191, %swap3A_1192], %get3A_1190 {strides = array<i32>} : memref<50x1000xf32, #tpu.memory_space<vmem>>, vector<16xf32>,
        %get3A_1194 = arith.index_cast %scan3A_1181 : i32 to index
        %get3A_1195 = arith.constant 32 : index
        %get3A_1196 = tpu.vector_load %arg17[%get3A_1194, %get3A_1195] {strides = array<i32>} : memref<50x128xf32, #tpu.memory_space<vmem>>, vector<16xf32>,
        %swap3A_1197 = arith.index_cast %scan3A_1181 : i32 to index
        %swap3A_1198 = arith.constant 928 : index
        %swap3A_1199 = tpu.vector_load %arg18[%swap3A_1197, %swap3A_1198] {strides = array<i32>} : memref<50x1000xf32, #tpu.memory_space<vmem>>, vector<16xf32>,
        tpu.vector_store %arg18[%swap3A_1197, %swap3A_1198], %get3A_1196 {strides = array<i32>} : memref<50x1000xf32, #tpu.memory_space<vmem>>, vector<16xf32>,
        %get3A_1200 = arith.index_cast %scan3A_1181 : i32 to index
        %get3A_1201 = arith.constant 48 : index
        %get3A_1202 = tpu.vector_load %arg17[%get3A_1200, %get3A_1201] {strides = array<i32>} : memref<50x128xf32, #tpu.memory_space<vmem>>, vector<16xf32>,
        %swap3A_1203 = arith.index_cast %scan3A_1181 : i32 to index
        %swap3A_1204 = arith.constant 944 : index
        %swap3A_1205 = tpu.vector_load %arg18[%swap3A_1203, %swap3A_1204] {strides = array<i32>} : memref<50x1000xf32, #tpu.memory_space<vmem>>, vector<16xf32>,
        tpu.vector_store %arg18[%swap3A_1203, %swap3A_1204], %get3A_1202 {strides = array<i32>} : memref<50x1000xf32, #tpu.memory_space<vmem>>, vector<16xf32>,
        %get3A_1206 = arith.index_cast %scan3A_1181 : i32 to index
        %get3A_1207 = arith.constant 64 : index
        %get3A_1208 = tpu.vector_load %arg17[%get3A_1206, %get3A_1207] {strides = array<i32>} : memref<50x128xf32, #tpu.memory_space<vmem>>, vector<16xf32>,
        %swap3A_1209 = arith.index_cast %scan3A_1181 : i32 to index
        %swap3A_1210 = arith.constant 960 : index
        %swap3A_1211 = tpu.vector_load %arg18[%swap3A_1209, %swap3A_1210] {strides = array<i32>} : memref<50x1000xf32, #tpu.memory_space<vmem>>, vector<16xf32>,
        tpu.vector_store %arg18[%swap3A_1209, %swap3A_1210], %get3A_1208 {strides = array<i32>} : memref<50x1000xf32, #tpu.memory_space<vmem>>, vector<16xf32>,
        %get3A_1212 = arith.index_cast %scan3A_1181 : i32 to index
        %get3A_1213 = arith.constant 80 : index
        %get3A_1214 = tpu.vector_load %arg17[%get3A_1212, %get3A_1213] {strides = array<i32>} : memref<50x128xf32, #tpu.memory_space<vmem>>, vector<16xf32>,
        %swap3A_1215 = arith.index_cast %scan3A_1181 : i32 to index
        %swap3A_1216 = arith.constant 976 : index
        %swap3A_1217 = tpu.vector_load %arg18[%swap3A_1215, %swap3A_1216] {strides = array<i32>} : memref<50x1000xf32, #tpu.memory_space<vmem>>, vector<16xf32>,
        tpu.vector_store %arg18[%swap3A_1215, %swap3A_1216], %get3A_1214 {strides = array<i32>} : memref<50x1000xf32, #tpu.memory_space<vmem>>, vector<16xf32>,
        %get3A_1218 = arith.index_cast %scan3A_1181 : i32 to index
        %get3A_1219 = arith.constant 88 : index
        %get3A_1220 = tpu.vector_load %arg17[%get3A_1218, %get3A_1219] {strides = array<i32>} : memref<50x128xf32, #tpu.memory_space<vmem>>, vector<16xf32>,
        %swap3A_1221 = arith.index_cast %scan3A_1181 : i32 to index
        %swap3A_1222 = arith.constant 984 : index
        %swap3A_1223 = tpu.vector_load %arg18[%swap3A_1221, %swap3A_1222] {strides = array<i32>} : memref<50x1000xf32, #tpu.memory_space<vmem>>, vector<16xf32>,
        tpu.vector_store %arg18[%swap3A_1221, %swap3A_1222], %get3A_1220 {strides = array<i32>} : memref<50x1000xf32, #tpu.memory_space<vmem>>, vector<16xf32>,
        %scan3A_1224 = arith.constant 3 : i32
        %scan3A_1225 = arith.addi %scan3A_1093, %scan3A_1224 : i32
        %get3A_1226 = arith.index_cast %scan3A_1225 : i32 to index
        %get3A_1227 = arith.constant 0 : index
        %get3A_1228 = tpu.vector_load %arg17[%get3A_1226, %get3A_1227] {strides = array<i32>} : memref<50x128xf32, #tpu.memory_space<vmem>>, vector<16xf32>,
        %swap3A_1229 = arith.index_cast %scan3A_1225 : i32 to index
        %swap3A_1230 = arith.constant 896 : index
        %swap3A_1231 = tpu.vector_load %arg18[%swap3A_1229, %swap3A_1230] {strides = array<i32>} : memref<50x1000xf32, #tpu.memory_space<vmem>>, vector<16xf32>,
        tpu.vector_store %arg18[%swap3A_1229, %swap3A_1230], %get3A_1228 {strides = array<i32>} : memref<50x1000xf32, #tpu.memory_space<vmem>>, vector<16xf32>,
        %get3A_1232 = arith.index_cast %scan3A_1225 : i32 to index
        %get3A_1233 = arith.constant 16 : index
        %get3A_1234 = tpu.vector_load %arg17[%get3A_1232, %get3A_1233] {strides = array<i32>} : memref<50x128xf32, #tpu.memory_space<vmem>>, vector<16xf32>,
        %swap3A_1235 = arith.index_cast %scan3A_1225 : i32 to index
        %swap3A_1236 = arith.constant 912 : index
        %swap3A_1237 = tpu.vector_load %arg18[%swap3A_1235, %swap3A_1236] {strides = array<i32>} : memref<50x1000xf32, #tpu.memory_space<vmem>>, vector<16xf32>,
        tpu.vector_store %arg18[%swap3A_1235, %swap3A_1236], %get3A_1234 {strides = array<i32>} : memref<50x1000xf32, #tpu.memory_space<vmem>>, vector<16xf32>,
        %get3A_1238 = arith.index_cast %scan3A_1225 : i32 to index
        %get3A_1239 = arith.constant 32 : index
        %get3A_1240 = tpu.vector_load %arg17[%get3A_1238, %get3A_1239] {strides = array<i32>} : memref<50x128xf32, #tpu.memory_space<vmem>>, vector<16xf32>,
        %swap3A_1241 = arith.index_cast %scan3A_1225 : i32 to index
        %swap3A_1242 = arith.constant 928 : index
        %swap3A_1243 = tpu.vector_load %arg18[%swap3A_1241, %swap3A_1242] {strides = array<i32>} : memref<50x1000xf32, #tpu.memory_space<vmem>>, vector<16xf32>,
        tpu.vector_store %arg18[%swap3A_1241, %swap3A_1242], %get3A_1240 {strides = array<i32>} : memref<50x1000xf32, #tpu.memory_space<vmem>>, vector<16xf32>,
        %get3A_1244 = arith.index_cast %scan3A_1225 : i32 to index
        %get3A_1245 = arith.constant 48 : index
        %get3A_1246 = tpu.vector_load %arg17[%get3A_1244, %get3A_1245] {strides = array<i32>} : memref<50x128xf32, #tpu.memory_space<vmem>>, vector<16xf32>,
        %swap3A_1247 = arith.index_cast %scan3A_1225 : i32 to index
        %swap3A_1248 = arith.constant 944 : index
        %swap3A_1249 = tpu.vector_load %arg18[%swap3A_1247, %swap3A_1248] {strides = array<i32>} : memref<50x1000xf32, #tpu.memory_space<vmem>>, vector<16xf32>,
        tpu.vector_store %arg18[%swap3A_1247, %swap3A_1248], %get3A_1246 {strides = array<i32>} : memref<50x1000xf32, #tpu.memory_space<vmem>>, vector<16xf32>,
        %get3A_1250 = arith.index_cast %scan3A_1225 : i32 to index
        %get3A_1251 = arith.constant 64 : index
        %get3A_1252 = tpu.vector_load %arg17[%get3A_1250, %get3A_1251] {strides = array<i32>} : memref<50x128xf32, #tpu.memory_space<vmem>>, vector<16xf32>,
        %swap3A_1253 = arith.index_cast %scan3A_1225 : i32 to index
        %swap3A_1254 = arith.constant 960 : index
        %swap3A_1255 = tpu.vector_load %arg18[%swap3A_1253, %swap3A_1254] {strides = array<i32>} : memref<50x1000xf32, #tpu.memory_space<vmem>>, vector<16xf32>,
        tpu.vector_store %arg18[%swap3A_1253, %swap3A_1254], %get3A_1252 {strides = array<i32>} : memref<50x1000xf32, #tpu.memory_space<vmem>>, vector<16xf32>,
        %get3A_1256 = arith.index_cast %scan3A_1225 : i32 to index
        %get3A_1257 = arith.constant 80 : index
        %get3A_1258 = tpu.vector_load %arg17[%get3A_1256, %get3A_1257] {strides = array<i32>} : memref<50x128xf32, #tpu.memory_space<vmem>>, vector<16xf32>,
        %swap3A_1259 = arith.index_cast %scan3A_1225 : i32 to index
        %swap3A_1260 = arith.constant 976 : index
        %swap3A_1261 = tpu.vector_load %arg18[%swap3A_1259, %swap3A_1260] {strides = array<i32>} : memref<50x1000xf32, #tpu.memory_space<vmem>>, vector<16xf32>,
        tpu.vector_store %arg18[%swap3A_1259, %swap3A_1260], %get3A_1258 {strides = array<i32>} : memref<50x1000xf32, #tpu.memory_space<vmem>>, vector<16xf32>,
        %get3A_1262 = arith.index_cast %scan3A_1225 : i32 to index
        %get3A_1263 = arith.constant 88 : index
        %get3A_1264 = tpu.vector_load %arg17[%get3A_1262, %get3A_1263] {strides = array<i32>} : memref<50x128xf32, #tpu.memory_space<vmem>>, vector<16xf32>,
        %swap3A_1265 = arith.index_cast %scan3A_1225 : i32 to index
        %swap3A_1266 = arith.constant 984 : index
        %swap3A_1267 = tpu.vector_load %arg18[%swap3A_1265, %swap3A_1266] {strides = array<i32>} : memref<50x1000xf32, #tpu.memory_space<vmem>>, vector<16xf32>,
        tpu.vector_store %arg18[%swap3A_1265, %swap3A_1266], %get3A_1264 {strides = array<i32>} : memref<50x1000xf32, #tpu.memory_space<vmem>>, vector<16xf32>,
        %scan3A_1268 = arith.constant 4 : i32
        %scan3A_1269 = arith.addi %scan3A_1093, %scan3A_1268 : i32
        %get3A_1270 = arith.index_cast %scan3A_1269 : i32 to index
        %get3A_1271 = arith.constant 0 : index
        %get3A_1272 = tpu.vector_load %arg17[%get3A_1270, %get3A_1271] {strides = array<i32>} : memref<50x128xf32, #tpu.memory_space<vmem>>, vector<16xf32>,
        %swap3A_1273 = arith.index_cast %scan3A_1269 : i32 to index
        %swap3A_1274 = arith.constant 896 : index
        %swap3A_1275 = tpu.vector_load %arg18[%swap3A_1273, %swap3A_1274] {strides = array<i32>} : memref<50x1000xf32, #tpu.memory_space<vmem>>, vector<16xf32>,
        tpu.vector_store %arg18[%swap3A_1273, %swap3A_1274], %get3A_1272 {strides = array<i32>} : memref<50x1000xf32, #tpu.memory_space<vmem>>, vector<16xf32>,
        %get3A_1276 = arith.index_cast %scan3A_1269 : i32 to index
        %get3A_1277 = arith.constant 16 : index
        %get3A_1278 = tpu.vector_load %arg17[%get3A_1276, %get3A_1277] {strides = array<i32>} : memref<50x128xf32, #tpu.memory_space<vmem>>, vector<16xf32>,
        %swap3A_1279 = arith.index_cast %scan3A_1269 : i32 to index
        %swap3A_1280 = arith.constant 912 : index
        %swap3A_1281 = tpu.vector_load %arg18[%swap3A_1279, %swap3A_1280] {strides = array<i32>} : memref<50x1000xf32, #tpu.memory_space<vmem>>, vector<16xf32>,
        tpu.vector_store %arg18[%swap3A_1279, %swap3A_1280], %get3A_1278 {strides = array<i32>} : memref<50x1000xf32, #tpu.memory_space<vmem>>, vector<16xf32>,
        %get3A_1282 = arith.index_cast %scan3A_1269 : i32 to index
        %get3A_1283 = arith.constant 32 : index
        %get3A_1284 = tpu.vector_load %arg17[%get3A_1282, %get3A_1283] {strides = array<i32>} : memref<50x128xf32, #tpu.memory_space<vmem>>, vector<16xf32>,
        %swap3A_1285 = arith.index_cast %scan3A_1269 : i32 to index
        %swap3A_1286 = arith.constant 928 : index
        %swap3A_1287 = tpu.vector_load %arg18[%swap3A_1285, %swap3A_1286] {strides = array<i32>} : memref<50x1000xf32, #tpu.memory_space<vmem>>, vector<16xf32>,
        tpu.vector_store %arg18[%swap3A_1285, %swap3A_1286], %get3A_1284 {strides = array<i32>} : memref<50x1000xf32, #tpu.memory_space<vmem>>, vector<16xf32>,
        %get3A_1288 = arith.index_cast %scan3A_1269 : i32 to index
        %get3A_1289 = arith.constant 48 : index
        %get3A_1290 = tpu.vector_load %arg17[%get3A_1288, %get3A_1289] {strides = array<i32>} : memref<50x128xf32, #tpu.memory_space<vmem>>, vector<16xf32>,
        %swap3A_1291 = arith.index_cast %scan3A_1269 : i32 to index
        %swap3A_1292 = arith.constant 944 : index
        %swap3A_1293 = tpu.vector_load %arg18[%swap3A_1291, %swap3A_1292] {strides = array<i32>} : memref<50x1000xf32, #tpu.memory_space<vmem>>, vector<16xf32>,
        tpu.vector_store %arg18[%swap3A_1291, %swap3A_1292], %get3A_1290 {strides = array<i32>} : memref<50x1000xf32, #tpu.memory_space<vmem>>, vector<16xf32>,
        %get3A_1294 = arith.index_cast %scan3A_1269 : i32 to index
        %get3A_1295 = arith.constant 64 : index
        %get3A_1296 = tpu.vector_load %arg17[%get3A_1294, %get3A_1295] {strides = array<i32>} : memref<50x128xf32, #tpu.memory_space<vmem>>, vector<16xf32>,
        %swap3A_1297 = arith.index_cast %scan3A_1269 : i32 to index
        %swap3A_1298 = arith.constant 960 : index
        %swap3A_1299 = tpu.vector_load %arg18[%swap3A_1297, %swap3A_1298] {strides = array<i32>} : memref<50x1000xf32, #tpu.memory_space<vmem>>, vector<16xf32>,
        tpu.vector_store %arg18[%swap3A_1297, %swap3A_1298], %get3A_1296 {strides = array<i32>} : memref<50x1000xf32, #tpu.memory_space<vmem>>, vector<16xf32>,
        %get3A_1300 = arith.index_cast %scan3A_1269 : i32 to index
        %get3A_1301 = arith.constant 80 : index
        %get3A_1302 = tpu.vector_load %arg17[%get3A_1300, %get3A_1301] {strides = array<i32>} : memref<50x128xf32, #tpu.memory_space<vmem>>, vector<16xf32>,
        %swap3A_1303 = arith.index_cast %scan3A_1269 : i32 to index
        %swap3A_1304 = arith.constant 976 : index
        %swap3A_1305 = tpu.vector_load %arg18[%swap3A_1303, %swap3A_1304] {strides = array<i32>} : memref<50x1000xf32, #tpu.memory_space<vmem>>, vector<16xf32>,
        tpu.vector_store %arg18[%swap3A_1303, %swap3A_1304], %get3A_1302 {strides = array<i32>} : memref<50x1000xf32, #tpu.memory_space<vmem>>, vector<16xf32>,
        %get3A_1306 = arith.index_cast %scan3A_1269 : i32 to index
        %get3A_1307 = arith.constant 88 : index
        %get3A_1308 = tpu.vector_load %arg17[%get3A_1306, %get3A_1307] {strides = array<i32>} : memref<50x128xf32, #tpu.memory_space<vmem>>, vector<16xf32>,
        %swap3A_1309 = arith.index_cast %scan3A_1269 : i32 to index
        %swap3A_1310 = arith.constant 984 : index
        %swap3A_1311 = tpu.vector_load %arg18[%swap3A_1309, %swap3A_1310] {strides = array<i32>} : memref<50x1000xf32, #tpu.memory_space<vmem>>, vector<16xf32>,
        tpu.vector_store %arg18[%swap3A_1309, %swap3A_1310], %get3A_1308 {strides = array<i32>} : memref<50x1000xf32, #tpu.memory_space<vmem>>, vector<16xf32>,
      }
      %scan3A_862 = arith.constant 50 : i32
      %add3A_863 = arith.addi %mul3A_4, %mul3A_29 : i32
      %dma_start3A_864 = arith.constant 0 : i32
      %dma_start3A_865 = arith.constant 0 : i32
      %dma_start3A_866 = tpu.memref_slice %arg7[%add3A_863, %dma_start3A_864, %dma_start3A_865] : memref<1024x50x1000xf32, #tpu.memory_space<hbm>> -> memref<1x50x1000xf32, #tpu.memory_space<hbm>>
      %dma_start3A_867 = tpu.memref_squeeze %dma_start3A_866 : memref<1x50x1000xf32, #tpu.memory_space<hbm>> -> memref<50x1000xf32, #tpu.memory_space<hbm>>
      %dma_start3A_868 = arith.constant 0 : i32
      %dma_start3A_869 = arith.constant 0 : i32
      %dma_start3A_870 = tpu.memref_slice %arg7[%add3A_863, %dma_start3A_868, %dma_start3A_869] : memref<1024x50x1000xf32, #tpu.memory_space<hbm>> -> memref<1x50x1000xf32, #tpu.memory_space<hbm>>
      %dma_start3A_871 = tpu.memref_squeeze %dma_start3A_870 : memref<1x50x1000xf32, #tpu.memory_space<hbm>> -> memref<50x1000xf32, #tpu.memory_space<hbm>>
      tpu.enqueue_dma source(%arg18 : memref<50x1000xf32, #tpu.memory_space<vmem>>) target(%dma_start3A_871 : memref<50x1000xf32, #tpu.memory_space<hbm>>) target_semaphore(%arg25 : memref<!tpu.dma_semaphore, #tpu.memory_space<semaphore_mem>>)
      %dma_start3A_872 = arith.constant 7 : i32
      %dma_start3A_873 = arith.constant 0 : i32
      %dma_start3A_874 = tpu.memref_slice %arg12[%dma_start3A_872, %dma_start3A_873] : memref<8x50xi32, #tpu.memory_space<vmem>> -> memref<1x50xi32, #tpu.memory_space<vmem>>
      %dma_start3A_875 = tpu.memref_squeeze %dma_start3A_874 : memref<1x50xi32, #tpu.memory_space<vmem>> -> memref<50xi32, #tpu.memory_space<vmem>>
      %dma_start3A_876 = arith.constant 0 : i32
      %dma_start3A_877 = arith.constant 0 : i32
      %dma_start3A_878 = tpu.memref_slice %arg4[%dma_start3A_876, %dma_start3A_877] : memref<8000x128xf32, #tpu.memory_space<hbm>> -> memref<8000x128xf32, #tpu.memory_space<hbm>>
      tpu.enqueue_indirect_dma source(%dma_start3A_878 : memref<8000x128xf32, #tpu.memory_space<hbm>>) target(%arg17 : memref<50x128xf32, #tpu.memory_space<vmem>>) offsets(%dma_start3A_875 : memref<50xi32, #tpu.memory_space<vmem>>) semaphore(%arg24 : memref<!tpu.dma_semaphore, #tpu.memory_space<semaphore_mem>>)
      %mul3A_879 = arith.constant 50 : i32
      %mul3A_880 = arith.muli %mul3A_29, %mul3A_879 : i32
      %add3A_881 = arith.constant 0 : i32
      %add3A_882 = arith.addi %mul3A_880, %add3A_881 : i32
      %get3A_883 = arith.index_cast %add3A_882 : i32 to index
      %get3A_884 = tpu.vector_load %arg9[%get3A_883] {strides = array<i32>} : memref<1600xi32, #tpu.memory_space<vmem>>, vector<16xi32>,
      %gather3A = tpu.vector_load_idx %arg20[%get3A_884] : memref<1024xf32, #tpu.memory_space<vmem>>[vector<16xi32>], vector<16xf32>,
      %get3A_885 = arith.constant 0 : index
      %get3A_886 = tpu.vector_load %arg15[%get3A_885] {strides = array<i32>} : memref<50xf32, #tpu.memory_space<vmem>>, vector<16xf32>,
      %sub3A = arith.subf %gather3A, %get3A_886 : vector<16xf32>
      %get3A_887 = arith.constant 0 : index
      %get3A_888 = tpu.vector_load %arg21[%get3A_887] {strides = array<i32>} : memref<16xf32, #tpu.memory_space<vmem>>, vector<16xf32>,
      %add3A_889 = arith.addf %get3A_888, %sub3A : vector<16xf32>
      %swap3A_890 = arith.constant 0 : index
      %swap3A_891 = tpu.vector_load %arg21[%swap3A_890] {strides = array<i32>} : memref<16xf32, #tpu.memory_space<vmem>>, vector<16xf32>,
      tpu.vector_store %arg21[%swap3A_890], %add3A_889 {strides = array<i32>} : memref<16xf32, #tpu.memory_space<vmem>>, vector<16xf32>,
      %add3A_892 = arith.constant 16 : i32
      %add3A_893 = arith.addi %mul3A_880, %add3A_892 : i32
      %get3A_894 = arith.index_cast %add3A_893 : i32 to index
      %get3A_895 = tpu.vector_load %arg9[%get3A_894] {strides = array<i32>} : memref<1600xi32, #tpu.memory_space<vmem>>, vector<16xi32>,
      %gather3A_896 = tpu.vector_load_idx %arg20[%get3A_895] : memref<1024xf32, #tpu.memory_space<vmem>>[vector<16xi32>], vector<16xf32>,
      %get3A_897 = arith.constant 16 : index
      %get3A_898 = tpu.vector_load %arg15[%get3A_897] {strides = array<i32>} : memref<50xf32, #tpu.memory_space<vmem>>, vector<16xf32>,
      %sub3A_899 = arith.subf %gather3A_896, %get3A_898 : vector<16xf32>
      %get3A_900 = arith.constant 0 : index
      %get3A_901 = tpu.vector_load %arg21[%get3A_900] {strides = array<i32>} : memref<16xf32, #tpu.memory_space<vmem>>, vector<16xf32>,
      %add3A_902 = arith.addf %get3A_901, %sub3A_899 : vector<16xf32>
      %swap3A_903 = arith.constant 0 : index
      %swap3A_904 = tpu.vector_load %arg21[%swap3A_903] {strides = array<i32>} : memref<16xf32, #tpu.memory_space<vmem>>, vector<16xf32>,
      tpu.vector_store %arg21[%swap3A_903], %add3A_902 {strides = array<i32>} : memref<16xf32, #tpu.memory_space<vmem>>, vector<16xf32>,
      %add3A_905 = arith.constant 32 : i32
      %add3A_906 = arith.addi %mul3A_880, %add3A_905 : i32
      %get3A_907 = arith.index_cast %add3A_906 : i32 to index
      %get3A_908 = tpu.vector_load %arg9[%get3A_907] {strides = array<i32>} : memref<1600xi32, #tpu.memory_space<vmem>>, vector<16xi32>,
      %gather3A_909 = tpu.vector_load_idx %arg20[%get3A_908] : memref<1024xf32, #tpu.memory_space<vmem>>[vector<16xi32>], vector<16xf32>,
      %get3A_910 = arith.constant 32 : index
      %get3A_911 = tpu.vector_load %arg15[%get3A_910] {strides = array<i32>} : memref<50xf32, #tpu.memory_space<vmem>>, vector<16xf32>,
      %sub3A_912 = arith.subf %gather3A_909, %get3A_911 : vector<16xf32>
      %get3A_913 = arith.constant 0 : index
      %get3A_914 = tpu.vector_load %arg21[%get3A_913] {strides = array<i32>} : memref<16xf32, #tpu.memory_space<vmem>>, vector<16xf32>,
      %add3A_915 = arith.addf %get3A_914, %sub3A_912 : vector<16xf32>
      %swap3A_916 = arith.constant 0 : index
      %swap3A_917 = tpu.vector_load %arg21[%swap3A_916] {strides = array<i32>} : memref<16xf32, #tpu.memory_space<vmem>>, vector<16xf32>,
      tpu.vector_store %arg21[%swap3A_916], %add3A_915 {strides = array<i32>} : memref<16xf32, #tpu.memory_space<vmem>>, vector<16xf32>,
      %add3A_918 = arith.constant 34 : i32
      %add3A_919 = arith.addi %mul3A_880, %add3A_918 : i32
      %get3A_920 = arith.index_cast %add3A_919 : i32 to index
      %get3A_921 = tpu.vector_load %arg9[%get3A_920] {strides = array<i32>} : memref<1600xi32, #tpu.memory_space<vmem>>, vector<16xi32>,
      %gather3A_922 = tpu.vector_load_idx %arg20[%get3A_921] : memref<1024xf32, #tpu.memory_space<vmem>>[vector<16xi32>], vector<16xf32>,
      %get3A_923 = arith.constant 34 : index
      %get3A_924 = tpu.vector_load %arg15[%get3A_923] {strides = array<i32>} : memref<50xf32, #tpu.memory_space<vmem>>, vector<16xf32>,
      %sub3A_925 = arith.subf %gather3A_922, %get3A_924 : vector<16xf32>
      %ge3A = arith.constant 14 : i32
      %ge3A_926 = vector.broadcast %ge3A : i32 to vector<16xi32>
      %ge3A_927 = arith.cmpi sge, %iota3A, %ge3A_926 : vector<16xi32>
      %broadcast_in_dim3A_928 = arith.constant 0.000000e+00 : f32
      %broadcast_in_dim3A_929 = vector.broadcast %broadcast_in_dim3A_928 : f32 to vector<16xf32>
      %select_n3A = arith.select %ge3A_927, %sub3A_925, %broadcast_in_dim3A_929 : vector<16xi1>, vector<16xf32>
      %get3A_930 = arith.constant 0 : index
      %get3A_931 = tpu.vector_load %arg21[%get3A_930] {strides = array<i32>} : memref<16xf32, #tpu.memory_space<vmem>>, vector<16xf32>,
      %add3A_932 = arith.addf %get3A_931, %select_n3A : vector<16xf32>
      %swap3A_933 = arith.constant 0 : index
      %swap3A_934 = tpu.vector_load %arg21[%swap3A_933] {strides = array<i32>} : memref<16xf32, #tpu.memory_space<vmem>>, vector<16xf32>,
      tpu.vector_store %arg21[%swap3A_933], %add3A_932 {strides = array<i32>} : memref<16xf32, #tpu.memory_space<vmem>>, vector<16xf32>,
      %dma_wait3A_935 = arith.constant 0 : i32
      %dma_wait3A_936 = arith.constant 0 : i32
      %dma_wait3A_937 = arith.constant 0 : i32
      %dma_wait3A_938 = tpu.memref_slice %arg19[%dma_wait3A_936, %dma_wait3A_937] : memref<50x1000xf32, #tpu.memory_space<vmem>> -> memref<50x128xf32, #tpu.memory_space<vmem>>
      %dma_wait3A_939 = arith.constant 0 : i32
      %dma_wait3A_940 = tpu.memref_slice %arg12[%dma_wait3A_935, %dma_wait3A_939] : memref<8x50xi32, #tpu.memory_space<vmem>> -> memref<1x50xi32, #tpu.memory_space<vmem>>
      %dma_wait3A_941 = tpu.memref_squeeze %dma_wait3A_940 : memref<1x50xi32, #tpu.memory_space<vmem>> -> memref<50xi32, #tpu.memory_space<vmem>>
      %dma_wait3A_942 = arith.constant 0 : i32
      %dma_wait3A_943 = arith.constant 0 : i32
      %dma_wait3A_944 = tpu.memref_slice %arg4[%dma_wait3A_942, %dma_wait3A_943] : memref<8000x128xf32, #tpu.memory_space<hbm>> -> memref<8000x128xf32, #tpu.memory_space<hbm>>
      tpu.wait_indirect_dma semaphore(%arg23 : memref<!tpu.dma_semaphore, #tpu.memory_space<semaphore_mem>>) src(%dma_wait3A_944 : memref<8000x128xf32, #tpu.memory_space<hbm>>) dst(%dma_wait3A_938 : memref<50x128xf32, #tpu.memory_space<vmem>>)
      %dma_wait3A_945 = arith.constant 1 : i32
      %dma_wait3A_946 = arith.constant 0 : i32
      %dma_wait3A_947 = arith.constant 128 : i32
      %dma_wait3A_948 = tpu.memref_slice %arg19[%dma_wait3A_946, %dma_wait3A_947] : memref<50x1000xf32, #tpu.memory_space<vmem>> -> memref<50x128xf32, #tpu.memory_space<vmem>>
      %dma_wait3A_949 = arith.constant 0 : i32
      %dma_wait3A_950 = tpu.memref_slice %arg12[%dma_wait3A_945, %dma_wait3A_949] : memref<8x50xi32, #tpu.memory_space<vmem>> -> memref<1x50xi32, #tpu.memory_space<vmem>>
      %dma_wait3A_951 = tpu.memref_squeeze %dma_wait3A_950 : memref<1x50xi32, #tpu.memory_space<vmem>> -> memref<50xi32, #tpu.memory_space<vmem>>
      %dma_wait3A_952 = arith.constant 0 : i32
      %dma_wait3A_953 = arith.constant 0 : i32
      %dma_wait3A_954 = tpu.memref_slice %arg4[%dma_wait3A_952, %dma_wait3A_953] : memref<8000x128xf32, #tpu.memory_space<hbm>> -> memref<8000x128xf32, #tpu.memory_space<hbm>>
      tpu.wait_indirect_dma semaphore(%arg23 : memref<!tpu.dma_semaphore, #tpu.memory_space<semaphore_mem>>) src(%dma_wait3A_954 : memref<8000x128xf32, #tpu.memory_space<hbm>>) dst(%dma_wait3A_948 : memref<50x128xf32, #tpu.memory_space<vmem>>)
      %dma_wait3A_955 = arith.constant 2 : i32
      %dma_wait3A_956 = arith.constant 0 : i32
      %dma_wait3A_957 = arith.constant 256 : i32
      %dma_wait3A_958 = tpu.memref_slice %arg19[%dma_wait3A_956, %dma_wait3A_957] : memref<50x1000xf32, #tpu.memory_space<vmem>> -> memref<50x128xf32, #tpu.memory_space<vmem>>
      %dma_wait3A_959 = arith.constant 0 : i32
      %dma_wait3A_960 = tpu.memref_slice %arg12[%dma_wait3A_955, %dma_wait3A_959] : memref<8x50xi32, #tpu.memory_space<vmem>> -> memref<1x50xi32, #tpu.memory_space<vmem>>
      %dma_wait3A_961 = tpu.memref_squeeze %dma_wait3A_960 : memref<1x50xi32, #tpu.memory_space<vmem>> -> memref<50xi32, #tpu.memory_space<vmem>>
      %dma_wait3A_962 = arith.constant 0 : i32
      %dma_wait3A_963 = arith.constant 0 : i32
      %dma_wait3A_964 = tpu.memref_slice %arg4[%dma_wait3A_962, %dma_wait3A_963] : memref<8000x128xf32, #tpu.memory_space<hbm>> -> memref<8000x128xf32, #tpu.memory_space<hbm>>
      tpu.wait_indirect_dma semaphore(%arg23 : memref<!tpu.dma_semaphore, #tpu.memory_space<semaphore_mem>>) src(%dma_wait3A_964 : memref<8000x128xf32, #tpu.memory_space<hbm>>) dst(%dma_wait3A_958 : memref<50x128xf32, #tpu.memory_space<vmem>>)
      %dma_wait3A_965 = arith.constant 3 : i32
      %dma_wait3A_966 = arith.constant 0 : i32
      %dma_wait3A_967 = arith.constant 384 : i32
      %dma_wait3A_968 = tpu.memref_slice %arg19[%dma_wait3A_966, %dma_wait3A_967] : memref<50x1000xf32, #tpu.memory_space<vmem>> -> memref<50x128xf32, #tpu.memory_space<vmem>>
      %dma_wait3A_969 = arith.constant 0 : i32
      %dma_wait3A_970 = tpu.memref_slice %arg12[%dma_wait3A_965, %dma_wait3A_969] : memref<8x50xi32, #tpu.memory_space<vmem>> -> memref<1x50xi32, #tpu.memory_space<vmem>>
      %dma_wait3A_971 = tpu.memref_squeeze %dma_wait3A_970 : memref<1x50xi32, #tpu.memory_space<vmem>> -> memref<50xi32, #tpu.memory_space<vmem>>
      %dma_wait3A_972 = arith.constant 0 : i32
      %dma_wait3A_973 = arith.constant 0 : i32
      %dma_wait3A_974 = tpu.memref_slice %arg4[%dma_wait3A_972, %dma_wait3A_973] : memref<8000x128xf32, #tpu.memory_space<hbm>> -> memref<8000x128xf32, #tpu.memory_space<hbm>>
      tpu.wait_indirect_dma semaphore(%arg23 : memref<!tpu.dma_semaphore, #tpu.memory_space<semaphore_mem>>) src(%dma_wait3A_974 : memref<8000x128xf32, #tpu.memory_space<hbm>>) dst(%dma_wait3A_968 : memref<50x128xf32, #tpu.memory_space<vmem>>)
      %dma_wait3A_975 = arith.constant 4 : i32
      %dma_wait3A_976 = arith.constant 0 : i32
      %dma_wait3A_977 = arith.constant 512 : i32
      %dma_wait3A_978 = tpu.memref_slice %arg19[%dma_wait3A_976, %dma_wait3A_977] : memref<50x1000xf32, #tpu.memory_space<vmem>> -> memref<50x128xf32, #tpu.memory_space<vmem>>
      %dma_wait3A_979 = arith.constant 0 : i32
      %dma_wait3A_980 = tpu.memref_slice %arg12[%dma_wait3A_975, %dma_wait3A_979] : memref<8x50xi32, #tpu.memory_space<vmem>> -> memref<1x50xi32, #tpu.memory_space<vmem>>
      %dma_wait3A_981 = tpu.memref_squeeze %dma_wait3A_980 : memref<1x50xi32, #tpu.memory_space<vmem>> -> memref<50xi32, #tpu.memory_space<vmem>>
      %dma_wait3A_982 = arith.constant 0 : i32
      %dma_wait3A_983 = arith.constant 0 : i32
      %dma_wait3A_984 = tpu.memref_slice %arg4[%dma_wait3A_982, %dma_wait3A_983] : memref<8000x128xf32, #tpu.memory_space<hbm>> -> memref<8000x128xf32, #tpu.memory_space<hbm>>
      tpu.wait_indirect_dma semaphore(%arg23 : memref<!tpu.dma_semaphore, #tpu.memory_space<semaphore_mem>>) src(%dma_wait3A_984 : memref<8000x128xf32, #tpu.memory_space<hbm>>) dst(%dma_wait3A_978 : memref<50x128xf32, #tpu.memory_space<vmem>>)
      %dma_wait3A_985 = arith.constant 5 : i32
      %dma_wait3A_986 = arith.constant 0 : i32
      %dma_wait3A_987 = arith.constant 640 : i32
      %dma_wait3A_988 = tpu.memref_slice %arg19[%dma_wait3A_986, %dma_wait3A_987] : memref<50x1000xf32, #tpu.memory_space<vmem>> -> memref<50x128xf32, #tpu.memory_space<vmem>>
      %dma_wait3A_989 = arith.constant 0 : i32
      %dma_wait3A_990 = tpu.memref_slice %arg12[%dma_wait3A_985, %dma_wait3A_989] : memref<8x50xi32, #tpu.memory_space<vmem>> -> memref<1x50xi32, #tpu.memory_space<vmem>>
      %dma_wait3A_991 = tpu.memref_squeeze %dma_wait3A_990 : memref<1x50xi32, #tpu.memory_space<vmem>> -> memref<50xi32, #tpu.memory_space<vmem>>
      %dma_wait3A_992 = arith.constant 0 : i32
      %dma_wait3A_993 = arith.constant 0 : i32
      %dma_wait3A_994 = tpu.memref_slice %arg4[%dma_wait3A_992, %dma_wait3A_993] : memref<8000x128xf32, #tpu.memory_space<hbm>> -> memref<8000x128xf32, #tpu.memory_space<hbm>>
      tpu.wait_indirect_dma semaphore(%arg23 : memref<!tpu.dma_semaphore, #tpu.memory_space<semaphore_mem>>) src(%dma_wait3A_994 : memref<8000x128xf32, #tpu.memory_space<hbm>>) dst(%dma_wait3A_988 : memref<50x128xf32, #tpu.memory_space<vmem>>)
      %dma_wait3A_995 = arith.constant 6 : i32
      %dma_wait3A_996 = arith.constant 0 : i32
      %dma_wait3A_997 = arith.constant 768 : i32
      %dma_wait3A_998 = tpu.memref_slice %arg19[%dma_wait3A_996, %dma_wait3A_997] : memref<50x1000xf32, #tpu.memory_space<vmem>> -> memref<50x128xf32, #tpu.memory_space<vmem>>
      %dma_wait3A_999 = arith.constant 0 : i32
      %dma_wait3A_1000 = tpu.memref_slice %arg12[%dma_wait3A_995, %dma_wait3A_999] : memref<8x50xi32, #tpu.memory_space<vmem>> -> memref<1x50xi32, #tpu.memory_space<vmem>>
      %dma_wait3A_1001 = tpu.memref_squeeze %dma_wait3A_1000 : memref<1x50xi32, #tpu.memory_space<vmem>> -> memref<50xi32, #tpu.memory_space<vmem>>
      %dma_wait3A_1002 = arith.constant 0 : i32
      %dma_wait3A_1003 = arith.constant 0 : i32
      %dma_wait3A_1004 = tpu.memref_slice %arg4[%dma_wait3A_1002, %dma_wait3A_1003] : memref<8000x128xf32, #tpu.memory_space<hbm>> -> memref<8000x128xf32, #tpu.memory_space<hbm>>
      tpu.wait_indirect_dma semaphore(%arg23 : memref<!tpu.dma_semaphore, #tpu.memory_space<semaphore_mem>>) src(%dma_wait3A_1004 : memref<8000x128xf32, #tpu.memory_space<hbm>>) dst(%dma_wait3A_998 : memref<50x128xf32, #tpu.memory_space<vmem>>)
      %dma_wait3A_1005 = arith.constant 0 : i32
      %dma_wait3A_1006 = tpu.memref_slice %arg5[%dma_wait3A_1005] : memref<1000000xf32, #tpu.memory_space<hbm>> -> memref<1000000xf32, #tpu.memory_space<hbm>>
      tpu.wait_indirect_dma semaphore(%arg23 : memref<!tpu.dma_semaphore, #tpu.memory_space<semaphore_mem>>) src(%dma_wait3A_1006 : memref<1000000xf32, #tpu.memory_space<hbm>>) dst(%arg16 : memref<50xf32, #tpu.memory_space<vmem>>)
      %dma_wait3A_1007 = arith.constant 7 : i32
      %dma_wait3A_1008 = arith.constant 0 : i32
      %dma_wait3A_1009 = tpu.memref_slice %arg12[%dma_wait3A_1007, %dma_wait3A_1008] : memref<8x50xi32, #tpu.memory_space<vmem>> -> memref<1x50xi32, #tpu.memory_space<vmem>>
      %dma_wait3A_1010 = tpu.memref_squeeze %dma_wait3A_1009 : memref<1x50xi32, #tpu.memory_space<vmem>> -> memref<50xi32, #tpu.memory_space<vmem>>
      %dma_wait3A_1011 = arith.constant 0 : i32
      %dma_wait3A_1012 = arith.constant 0 : i32
      %dma_wait3A_1013 = tpu.memref_slice %arg4[%dma_wait3A_1011, %dma_wait3A_1012] : memref<8000x128xf32, #tpu.memory_space<hbm>> -> memref<8000x128xf32, #tpu.memory_space<hbm>>
      tpu.wait_indirect_dma semaphore(%arg24 : memref<!tpu.dma_semaphore, #tpu.memory_space<semaphore_mem>>) src(%dma_wait3A_1013 : memref<8000x128xf32, #tpu.memory_space<hbm>>) dst(%arg17 : memref<50x128xf32, #tpu.memory_space<vmem>>)
      %scan3A_1014 = arith.constant 0 : i32
      %scan3A_1015 = arith.constant 0 : i32
      %scan3A_1016 = arith.constant 50 : i32
      %scan3A_1017 = arith.addi %scan3A_1015, %scan3A_1016 : i32
      %scan3A_1018 = arith.constant 5 : i32
      scf.for %scan3A_1093 = %scan3A_1015 to %scan3A_1017 step %scan3A_1018  : i32 {
        %get3A_1094 = arith.index_cast %scan3A_1093 : i32 to index
        %get3A_1095 = arith.constant 0 : index
        %get3A_1096 = tpu.vector_load %arg17[%get3A_1094, %get3A_1095] {strides = array<i32>} : memref<50x128xf32, #tpu.memory_space<vmem>>, vector<16xf32>,
        %swap3A_1097 = arith.index_cast %scan3A_1093 : i32 to index
        %swap3A_1098 = arith.constant 896 : index
        %swap3A_1099 = tpu.vector_load %arg19[%swap3A_1097, %swap3A_1098] {strides = array<i32>} : memref<50x1000xf32, #tpu.memory_space<vmem>>, vector<16xf32>,
        tpu.vector_store %arg19[%swap3A_1097, %swap3A_1098], %get3A_1096 {strides = array<i32>} : memref<50x1000xf32, #tpu.memory_space<vmem>>, vector<16xf32>,
        %get3A_1100 = arith.index_cast %scan3A_1093 : i32 to index
        %get3A_1101 = arith.constant 16 : index
        %get3A_1102 = tpu.vector_load %arg17[%get3A_1100, %get3A_1101] {strides = array<i32>} : memref<50x128xf32, #tpu.memory_space<vmem>>, vector<16xf32>,
        %swap3A_1103 = arith.index_cast %scan3A_1093 : i32 to index
        %swap3A_1104 = arith.constant 912 : index
        %swap3A_1105 = tpu.vector_load %arg19[%swap3A_1103, %swap3A_1104] {strides = array<i32>} : memref<50x1000xf32, #tpu.memory_space<vmem>>, vector<16xf32>,
        tpu.vector_store %arg19[%swap3A_1103, %swap3A_1104], %get3A_1102 {strides = array<i32>} : memref<50x1000xf32, #tpu.memory_space<vmem>>, vector<16xf32>,
        %get3A_1106 = arith.index_cast %scan3A_1093 : i32 to index
        %get3A_1107 = arith.constant 32 : index
        %get3A_1108 = tpu.vector_load %arg17[%get3A_1106, %get3A_1107] {strides = array<i32>} : memref<50x128xf32, #tpu.memory_space<vmem>>, vector<16xf32>,
        %swap3A_1109 = arith.index_cast %scan3A_1093 : i32 to index
        %swap3A_1110 = arith.constant 928 : index
        %swap3A_1111 = tpu.vector_load %arg19[%swap3A_1109, %swap3A_1110] {strides = array<i32>} : memref<50x1000xf32, #tpu.memory_space<vmem>>, vector<16xf32>,
        tpu.vector_store %arg19[%swap3A_1109, %swap3A_1110], %get3A_1108 {strides = array<i32>} : memref<50x1000xf32, #tpu.memory_space<vmem>>, vector<16xf32>,
        %get3A_1112 = arith.index_cast %scan3A_1093 : i32 to index
        %get3A_1113 = arith.constant 48 : index
        %get3A_1114 = tpu.vector_load %arg17[%get3A_1112, %get3A_1113] {strides = array<i32>} : memref<50x128xf32, #tpu.memory_space<vmem>>, vector<16xf32>,
        %swap3A_1115 = arith.index_cast %scan3A_1093 : i32 to index
        %swap3A_1116 = arith.constant 944 : index
        %swap3A_1117 = tpu.vector_load %arg19[%swap3A_1115, %swap3A_1116] {strides = array<i32>} : memref<50x1000xf32, #tpu.memory_space<vmem>>, vector<16xf32>,
        tpu.vector_store %arg19[%swap3A_1115, %swap3A_1116], %get3A_1114 {strides = array<i32>} : memref<50x1000xf32, #tpu.memory_space<vmem>>, vector<16xf32>,
        %get3A_1118 = arith.index_cast %scan3A_1093 : i32 to index
        %get3A_1119 = arith.constant 64 : index
        %get3A_1120 = tpu.vector_load %arg17[%get3A_1118, %get3A_1119] {strides = array<i32>} : memref<50x128xf32, #tpu.memory_space<vmem>>, vector<16xf32>,
        %swap3A_1121 = arith.index_cast %scan3A_1093 : i32 to index
        %swap3A_1122 = arith.constant 960 : index
        %swap3A_1123 = tpu.vector_load %arg19[%swap3A_1121, %swap3A_1122] {strides = array<i32>} : memref<50x1000xf32, #tpu.memory_space<vmem>>, vector<16xf32>,
        tpu.vector_store %arg19[%swap3A_1121, %swap3A_1122], %get3A_1120 {strides = array<i32>} : memref<50x1000xf32, #tpu.memory_space<vmem>>, vector<16xf32>,
        %get3A_1124 = arith.index_cast %scan3A_1093 : i32 to index
        %get3A_1125 = arith.constant 80 : index
        %get3A_1126 = tpu.vector_load %arg17[%get3A_1124, %get3A_1125] {strides = array<i32>} : memref<50x128xf32, #tpu.memory_space<vmem>>, vector<16xf32>,
        %swap3A_1127 = arith.index_cast %scan3A_1093 : i32 to index
        %swap3A_1128 = arith.constant 976 : index
        %swap3A_1129 = tpu.vector_load %arg19[%swap3A_1127, %swap3A_1128] {strides = array<i32>} : memref<50x1000xf32, #tpu.memory_space<vmem>>, vector<16xf32>,
        tpu.vector_store %arg19[%swap3A_1127, %swap3A_1128], %get3A_1126 {strides = array<i32>} : memref<50x1000xf32, #tpu.memory_space<vmem>>, vector<16xf32>,
        %get3A_1130 = arith.index_cast %scan3A_1093 : i32 to index
        %get3A_1131 = arith.constant 88 : index
        %get3A_1132 = tpu.vector_load %arg17[%get3A_1130, %get3A_1131] {strides = array<i32>} : memref<50x128xf32, #tpu.memory_space<vmem>>, vector<16xf32>,
        %swap3A_1133 = arith.index_cast %scan3A_1093 : i32 to index
        %swap3A_1134 = arith.constant 984 : index
        %swap3A_1135 = tpu.vector_load %arg19[%swap3A_1133, %swap3A_1134] {strides = array<i32>} : memref<50x1000xf32, #tpu.memory_space<vmem>>, vector<16xf32>,
        tpu.vector_store %arg19[%swap3A_1133, %swap3A_1134], %get3A_1132 {strides = array<i32>} : memref<50x1000xf32, #tpu.memory_space<vmem>>, vector<16xf32>,
        %scan3A_1136 = arith.constant 1 : i32
        %scan3A_1137 = arith.addi %scan3A_1093, %scan3A_1136 : i32
        %get3A_1138 = arith.index_cast %scan3A_1137 : i32 to index
        %get3A_1139 = arith.constant 0 : index
        %get3A_1140 = tpu.vector_load %arg17[%get3A_1138, %get3A_1139] {strides = array<i32>} : memref<50x128xf32, #tpu.memory_space<vmem>>, vector<16xf32>,
        %swap3A_1141 = arith.index_cast %scan3A_1137 : i32 to index
        %swap3A_1142 = arith.constant 896 : index
        %swap3A_1143 = tpu.vector_load %arg19[%swap3A_1141, %swap3A_1142] {strides = array<i32>} : memref<50x1000xf32, #tpu.memory_space<vmem>>, vector<16xf32>,
        tpu.vector_store %arg19[%swap3A_1141, %swap3A_1142], %get3A_1140 {strides = array<i32>} : memref<50x1000xf32, #tpu.memory_space<vmem>>, vector<16xf32>,
        %get3A_1144 = arith.index_cast %scan3A_1137 : i32 to index
        %get3A_1145 = arith.constant 16 : index
        %get3A_1146 = tpu.vector_load %arg17[%get3A_1144, %get3A_1145] {strides = array<i32>} : memref<50x128xf32, #tpu.memory_space<vmem>>, vector<16xf32>,
        %swap3A_1147 = arith.index_cast %scan3A_1137 : i32 to index
        %swap3A_1148 = arith.constant 912 : index
        %swap3A_1149 = tpu.vector_load %arg19[%swap3A_1147, %swap3A_1148] {strides = array<i32>} : memref<50x1000xf32, #tpu.memory_space<vmem>>, vector<16xf32>,
        tpu.vector_store %arg19[%swap3A_1147, %swap3A_1148], %get3A_1146 {strides = array<i32>} : memref<50x1000xf32, #tpu.memory_space<vmem>>, vector<16xf32>,
        %get3A_1150 = arith.index_cast %scan3A_1137 : i32 to index
        %get3A_1151 = arith.constant 32 : index
        %get3A_1152 = tpu.vector_load %arg17[%get3A_1150, %get3A_1151] {strides = array<i32>} : memref<50x128xf32, #tpu.memory_space<vmem>>, vector<16xf32>,
        %swap3A_1153 = arith.index_cast %scan3A_1137 : i32 to index
        %swap3A_1154 = arith.constant 928 : index
        %swap3A_1155 = tpu.vector_load %arg19[%swap3A_1153, %swap3A_1154] {strides = array<i32>} : memref<50x1000xf32, #tpu.memory_space<vmem>>, vector<16xf32>,
        tpu.vector_store %arg19[%swap3A_1153, %swap3A_1154], %get3A_1152 {strides = array<i32>} : memref<50x1000xf32, #tpu.memory_space<vmem>>, vector<16xf32>,
        %get3A_1156 = arith.index_cast %scan3A_1137 : i32 to index
        %get3A_1157 = arith.constant 48 : index
        %get3A_1158 = tpu.vector_load %arg17[%get3A_1156, %get3A_1157] {strides = array<i32>} : memref<50x128xf32, #tpu.memory_space<vmem>>, vector<16xf32>,
        %swap3A_1159 = arith.index_cast %scan3A_1137 : i32 to index
        %swap3A_1160 = arith.constant 944 : index
        %swap3A_1161 = tpu.vector_load %arg19[%swap3A_1159, %swap3A_1160] {strides = array<i32>} : memref<50x1000xf32, #tpu.memory_space<vmem>>, vector<16xf32>,
        tpu.vector_store %arg19[%swap3A_1159, %swap3A_1160], %get3A_1158 {strides = array<i32>} : memref<50x1000xf32, #tpu.memory_space<vmem>>, vector<16xf32>,
        %get3A_1162 = arith.index_cast %scan3A_1137 : i32 to index
        %get3A_1163 = arith.constant 64 : index
        %get3A_1164 = tpu.vector_load %arg17[%get3A_1162, %get3A_1163] {strides = array<i32>} : memref<50x128xf32, #tpu.memory_space<vmem>>, vector<16xf32>,
        %swap3A_1165 = arith.index_cast %scan3A_1137 : i32 to index
        %swap3A_1166 = arith.constant 960 : index
        %swap3A_1167 = tpu.vector_load %arg19[%swap3A_1165, %swap3A_1166] {strides = array<i32>} : memref<50x1000xf32, #tpu.memory_space<vmem>>, vector<16xf32>,
        tpu.vector_store %arg19[%swap3A_1165, %swap3A_1166], %get3A_1164 {strides = array<i32>} : memref<50x1000xf32, #tpu.memory_space<vmem>>, vector<16xf32>,
        %get3A_1168 = arith.index_cast %scan3A_1137 : i32 to index
        %get3A_1169 = arith.constant 80 : index
        %get3A_1170 = tpu.vector_load %arg17[%get3A_1168, %get3A_1169] {strides = array<i32>} : memref<50x128xf32, #tpu.memory_space<vmem>>, vector<16xf32>,
        %swap3A_1171 = arith.index_cast %scan3A_1137 : i32 to index
        %swap3A_1172 = arith.constant 976 : index
        %swap3A_1173 = tpu.vector_load %arg19[%swap3A_1171, %swap3A_1172] {strides = array<i32>} : memref<50x1000xf32, #tpu.memory_space<vmem>>, vector<16xf32>,
        tpu.vector_store %arg19[%swap3A_1171, %swap3A_1172], %get3A_1170 {strides = array<i32>} : memref<50x1000xf32, #tpu.memory_space<vmem>>, vector<16xf32>,
        %get3A_1174 = arith.index_cast %scan3A_1137 : i32 to index
        %get3A_1175 = arith.constant 88 : index
        %get3A_1176 = tpu.vector_load %arg17[%get3A_1174, %get3A_1175] {strides = array<i32>} : memref<50x128xf32, #tpu.memory_space<vmem>>, vector<16xf32>,
        %swap3A_1177 = arith.index_cast %scan3A_1137 : i32 to index
        %swap3A_1178 = arith.constant 984 : index
        %swap3A_1179 = tpu.vector_load %arg19[%swap3A_1177, %swap3A_1178] {strides = array<i32>} : memref<50x1000xf32, #tpu.memory_space<vmem>>, vector<16xf32>,
        tpu.vector_store %arg19[%swap3A_1177, %swap3A_1178], %get3A_1176 {strides = array<i32>} : memref<50x1000xf32, #tpu.memory_space<vmem>>, vector<16xf32>,
        %scan3A_1180 = arith.constant 2 : i32
        %scan3A_1181 = arith.addi %scan3A_1093, %scan3A_1180 : i32
        %get3A_1182 = arith.index_cast %scan3A_1181 : i32 to index
        %get3A_1183 = arith.constant 0 : index
        %get3A_1184 = tpu.vector_load %arg17[%get3A_1182, %get3A_1183] {strides = array<i32>} : memref<50x128xf32, #tpu.memory_space<vmem>>, vector<16xf32>,
        %swap3A_1185 = arith.index_cast %scan3A_1181 : i32 to index
        %swap3A_1186 = arith.constant 896 : index
        %swap3A_1187 = tpu.vector_load %arg19[%swap3A_1185, %swap3A_1186] {strides = array<i32>} : memref<50x1000xf32, #tpu.memory_space<vmem>>, vector<16xf32>,
        tpu.vector_store %arg19[%swap3A_1185, %swap3A_1186], %get3A_1184 {strides = array<i32>} : memref<50x1000xf32, #tpu.memory_space<vmem>>, vector<16xf32>,
        %get3A_1188 = arith.index_cast %scan3A_1181 : i32 to index
        %get3A_1189 = arith.constant 16 : index
        %get3A_1190 = tpu.vector_load %arg17[%get3A_1188, %get3A_1189] {strides = array<i32>} : memref<50x128xf32, #tpu.memory_space<vmem>>, vector<16xf32>,
        %swap3A_1191 = arith.index_cast %scan3A_1181 : i32 to index
        %swap3A_1192 = arith.constant 912 : index
        %swap3A_1193 = tpu.vector_load %arg19[%swap3A_1191, %swap3A_1192] {strides = array<i32>} : memref<50x1000xf32, #tpu.memory_space<vmem>>, vector<16xf32>,
        tpu.vector_store %arg19[%swap3A_1191, %swap3A_1192], %get3A_1190 {strides = array<i32>} : memref<50x1000xf32, #tpu.memory_space<vmem>>, vector<16xf32>,
        %get3A_1194 = arith.index_cast %scan3A_1181 : i32 to index
        %get3A_1195 = arith.constant 32 : index
        %get3A_1196 = tpu.vector_load %arg17[%get3A_1194, %get3A_1195] {strides = array<i32>} : memref<50x128xf32, #tpu.memory_space<vmem>>, vector<16xf32>,
        %swap3A_1197 = arith.index_cast %scan3A_1181 : i32 to index
        %swap3A_1198 = arith.constant 928 : index
        %swap3A_1199 = tpu.vector_load %arg19[%swap3A_1197, %swap3A_1198] {strides = array<i32>} : memref<50x1000xf32, #tpu.memory_space<vmem>>, vector<16xf32>,
        tpu.vector_store %arg19[%swap3A_1197, %swap3A_1198], %get3A_1196 {strides = array<i32>} : memref<50x1000xf32, #tpu.memory_space<vmem>>, vector<16xf32>,
        %get3A_1200 = arith.index_cast %scan3A_1181 : i32 to index
        %get3A_1201 = arith.constant 48 : index
        %get3A_1202 = tpu.vector_load %arg17[%get3A_1200, %get3A_1201] {strides = array<i32>} : memref<50x128xf32, #tpu.memory_space<vmem>>, vector<16xf32>,
        %swap3A_1203 = arith.index_cast %scan3A_1181 : i32 to index
        %swap3A_1204 = arith.constant 944 : index
        %swap3A_1205 = tpu.vector_load %arg19[%swap3A_1203, %swap3A_1204] {strides = array<i32>} : memref<50x1000xf32, #tpu.memory_space<vmem>>, vector<16xf32>,
        tpu.vector_store %arg19[%swap3A_1203, %swap3A_1204], %get3A_1202 {strides = array<i32>} : memref<50x1000xf32, #tpu.memory_space<vmem>>, vector<16xf32>,
        %get3A_1206 = arith.index_cast %scan3A_1181 : i32 to index
        %get3A_1207 = arith.constant 64 : index
        %get3A_1208 = tpu.vector_load %arg17[%get3A_1206, %get3A_1207] {strides = array<i32>} : memref<50x128xf32, #tpu.memory_space<vmem>>, vector<16xf32>,
        %swap3A_1209 = arith.index_cast %scan3A_1181 : i32 to index
        %swap3A_1210 = arith.constant 960 : index
        %swap3A_1211 = tpu.vector_load %arg19[%swap3A_1209, %swap3A_1210] {strides = array<i32>} : memref<50x1000xf32, #tpu.memory_space<vmem>>, vector<16xf32>,
        tpu.vector_store %arg19[%swap3A_1209, %swap3A_1210], %get3A_1208 {strides = array<i32>} : memref<50x1000xf32, #tpu.memory_space<vmem>>, vector<16xf32>,
        %get3A_1212 = arith.index_cast %scan3A_1181 : i32 to index
        %get3A_1213 = arith.constant 80 : index
        %get3A_1214 = tpu.vector_load %arg17[%get3A_1212, %get3A_1213] {strides = array<i32>} : memref<50x128xf32, #tpu.memory_space<vmem>>, vector<16xf32>,
        %swap3A_1215 = arith.index_cast %scan3A_1181 : i32 to index
        %swap3A_1216 = arith.constant 976 : index
        %swap3A_1217 = tpu.vector_load %arg19[%swap3A_1215, %swap3A_1216] {strides = array<i32>} : memref<50x1000xf32, #tpu.memory_space<vmem>>, vector<16xf32>,
        tpu.vector_store %arg19[%swap3A_1215, %swap3A_1216], %get3A_1214 {strides = array<i32>} : memref<50x1000xf32, #tpu.memory_space<vmem>>, vector<16xf32>,
        %get3A_1218 = arith.index_cast %scan3A_1181 : i32 to index
        %get3A_1219 = arith.constant 88 : index
        %get3A_1220 = tpu.vector_load %arg17[%get3A_1218, %get3A_1219] {strides = array<i32>} : memref<50x128xf32, #tpu.memory_space<vmem>>, vector<16xf32>,
        %swap3A_1221 = arith.index_cast %scan3A_1181 : i32 to index
        %swap3A_1222 = arith.constant 984 : index
        %swap3A_1223 = tpu.vector_load %arg19[%swap3A_1221, %swap3A_1222] {strides = array<i32>} : memref<50x1000xf32, #tpu.memory_space<vmem>>, vector<16xf32>,
        tpu.vector_store %arg19[%swap3A_1221, %swap3A_1222], %get3A_1220 {strides = array<i32>} : memref<50x1000xf32, #tpu.memory_space<vmem>>, vector<16xf32>,
        %scan3A_1224 = arith.constant 3 : i32
        %scan3A_1225 = arith.addi %scan3A_1093, %scan3A_1224 : i32
        %get3A_1226 = arith.index_cast %scan3A_1225 : i32 to index
        %get3A_1227 = arith.constant 0 : index
        %get3A_1228 = tpu.vector_load %arg17[%get3A_1226, %get3A_1227] {strides = array<i32>} : memref<50x128xf32, #tpu.memory_space<vmem>>, vector<16xf32>,
        %swap3A_1229 = arith.index_cast %scan3A_1225 : i32 to index
        %swap3A_1230 = arith.constant 896 : index
        %swap3A_1231 = tpu.vector_load %arg19[%swap3A_1229, %swap3A_1230] {strides = array<i32>} : memref<50x1000xf32, #tpu.memory_space<vmem>>, vector<16xf32>,
        tpu.vector_store %arg19[%swap3A_1229, %swap3A_1230], %get3A_1228 {strides = array<i32>} : memref<50x1000xf32, #tpu.memory_space<vmem>>, vector<16xf32>,
        %get3A_1232 = arith.index_cast %scan3A_1225 : i32 to index
        %get3A_1233 = arith.constant 16 : index
        %get3A_1234 = tpu.vector_load %arg17[%get3A_1232, %get3A_1233] {strides = array<i32>} : memref<50x128xf32, #tpu.memory_space<vmem>>, vector<16xf32>,
        %swap3A_1235 = arith.index_cast %scan3A_1225 : i32 to index
        %swap3A_1236 = arith.constant 912 : index
        %swap3A_1237 = tpu.vector_load %arg19[%swap3A_1235, %swap3A_1236] {strides = array<i32>} : memref<50x1000xf32, #tpu.memory_space<vmem>>, vector<16xf32>,
        tpu.vector_store %arg19[%swap3A_1235, %swap3A_1236], %get3A_1234 {strides = array<i32>} : memref<50x1000xf32, #tpu.memory_space<vmem>>, vector<16xf32>,
        %get3A_1238 = arith.index_cast %scan3A_1225 : i32 to index
        %get3A_1239 = arith.constant 32 : index
        %get3A_1240 = tpu.vector_load %arg17[%get3A_1238, %get3A_1239] {strides = array<i32>} : memref<50x128xf32, #tpu.memory_space<vmem>>, vector<16xf32>,
        %swap3A_1241 = arith.index_cast %scan3A_1225 : i32 to index
        %swap3A_1242 = arith.constant 928 : index
        %swap3A_1243 = tpu.vector_load %arg19[%swap3A_1241, %swap3A_1242] {strides = array<i32>} : memref<50x1000xf32, #tpu.memory_space<vmem>>, vector<16xf32>,
        tpu.vector_store %arg19[%swap3A_1241, %swap3A_1242], %get3A_1240 {strides = array<i32>} : memref<50x1000xf32, #tpu.memory_space<vmem>>, vector<16xf32>,
        %get3A_1244 = arith.index_cast %scan3A_1225 : i32 to index
        %get3A_1245 = arith.constant 48 : index
        %get3A_1246 = tpu.vector_load %arg17[%get3A_1244, %get3A_1245] {strides = array<i32>} : memref<50x128xf32, #tpu.memory_space<vmem>>, vector<16xf32>,
        %swap3A_1247 = arith.index_cast %scan3A_1225 : i32 to index
        %swap3A_1248 = arith.constant 944 : index
        %swap3A_1249 = tpu.vector_load %arg19[%swap3A_1247, %swap3A_1248] {strides = array<i32>} : memref<50x1000xf32, #tpu.memory_space<vmem>>, vector<16xf32>,
        tpu.vector_store %arg19[%swap3A_1247, %swap3A_1248], %get3A_1246 {strides = array<i32>} : memref<50x1000xf32, #tpu.memory_space<vmem>>, vector<16xf32>,
        %get3A_1250 = arith.index_cast %scan3A_1225 : i32 to index
        %get3A_1251 = arith.constant 64 : index
        %get3A_1252 = tpu.vector_load %arg17[%get3A_1250, %get3A_1251] {strides = array<i32>} : memref<50x128xf32, #tpu.memory_space<vmem>>, vector<16xf32>,
        %swap3A_1253 = arith.index_cast %scan3A_1225 : i32 to index
        %swap3A_1254 = arith.constant 960 : index
        %swap3A_1255 = tpu.vector_load %arg19[%swap3A_1253, %swap3A_1254] {strides = array<i32>} : memref<50x1000xf32, #tpu.memory_space<vmem>>, vector<16xf32>,
        tpu.vector_store %arg19[%swap3A_1253, %swap3A_1254], %get3A_1252 {strides = array<i32>} : memref<50x1000xf32, #tpu.memory_space<vmem>>, vector<16xf32>,
        %get3A_1256 = arith.index_cast %scan3A_1225 : i32 to index
        %get3A_1257 = arith.constant 80 : index
        %get3A_1258 = tpu.vector_load %arg17[%get3A_1256, %get3A_1257] {strides = array<i32>} : memref<50x128xf32, #tpu.memory_space<vmem>>, vector<16xf32>,
        %swap3A_1259 = arith.index_cast %scan3A_1225 : i32 to index
        %swap3A_1260 = arith.constant 976 : index
        %swap3A_1261 = tpu.vector_load %arg19[%swap3A_1259, %swap3A_1260] {strides = array<i32>} : memref<50x1000xf32, #tpu.memory_space<vmem>>, vector<16xf32>,
        tpu.vector_store %arg19[%swap3A_1259, %swap3A_1260], %get3A_1258 {strides = array<i32>} : memref<50x1000xf32, #tpu.memory_space<vmem>>, vector<16xf32>,
        %get3A_1262 = arith.index_cast %scan3A_1225 : i32 to index
        %get3A_1263 = arith.constant 88 : index
        %get3A_1264 = tpu.vector_load %arg17[%get3A_1262, %get3A_1263] {strides = array<i32>} : memref<50x128xf32, #tpu.memory_space<vmem>>, vector<16xf32>,
        %swap3A_1265 = arith.index_cast %scan3A_1225 : i32 to index
        %swap3A_1266 = arith.constant 984 : index
        %swap3A_1267 = tpu.vector_load %arg19[%swap3A_1265, %swap3A_1266] {strides = array<i32>} : memref<50x1000xf32, #tpu.memory_space<vmem>>, vector<16xf32>,
        tpu.vector_store %arg19[%swap3A_1265, %swap3A_1266], %get3A_1264 {strides = array<i32>} : memref<50x1000xf32, #tpu.memory_space<vmem>>, vector<16xf32>,
        %scan3A_1268 = arith.constant 4 : i32
        %scan3A_1269 = arith.addi %scan3A_1093, %scan3A_1268 : i32
        %get3A_1270 = arith.index_cast %scan3A_1269 : i32 to index
        %get3A_1271 = arith.constant 0 : index
        %get3A_1272 = tpu.vector_load %arg17[%get3A_1270, %get3A_1271] {strides = array<i32>} : memref<50x128xf32, #tpu.memory_space<vmem>>, vector<16xf32>,
        %swap3A_1273 = arith.index_cast %scan3A_1269 : i32 to index
        %swap3A_1274 = arith.constant 896 : index
        %swap3A_1275 = tpu.vector_load %arg19[%swap3A_1273, %swap3A_1274] {strides = array<i32>} : memref<50x1000xf32, #tpu.memory_space<vmem>>, vector<16xf32>,
        tpu.vector_store %arg19[%swap3A_1273, %swap3A_1274], %get3A_1272 {strides = array<i32>} : memref<50x1000xf32, #tpu.memory_space<vmem>>, vector<16xf32>,
        %get3A_1276 = arith.index_cast %scan3A_1269 : i32 to index
        %get3A_1277 = arith.constant 16 : index
        %get3A_1278 = tpu.vector_load %arg17[%get3A_1276, %get3A_1277] {strides = array<i32>} : memref<50x128xf32, #tpu.memory_space<vmem>>, vector<16xf32>,
        %swap3A_1279 = arith.index_cast %scan3A_1269 : i32 to index
        %swap3A_1280 = arith.constant 912 : index
        %swap3A_1281 = tpu.vector_load %arg19[%swap3A_1279, %swap3A_1280] {strides = array<i32>} : memref<50x1000xf32, #tpu.memory_space<vmem>>, vector<16xf32>,
        tpu.vector_store %arg19[%swap3A_1279, %swap3A_1280], %get3A_1278 {strides = array<i32>} : memref<50x1000xf32, #tpu.memory_space<vmem>>, vector<16xf32>,
        %get3A_1282 = arith.index_cast %scan3A_1269 : i32 to index
        %get3A_1283 = arith.constant 32 : index
        %get3A_1284 = tpu.vector_load %arg17[%get3A_1282, %get3A_1283] {strides = array<i32>} : memref<50x128xf32, #tpu.memory_space<vmem>>, vector<16xf32>,
        %swap3A_1285 = arith.index_cast %scan3A_1269 : i32 to index
        %swap3A_1286 = arith.constant 928 : index
        %swap3A_1287 = tpu.vector_load %arg19[%swap3A_1285, %swap3A_1286] {strides = array<i32>} : memref<50x1000xf32, #tpu.memory_space<vmem>>, vector<16xf32>,
        tpu.vector_store %arg19[%swap3A_1285, %swap3A_1286], %get3A_1284 {strides = array<i32>} : memref<50x1000xf32, #tpu.memory_space<vmem>>, vector<16xf32>,
        %get3A_1288 = arith.index_cast %scan3A_1269 : i32 to index
        %get3A_1289 = arith.constant 48 : index
        %get3A_1290 = tpu.vector_load %arg17[%get3A_1288, %get3A_1289] {strides = array<i32>} : memref<50x128xf32, #tpu.memory_space<vmem>>, vector<16xf32>,
        %swap3A_1291 = arith.index_cast %scan3A_1269 : i32 to index
        %swap3A_1292 = arith.constant 944 : index
        %swap3A_1293 = tpu.vector_load %arg19[%swap3A_1291, %swap3A_1292] {strides = array<i32>} : memref<50x1000xf32, #tpu.memory_space<vmem>>, vector<16xf32>,
        tpu.vector_store %arg19[%swap3A_1291, %swap3A_1292], %get3A_1290 {strides = array<i32>} : memref<50x1000xf32, #tpu.memory_space<vmem>>, vector<16xf32>,
        %get3A_1294 = arith.index_cast %scan3A_1269 : i32 to index
        %get3A_1295 = arith.constant 64 : index
        %get3A_1296 = tpu.vector_load %arg17[%get3A_1294, %get3A_1295] {strides = array<i32>} : memref<50x128xf32, #tpu.memory_space<vmem>>, vector<16xf32>,
        %swap3A_1297 = arith.index_cast %scan3A_1269 : i32 to index
        %swap3A_1298 = arith.constant 960 : index
        %swap3A_1299 = tpu.vector_load %arg19[%swap3A_1297, %swap3A_1298] {strides = array<i32>} : memref<50x1000xf32, #tpu.memory_space<vmem>>, vector<16xf32>,
        tpu.vector_store %arg19[%swap3A_1297, %swap3A_1298], %get3A_1296 {strides = array<i32>} : memref<50x1000xf32, #tpu.memory_space<vmem>>, vector<16xf32>,
        %get3A_1300 = arith.index_cast %scan3A_1269 : i32 to index
        %get3A_1301 = arith.constant 80 : index
        %get3A_1302 = tpu.vector_load %arg17[%get3A_1300, %get3A_1301] {strides = array<i32>} : memref<50x128xf32, #tpu.memory_space<vmem>>, vector<16xf32>,
        %swap3A_1303 = arith.index_cast %scan3A_1269 : i32 to index
        %swap3A_1304 = arith.constant 976 : index
        %swap3A_1305 = tpu.vector_load %arg19[%swap3A_1303, %swap3A_1304] {strides = array<i32>} : memref<50x1000xf32, #tpu.memory_space<vmem>>, vector<16xf32>,
        tpu.vector_store %arg19[%swap3A_1303, %swap3A_1304], %get3A_1302 {strides = array<i32>} : memref<50x1000xf32, #tpu.memory_space<vmem>>, vector<16xf32>,
        %get3A_1306 = arith.index_cast %scan3A_1269 : i32 to index
        %get3A_1307 = arith.constant 88 : index
        %get3A_1308 = tpu.vector_load %arg17[%get3A_1306, %get3A_1307] {strides = array<i32>} : memref<50x128xf32, #tpu.memory_space<vmem>>, vector<16xf32>,
        %swap3A_1309 = arith.index_cast %scan3A_1269 : i32 to index
        %swap3A_1310 = arith.constant 984 : index
        %swap3A_1311 = tpu.vector_load %arg19[%swap3A_1309, %swap3A_1310] {strides = array<i32>} : memref<50x1000xf32, #tpu.memory_space<vmem>>, vector<16xf32>,
        tpu.vector_store %arg19[%swap3A_1309, %swap3A_1310], %get3A_1308 {strides = array<i32>} : memref<50x1000xf32, #tpu.memory_space<vmem>>, vector<16xf32>,
      }
      %scan3A_1019 = arith.constant 50 : i32
      %add3A_1020 = arith.addi %mul3A_4, %mul3A_29 : i32
      %add3A_1021 = arith.constant 1 : i32
      %add3A_1022 = arith.addi %add3A_1020, %add3A_1021 : i32
      %dma_start3A_1023 = arith.constant 0 : i32
      %dma_start3A_1024 = arith.constant 0 : i32
      %dma_start3A_1025 = tpu.memref_slice %arg7[%add3A_1022, %dma_start3A_1023, %dma_start3A_1024] : memref<1024x50x1000xf32, #tpu.memory_space<hbm>> -> memref<1x50x1000xf32, #tpu.memory_space<hbm>>
      %dma_start3A_1026 = tpu.memref_squeeze %dma_start3A_1025 : memref<1x50x1000xf32, #tpu.memory_space<hbm>> -> memref<50x1000xf32, #tpu.memory_space<hbm>>
      %dma_start3A_1027 = arith.constant 0 : i32
      %dma_start3A_1028 = arith.constant 0 : i32
      %dma_start3A_1029 = tpu.memref_slice %arg7[%add3A_1022, %dma_start3A_1027, %dma_start3A_1028] : memref<1024x50x1000xf32, #tpu.memory_space<hbm>> -> memref<1x50x1000xf32, #tpu.memory_space<hbm>>
      %dma_start3A_1030 = tpu.memref_squeeze %dma_start3A_1029 : memref<1x50x1000xf32, #tpu.memory_space<hbm>> -> memref<50x1000xf32, #tpu.memory_space<hbm>>
      tpu.enqueue_dma source(%arg19 : memref<50x1000xf32, #tpu.memory_space<vmem>>) target(%dma_start3A_1030 : memref<50x1000xf32, #tpu.memory_space<hbm>>) target_semaphore(%arg26 : memref<!tpu.dma_semaphore, #tpu.memory_space<semaphore_mem>>)
      %add3A_1031 = arith.constant 1 : i32
      %add3A_1032 = arith.addi %mul3A_29, %add3A_1031 : i32
      %mul3A_1033 = arith.constant 50 : i32
      %mul3A_1034 = arith.muli %add3A_1032, %mul3A_1033 : i32
      %add3A_1035 = arith.constant 0 : i32
      %add3A_1036 = arith.addi %mul3A_1034, %add3A_1035 : i32
      %get3A_1037 = arith.index_cast %add3A_1036 : i32 to index
      %get3A_1038 = tpu.vector_load %arg9[%get3A_1037] {strides = array<i32>} : memref<1600xi32, #tpu.memory_space<vmem>>, vector<16xi32>,
      %gather3A_1039 = tpu.vector_load_idx %arg20[%get3A_1038] : memref<1024xf32, #tpu.memory_space<vmem>>[vector<16xi32>], vector<16xf32>,
      %get3A_1040 = arith.constant 0 : index
      %get3A_1041 = tpu.vector_load %arg16[%get3A_1040] {strides = array<i32>} : memref<50xf32, #tpu.memory_space<vmem>>, vector<16xf32>,
      %sub3A_1042 = arith.subf %gather3A_1039, %get3A_1041 : vector<16xf32>
      %get3A_1043 = arith.constant 0 : index
      %get3A_1044 = tpu.vector_load %arg21[%get3A_1043] {strides = array<i32>} : memref<16xf32, #tpu.memory_space<vmem>>, vector<16xf32>,
      %add3A_1045 = arith.addf %get3A_1044, %sub3A_1042 : vector<16xf32>
      %swap3A_1046 = arith.constant 0 : index
      %swap3A_1047 = tpu.vector_load %arg21[%swap3A_1046] {strides = array<i32>} : memref<16xf32, #tpu.memory_space<vmem>>, vector<16xf32>,
      tpu.vector_store %arg21[%swap3A_1046], %add3A_1045 {strides = array<i32>} : memref<16xf32, #tpu.memory_space<vmem>>, vector<16xf32>,
      %add3A_1048 = arith.constant 16 : i32
      %add3A_1049 = arith.addi %mul3A_1034, %add3A_1048 : i32
      %get3A_1050 = arith.index_cast %add3A_1049 : i32 to index
      %get3A_1051 = tpu.vector_load %arg9[%get3A_1050] {strides = array<i32>} : memref<1600xi32, #tpu.memory_space<vmem>>, vector<16xi32>,
      %gather3A_1052 = tpu.vector_load_idx %arg20[%get3A_1051] : memref<1024xf32, #tpu.memory_space<vmem>>[vector<16xi32>], vector<16xf32>,
      %get3A_1053 = arith.constant 16 : index
      %get3A_1054 = tpu.vector_load %arg16[%get3A_1053] {strides = array<i32>} : memref<50xf32, #tpu.memory_space<vmem>>, vector<16xf32>,
      %sub3A_1055 = arith.subf %gather3A_1052, %get3A_1054 : vector<16xf32>
      %get3A_1056 = arith.constant 0 : index
      %get3A_1057 = tpu.vector_load %arg21[%get3A_1056] {strides = array<i32>} : memref<16xf32, #tpu.memory_space<vmem>>, vector<16xf32>,
      %add3A_1058 = arith.addf %get3A_1057, %sub3A_1055 : vector<16xf32>
      %swap3A_1059 = arith.constant 0 : index
      %swap3A_1060 = tpu.vector_load %arg21[%swap3A_1059] {strides = array<i32>} : memref<16xf32, #tpu.memory_space<vmem>>, vector<16xf32>,
      tpu.vector_store %arg21[%swap3A_1059], %add3A_1058 {strides = array<i32>} : memref<16xf32, #tpu.memory_space<vmem>>, vector<16xf32>,
      %add3A_1061 = arith.constant 32 : i32
      %add3A_1062 = arith.addi %mul3A_1034, %add3A_1061 : i32
      %get3A_1063 = arith.index_cast %add3A_1062 : i32 to index
      %get3A_1064 = tpu.vector_load %arg9[%get3A_1063] {strides = array<i32>} : memref<1600xi32, #tpu.memory_space<vmem>>, vector<16xi32>,
      %gather3A_1065 = tpu.vector_load_idx %arg20[%get3A_1064] : memref<1024xf32, #tpu.memory_space<vmem>>[vector<16xi32>], vector<16xf32>,
      %get3A_1066 = arith.constant 32 : index
      %get3A_1067 = tpu.vector_load %arg16[%get3A_1066] {strides = array<i32>} : memref<50xf32, #tpu.memory_space<vmem>>, vector<16xf32>,
      %sub3A_1068 = arith.subf %gather3A_1065, %get3A_1067 : vector<16xf32>
      %get3A_1069 = arith.constant 0 : index
      %get3A_1070 = tpu.vector_load %arg21[%get3A_1069] {strides = array<i32>} : memref<16xf32, #tpu.memory_space<vmem>>, vector<16xf32>,
      %add3A_1071 = arith.addf %get3A_1070, %sub3A_1068 : vector<16xf32>
      %swap3A_1072 = arith.constant 0 : index
      %swap3A_1073 = tpu.vector_load %arg21[%swap3A_1072] {strides = array<i32>} : memref<16xf32, #tpu.memory_space<vmem>>, vector<16xf32>,
      tpu.vector_store %arg21[%swap3A_1072], %add3A_1071 {strides = array<i32>} : memref<16xf32, #tpu.memory_space<vmem>>, vector<16xf32>,
      %add3A_1074 = arith.constant 34 : i32
      %add3A_1075 = arith.addi %mul3A_1034, %add3A_1074 : i32
      %get3A_1076 = arith.index_cast %add3A_1075 : i32 to index
      %get3A_1077 = tpu.vector_load %arg9[%get3A_1076] {strides = array<i32>} : memref<1600xi32, #tpu.memory_space<vmem>>, vector<16xi32>,
      %gather3A_1078 = tpu.vector_load_idx %arg20[%get3A_1077] : memref<1024xf32, #tpu.memory_space<vmem>>[vector<16xi32>], vector<16xf32>,
      %get3A_1079 = arith.constant 34 : index
      %get3A_1080 = tpu.vector_load %arg16[%get3A_1079] {strides = array<i32>} : memref<50xf32, #tpu.memory_space<vmem>>, vector<16xf32>,
      %sub3A_1081 = arith.subf %gather3A_1078, %get3A_1080 : vector<16xf32>
      %ge3A_1082 = arith.constant 14 : i32
      %ge3A_1083 = vector.broadcast %ge3A_1082 : i32 to vector<16xi32>
      %ge3A_1084 = arith.cmpi sge, %iota3A, %ge3A_1083 : vector<16xi32>
      %broadcast_in_dim3A_1085 = arith.constant 0.000000e+00 : f32
      %broadcast_in_dim3A_1086 = vector.broadcast %broadcast_in_dim3A_1085 : f32 to vector<16xf32>
      %select_n3A_1087 = arith.select %ge3A_1084, %sub3A_1081, %broadcast_in_dim3A_1086 : vector<16xi1>, vector<16xf32>
      %get3A_1088 = arith.constant 0 : index
      %get3A_1089 = tpu.vector_load %arg21[%get3A_1088] {strides = array<i32>} : memref<16xf32, #tpu.memory_space<vmem>>, vector<16xf32>,
      %add3A_1090 = arith.addf %get3A_1089, %select_n3A_1087 : vector<16xf32>
      %swap3A_1091 = arith.constant 0 : index
      %swap3A_1092 = tpu.vector_load %arg21[%swap3A_1091] {strides = array<i32>} : memref<16xf32, #tpu.memory_space<vmem>>, vector<16xf32>,
      tpu.vector_store %arg21[%swap3A_1091], %add3A_1090 {strides = array<i32>} : memref<16xf32, #tpu.memory_space<vmem>>, vector<16xf32>,
    }
    %scan3A_11 = arith.constant 16 : i32
    %dma_wait3A = arith.constant 0 : i32
    %dma_wait3A_12 = arith.constant 0 : i32
    %dma_wait3A_13 = tpu.memref_slice %arg7[%mul3A_4, %dma_wait3A, %dma_wait3A_12] : memref<1024x50x1000xf32, #tpu.memory_space<hbm>> -> memref<1x50x1000xf32, #tpu.memory_space<hbm>>
    %dma_wait3A_14 = tpu.memref_squeeze %dma_wait3A_13 : memref<1x50x1000xf32, #tpu.memory_space<hbm>> -> memref<50x1000xf32, #tpu.memory_space<hbm>>
    %dma_wait3A_15 = arith.constant 0 : i32
    %dma_wait3A_16 = arith.constant 0 : i32
    %dma_wait3A_17 = tpu.memref_slice %arg7[%mul3A_4, %dma_wait3A_15, %dma_wait3A_16] : memref<1024x50x1000xf32, #tpu.memory_space<hbm>> -> memref<1x50x1000xf32, #tpu.memory_space<hbm>>
    %dma_wait3A_18 = tpu.memref_squeeze %dma_wait3A_17 : memref<1x50x1000xf32, #tpu.memory_space<hbm>> -> memref<50x1000xf32, #tpu.memory_space<hbm>>
    tpu.wait_dma2 semaphore(%arg25 : memref<!tpu.dma_semaphore, #tpu.memory_space<semaphore_mem>>) src(%arg18 : memref<50x1000xf32, #tpu.memory_space<vmem>>) dst(%dma_wait3A_18 : memref<50x1000xf32, #tpu.memory_space<hbm>>)
    %dma_wait3A_19 = arith.constant 0 : i32
    %dma_wait3A_20 = arith.constant 0 : i32
    %dma_wait3A_21 = tpu.memref_slice %arg7[%mul3A_4, %dma_wait3A_19, %dma_wait3A_20] : memref<1024x50x1000xf32, #tpu.memory_space<hbm>> -> memref<1x50x1000xf32, #tpu.memory_space<hbm>>
    %dma_wait3A_22 = tpu.memref_squeeze %dma_wait3A_21 : memref<1x50x1000xf32, #tpu.memory_space<hbm>> -> memref<50x1000xf32, #tpu.memory_space<hbm>>
    %dma_wait3A_23 = arith.constant 0 : i32
    %dma_wait3A_24 = arith.constant 0 : i32
    %dma_wait3A_25 = tpu.memref_slice %arg7[%mul3A_4, %dma_wait3A_23, %dma_wait3A_24] : memref<1024x50x1000xf32, #tpu.memory_space<hbm>> -> memref<1x50x1000xf32, #tpu.memory_space<hbm>>
    %dma_wait3A_26 = tpu.memref_squeeze %dma_wait3A_25 : memref<1x50x1000xf32, #tpu.memory_space<hbm>> -> memref<50x1000xf32, #tpu.memory_space<hbm>>
    tpu.wait_dma2 semaphore(%arg26 : memref<!tpu.dma_semaphore, #tpu.memory_space<semaphore_mem>>) src(%arg19 : memref<50x1000xf32, #tpu.memory_space<vmem>>) dst(%dma_wait3A_26 : memref<50x1000xf32, #tpu.memory_space<hbm>>)
    "tpu.region"() ({
      %run_scoped3A = tpu.sem_alloc : memref<!tpu.dma_semaphore, #tpu.memory_space<semaphore_mem>>
      %dma_start3A = arith.constant 0 : i32
      %dma_start3A_27 = tpu.memref_slice %arg8[%add3A, %dma_start3A] : memref<32x16xf32, #tpu.memory_space<hbm>> -> memref<1x16xf32, #tpu.memory_space<hbm>>
      %dma_start3A_28 = tpu.memref_squeeze %dma_start3A_27 : memref<1x16xf32, #tpu.memory_space<hbm>> -> memref<16xf32, #tpu.memory_space<hbm>>
      %dma_start3A_29 = arith.constant 0 : i32
      %dma_start3A_30 = tpu.memref_slice %arg8[%add3A, %dma_start3A_29] : memref<32x16xf32, #tpu.memory_space<hbm>> -> memref<1x16xf32, #tpu.memory_space<hbm>>
      %dma_start3A_31 = tpu.memref_squeeze %dma_start3A_30 : memref<1x16xf32, #tpu.memory_space<hbm>> -> memref<16xf32, #tpu.memory_space<hbm>>
      tpu.enqueue_dma source(%arg21 : memref<16xf32, #tpu.memory_space<vmem>>) target(%dma_start3A_31 : memref<16xf32, #tpu.memory_space<hbm>>) target_semaphore(%run_scoped3A : memref<!tpu.dma_semaphore, #tpu.memory_space<semaphore_mem>>)
      %dma_wait3A_32 = arith.constant 0 : i32
      %dma_wait3A_33 = tpu.memref_slice %arg8[%add3A, %dma_wait3A_32] : memref<32x16xf32, #tpu.memory_space<hbm>> -> memref<1x16xf32, #tpu.memory_space<hbm>>
      %dma_wait3A_34 = tpu.memref_squeeze %dma_wait3A_33 : memref<1x16xf32, #tpu.memory_space<hbm>> -> memref<16xf32, #tpu.memory_space<hbm>>
      %dma_wait3A_35 = arith.constant 0 : i32
      %dma_wait3A_36 = tpu.memref_slice %arg8[%add3A, %dma_wait3A_35] : memref<32x16xf32, #tpu.memory_space<hbm>> -> memref<1x16xf32, #tpu.memory_space<hbm>>
      %dma_wait3A_37 = tpu.memref_squeeze %dma_wait3A_36 : memref<1x16xf32, #tpu.memory_space<hbm>> -> memref<16xf32, #tpu.memory_space<hbm>>
      tpu.wait_dma2 semaphore(%run_scoped3A : memref<!tpu.dma_semaphore, #tpu.memory_space<semaphore_mem>>) src(%arg21 : memref<16xf32, #tpu.memory_space<vmem>>) dst(%dma_wait3A_37 : memref<16xf32, #tpu.memory_space<hbm>>)
      tpu.yield
    }) : () -> ()
    return
  }
}

module attributes {stable_mosaic.version = 14 : i64} {
  func.func @_row_lse_body(%arg0: memref<1000x1000xf32, #tpu.memory_space<vmem>>, %arg1: memref<1024xf32, #tpu.memory_space<vmem>>) attributes {dimension_semantics = [], scalar_prefetch = 0 : i64, scratch_operands = 0 : i64, tpu.core_type = #tpu.core_type<tc>} {
    %get3A = arith.constant 0 : index
    %get3A_0 = arith.constant 0 : index
    %get3A_1 = vector.load %arg0[%get3A, %get3A_0] : memref<1000x1000xf32, #tpu.memory_space<vmem>>, vector<1000x1000xf32>
    %reduce_max3A = arith.constant dense<0xFF800000> : vector<1000xf32>
    %reduce_max3A_2 = vector.multi_reduction <maximumf>, %get3A_1, %reduce_max3A [1] : vector<1000x1000xf32> to vector<1000xf32>
    %broadcast_in_dim3A = vector.shape_cast %reduce_max3A_2 : vector<1000xf32> to vector<1000x1xf32>
    %sub3A = vector.broadcast %broadcast_in_dim3A : vector<1000x1xf32> to vector<1000x1000xf32>
    %sub3A_3 = arith.subf %get3A_1, %sub3A : vector<1000x1000xf32>
    %exp3A = math.exp %sub3A_3 : vector<1000x1000xf32>
    %reduce_sum3A = arith.constant dense<0.000000e+00> : vector<1000xf32>
    %reduce_sum3A_4 = vector.multi_reduction <add>, %exp3A, %reduce_sum3A [1] : vector<1000x1000xf32> to vector<1000xf32>
    %log3A = math.log %reduce_sum3A_4 : vector<1000xf32>
    %add3A = arith.addf %log3A, %reduce_max3A_2 : vector<1000xf32>
    %swap3A = arith.constant 0 : index
    %swap3A_5 = vector.load %arg1[%swap3A] : memref<1024xf32, #tpu.memory_space<vmem>>, vector<1000xf32>
    tpu.vector_store %arg1[%swap3A], %add3A {strides = array<i32>} : memref<1024xf32, #tpu.memory_space<vmem>>, vector<1000xf32>,
    return
  }
}

module attributes {stable_mosaic.version = 14 : i64} {
  func.func @_loss_body(%arg0: memref<32x16xf32, #tpu.memory_space<vmem>>, %arg1: memref<1x1xf32, #tpu.memory_space<vmem>>) attributes {dimension_semantics = [], scalar_prefetch = 0 : i64, scratch_operands = 0 : i64, tpu.core_type = #tpu.core_type<tc>} {
    %get3A = arith.constant 0 : index
    %get3A_0 = arith.constant 0 : index
    %get3A_1 = vector.load %arg0[%get3A, %get3A_0] : memref<32x16xf32, #tpu.memory_space<vmem>>, vector<32x16xf32>
    %reduce_sum3A = vector.shape_cast %get3A_1 : vector<32x16xf32> to vector<1x32x16xf32>
    %reduce_sum3A_2 = arith.constant dense<0.000000e+00> : vector<1xf32>
    %reduce_sum3A_3 = vector.multi_reduction <add>, %reduce_sum3A, %reduce_sum3A_2 [1, 2] : vector<1x32x16xf32> to vector<1xf32>
    %reduce_sum3A_4 = vector.shape_cast %reduce_sum3A_3 : vector<1xf32> to vector<1x1x1xf32>
    %reduce_sum3A_5 = vector.extract %reduce_sum3A_4[0, 0, 0] : f32 from vector<1x1x1xf32>
    %mul3A = arith.constant 1.95312496E-5 : f32
    %mul3A_6 = arith.mulf %reduce_sum3A_5, %mul3A : f32
    %reshape3A = vector.broadcast %mul3A_6 : f32 to vector<1x1xf32>
    %swap3A = arith.constant 0 : index
    %swap3A_7 = arith.constant 0 : index
    %swap3A_8 = vector.load %arg1[%swap3A, %swap3A_7] : memref<1x1xf32, #tpu.memory_space<vmem>>, vector<1x1xf32>
    tpu.vector_store %arg1[%swap3A, %swap3A_7], %reshape3A {strides = array<i32>} : memref<1x1xf32, #tpu.memory_space<vmem>>, vector<1x1xf32>,
    return
  }
}

</mosaic_0001>

<sc_bundles>
// kernel: kernel.5.cloned.1.call-start
scs
__scs_entry_jumppad:
0x0: {  	(pc) =	sbr.rel $0x88, $3  }
0x1: {  	(tag) =	ssettag $0x0;
	lr =	simm.s32 $0x1  }
0x2: {  	[smem:$0x3F9E] =	sst lr;
	_ =	strace $0xD0000000  }
0x3: {  	_ = 	snop  }
0x4: {  	_ = 	snop  }
0x5: {  	_ = 	snop  }
0x6: {  	_ = 	snop  }
0x7: {  	_ = 	snop  }
__scs_overlays_trampoline_lowered:
0x8: {  	[smem:$0x3FAD] =	sst s0  }
0x9: {  	[smem:$0x3FAE] =	sst s1  }
0xa: {  	[smem:$0x3FAF] =	sst s2  }
0xb: {  	[smem:$0x3FB0] =	sst s3  }
0xc: {  	[smem:$0x3FB1] =	sst s4  }
0xd: {  	[smem:$0x3FB2] =	sst s5  }
0xe: {  	[smem:$0x3FB3] =	sst s6  }
0xf: {  	[smem:$0x3FB4] =	sst s7  }
0x10: {  	[smem:$0x3FB5] =	sst s8  }
0x11: {  	[smem:$0x3FB6] =	sst s9;
	s0 =	simm.s32 @!p0 $0x0  }
0x12: {  	s1 =	sld [smem:$0x3F9C];
	s0 =	simm.s32 @p0 $0x1  }
0x13: {  	[smem:$0x3FB7] =	sst s0;
	s0 =	simm.s32 @!p1 $0x0  }
0x14: {  	s2 =	sld [smem:$0x3F9B];
	s0 =	simm.s32 @p1 $0x1  }
0x15: {  	[smem:$0x3FB8] =	sst s0;
	s0 =	simm.s32 @!p2 $0x0  }
0x16: {  	s3 =	sld [smem:$0x3FDB];
	s0 =	simm.s32 @p2 $0x1  }
0x17: {  	s4 =	simm.s32 $0x1BF5;
	[smem:$0x3FBA] =	sst s0  }
0x18: {  	s0 =	sld [smem:$0x3F9D];
	_ =	swait.ge [sflag:s4], $0x0  }
0x19: {  	s7 =	sld [smem:$0x3F9E]  }
0x1a: {  	s8 =	sadd.s32 $0xFFFFE003, lr  }
0x1b: {  	s9 =	sadd.s32 $0xFFFFFEF7, lr;
	s5 =	simm.s32 $0xFFFFFFFF;
	p2 =	slt.u32 s8, $0xFFFFF086  }
0x1c: {  	p1 =	slt.u32 s9, $0xF7A;
	s5 =	simm.s32 @!p2 $0x0  }
0x1d: {  	s5 =	simm.s32 @p1 $0x1;
	p0 =	seq.s32 s7, s2  }
0x1e: {  	s7 =	smul.u32 @!p0 $0xF7A, s2;
	p2 =	seq.s32 @!p0 s5, $0x0  }
0x1f: {  	s9 =	smul.u32 $0xF7A, s1;
	s8 =	simm.s32 @!p0 $0x1BF5;
	p2 =	por !p2, p0  }
0x20: {  	[sflag:s8] =	ssyncset.s32 @!p0 $0xFFFFF086;
	s6 =	sadd.s32 @!p0 s3, s7;
	s7 =	simm.s32 @!p0 $0x108  }
0x21: {  	s3 =	sadd.s32 s3, s9;
	s6 =	sadd.s32 @!p0 $0x88, s6;
	s7 =	simm.s32 @p2 $0x1082  }
0x22: {  	[simem:s7], [sflag:s8] =	dma.local @!p0 [hbm:s6], $0xF7A  }
0x23: {  	s9 =	sor.u32 $0xD0000000, s2;
	s6 =	simm.s32 $0x108;
	_ =	swait.ge @!p0 [sflag:s8], $0x0  }
0x24: {  	s3 =	sadd.s32 $0x88, s3;
	s6 =	simm.s32 @!p1 $0x1082;
	[sflag:s4] =	ssyncset.s32 $0xFFFFF086  }
0x25: {  	[simem:s6], [sflag:s4] =	dma.local [hbm:s3], $0xF7A  }
0x26: {  	[smem:$0x3F9E] =	sst s1;
	(tag) =	ssettag s2;
	_ =	strace s9  }
0x27: {  	s1 =	sld [smem:$0x3FAE]  }
0x28: {  	s2 =	sld [smem:$0x3FAF]  }
0x29: {  	s4 =	sld [smem:$0x3FB1]  }
0x2a: {  	p0 =	seq.s32 s5, $0x0;
	s5 =	sld [smem:$0x3FB2]  }
0x2b: {  	s6 =	sld [smem:$0x3FB3]  }
0x2c: {  	s7 =	sld [smem:$0x3FB4]  }
0x2d: {  	s3 =	simm.s32 $0x108;
	s8 =	sld [smem:$0x3FB5]  }
0x2e: {  	s3 =	simm.s32 @!p0 $0x1082;
	s9 =	sld [smem:$0x3FB6]  }
0x2f: {  	lr =	sadd.s32 s0, s3;
	s0 =	sld [smem:$0x3FAD]  }
0x30: {  	s3 =	sld [smem:$0x3FB0]  }
0x31: {  	[smem:$0x3FB9] =	sst s10  }
0x32: {  	s10 =	sld [smem:$0x3FB7];
	_ =	sdelay $0x3  }
0x33: {  	p0 =	seq.s32 s10, $0x1;
	s10 =	sld [smem:$0x3FB9];
	_ =	sdelay $0x3  }
0x34: {  	[smem:$0x3FB9] =	sst s10  }
0x35: {  	s10 =	sld [smem:$0x3FB8];
	_ =	sdelay $0x3  }
0x36: {  	p1 =	seq.s32 s10, $0x1;
	s10 =	sld [smem:$0x3FB9];
	_ =	sdelay $0x3  }
0x37: {  	[smem:$0x3FB9] =	sst s10  }
0x38: {  	s10 =	sld [smem:$0x3FBA]  }
0x39: {  	_ = 	snop;
	(pc) =	sbr.ind lr, $3  }
0x3a: {  	_ = 	snop  }
0x3b: {  	_ = 	snop  }
0x3c: {  	p2 =	seq.s32 s10, $0x1;
	s10 =	sld [smem:$0x3FB9]  }
0x3d: {  	_ =	shalt  }
0x3e: {  	_ =	shalt  }
0x3f: {  	_ =	shalt  }
0x40: {  	_ =	shalt  }
0x41: {  	_ =	shalt  }
0x42: {  	_ =	shalt  }
0x43: {  	_ =	shalt  }
0x44: {  	_ =	shalt  }
0x45: {  	_ =	shalt  }
0x46: {  	_ =	shalt  }
0x47: {  	_ =	shalt  }
0x48: {  	_ =	shalt  }
0x49: {  	_ =	shalt  }
0x4a: {  	_ =	shalt  }
0x4b: {  	_ =	shalt  }
0x4c: {  	_ =	shalt  }
0x4d: {  	_ =	shalt  }
0x4e: {  	_ =	shalt  }
0x4f: {  	_ =	shalt  }
0x50: {  	_ =	shalt  }
0x51: {  	_ =	shalt  }
0x52: {  	_ =	shalt  }
0x53: {  	_ =	shalt  }
0x54: {  	_ =	shalt  }
0x55: {  	_ =	shalt  }
0x56: {  	_ =	shalt  }
0x57: {  	_ =	shalt  }
0x58: {  	_ =	shalt  }
0x59: {  	_ =	shalt  }
0x5a: {  	_ =	shalt  }
0x5b: {  	_ =	shalt  }
0x5c: {  	_ =	shalt  }
0x5d: {  	_ =	shalt  }
0x5e: {  	_ =	shalt  }
0x5f: {  	_ =	shalt  }
0x60: {  	_ =	shalt  }
0x61: {  	_ =	shalt  }
0x62: {  	_ =	shalt  }
0x63: {  	_ =	shalt  }
0x64: {  	_ =	shalt  }
0x65: {  	_ =	shalt  }
0x66: {  	_ =	shalt  }
0x67: {  	_ =	shalt  }
0x68: {  	_ =	shalt  }
0x69: {  	_ =	shalt  }
0x6a: {  	_ =	shalt  }
0x6b: {  	_ =	shalt  }
0x6c: {  	_ =	shalt  }
0x6d: {  	_ =	shalt  }
0x6e: {  	_ =	shalt  }
0x6f: {  	_ =	shalt  }
0x70: {  	_ =	shalt  }
0x71: {  	_ =	shalt  }
0x72: {  	_ =	shalt  }
0x73: {  	_ =	shalt  }
0x74: {  	_ =	shalt  }
0x75: {  	_ =	shalt  }
0x76: {  	_ =	shalt  }
0x77: {  	_ =	shalt  }
0x78: {  	_ =	shalt  }
0x79: {  	_ =	shalt  }
0x7a: {  	_ =	shalt  }
0x7b: {  	_ =	shalt  }
0x7c: {  	_ =	shalt  }
0x7d: {  	_ =	shalt  }
0x7e: {  	_ =	shalt  }
0x7f: {  	_ =	shalt  }
0x80: {  	_ =	shalt  }
0x81: {  	_ =	shalt  }
0x82: {  	_ =	shalt  }
0x83: {  	_ =	shalt  }
0x84: {  	_ =	shalt  }
0x85: {  	_ =	shalt  }
0x86: {  	_ =	shalt  }
0x87: {  	_ =	shalt  }
.Lfunc_end0:
.L_simem_size_0:
called_computation_lowered:
.L_overlay_start_0:
0x88: {  	s2 =	sld [smem:$0x3FD9]  }
0x89: {  	s3 =	sld [smem:$0x3FFE];
	_ =	sdelay $0x1  }
0x8a: {  	s1 =	srdreg.scid  }
0x8b: {  	s0 =	sand.u32 $0x1, s1  }
0x8c: {  	s14 =	sshll.u32 s0, $0xA;
	s2 =	sadd.s32 s3, s2  }
0x8d: {  	s2 =	sadd.s32 s2, s14  }
0x8e: {  	[smem:$0x3FC5] =	sst s2  }
0x8f: {  	_ = 	snop  }
0x90: {  	s2 =	sld [smem:$0x3FD0];
	_ =	sdelay $0x2  }
0x91: {  	s15 =	simm.s32 $0xA;
	s4 =	simm.s32 $0x10  }
0x92: {  	[smem:s4], [sflag:s15] =	dma.local [hbm:s2], $0x1  }
0x93: {  	_ =	swait.eq [sflag:s15], $0x1  }
0x94: {  	[sflag:s15] =	ssyncset.done $0x0  }
0x95: {  	[sflag:s15] =	ssyncadd.s32 $0xFFFFFFFF  }
0x96: {  	s16 =	sld [smem:$0x10];
	(tm) =	ssettm $0x1  }
0x97: {  	s17 =	sld [smem:$0x3FFB];
	_ =	sdelay $0x3  }
0x98: {  	_ =	strace s17  }
0x99: {  	s3 =	sld [smem:$0x3FFC];
	_ =	sdelay $0x3  }
0x9a: {  	_ =	strace s3  }
0x9b: {  	s3 =	sld [smem:$0x3FFD];
	_ =	sdelay $0x3  }
0x9c: {  	_ =	strace s3  }
0x9d: {  	_ =	strace $0x8FFFFFFF  }
0x9e: {  	s18 =	sld [smem:$0x3FDB];
	_ =	sdelay $0x1  }
0x9f: {  	s19 =	simm.s32 $_scs_section_size  }
0xa0: {  	s5 =	simm.s32 $_size__tile_overlayer_lowered;
	s6 =	simm.s32 $_tile_overlayer_lowered  }
0xa1: {  	s22 =	simm.s32 $0x1BFF;
	s21 =	sshll.u32 s6, $0x1;
	s3 =	sadd.s32 s19, s18  }
0xa2: {  	s7 =	simm.s32 $0x0;
	s20 =	sshll.u32 s5, $0x1;
	s5 =	sadd.s32 s21, s3  }
0xa3: {  	[timem:s7], [sflag:s22] =	dma.local [hbm:s5], s20  }
0xa4: {  	_ =	swait.ge [sflag:s22], s20  }
0xa5: {  	s4 =	ssub.s32 $0x0, s20;
	[sflag:s22] =	ssyncset.done $0x0  }
0xa6: {  	[sflag:s22] =	ssyncadd.s32 s4;
	_ =	sdelay $0x1  }
0xa7: {  	s23 =	simm.s32 $0x1B8B  }
0xa8: {  	_ =	swait.ge [sflag:s23], $0x1  }
0xa9: {  	[sflag:s23] =	ssyncset.done $0x0  }
0xaa: {  	s25 =	simm.s32 $0x1B8E;
	s24 =	sld [smem:$0x3FFE];
	[sflag:s23] =	ssyncadd.s32 $0xFFFFFFFF  }
0xab: {  	s26 =	simm.s32 $execute0_lowered;
	[smem:$0x3FD2] =	sst s25  }
0xac: {  	s5 =	sshll.u32 s26, $0x1;
	_ =	strace $0x80000046;
	[dreg:$0x1] =	wrdreg $0xFFFFFFFF  }
0xad: {  	s28 =	simm.s32 $_size_execute0_lowered;
	s3 =	sadd.s32 s3, s5;
	[dreg:$0x0] =	wrdreg $0x0  }
0xae: {  	s5 =	sshll.u32 s28, $0x1;
	[dreg:$0x2] =	wrdreg s3  }
0xaf: {  	[dreg:$0x3] =	wrdreg s5  }
0xb0: {  	[dreg:$0x4] =	wrdreg $0xC0  }
0xb1: {  	_ =	task [dreg:s7], $0x5FFFF  }
0xb2: {  	[dreg:$0x1] =	wrdreg $0xFFFFFFFF  }
0xb3: {  	[dreg:$0x0] =	wrdreg $0x60  }
0xb4: {  	[dreg:$0x2] =	wrdreg s24  }
0xb5: {  	[dreg:$0x3] =	wrdreg s16  }
0xb6: {  	[dreg:$0x4] =	wrdreg $0x9  }
0xb7: {  	_ =	task.clear_ibuf [dreg:s7], $0x5FFFF;
	_ =	strace $0x90000046  }
0xb8: {  	s29 =	simm.s32 $0x9;
	_ =	strace $0x80000048  }
0xb9: {  	_ =	swait.ge [sflag:s29], $0x1  }
0xba: {  	[sflag:s29] =	ssyncadd.s32 $0xFFFFFFFF  }
0xbb: {  	_ =	strace $0x90000048  }
0xbc: {  	_ =	sfence  }
0xbd: {  	s30 =	sld [smem:$0x0];
	_ =	sdelay $0x2  }
0xbe: {  	s31 =	sshll.u32 s1, $0xD;
	s1 =	sshrl.u32 s1, $0x2  }
0xbf: {  	s3 =	sand.u32 $0x4000, s31;
	s1 =	sadd.s32 s1, s30  }
0xc0: {  	s0 =	sor.u32 s3, s0;
	s1 =	sshll.u32 s1, $0x11  }
0xc1: {  	s0 =	sor.u32 s1, s0  }
0xc2: {  	s0 =	sadd.s32 $0x8F2B, s0  }
0xc3: {  	[sflag:s0] =	ssyncadd.remote.s32 $0x1  }
0xc4: {  	_ =	sfence.sel $0xFFFF  }
0xc5: {  	[dreg:$0x0] =	wrdreg $0xFFFFFFFF;
	(pc) =	sbr.abs _section_cstart, $3  }
0xc6: {  	[dreg:$0x1] =	wrdreg $0xFFFFFFFF  }
0xc7: {  	_ =	task.clear_ibuf [dreg:s7], $0x2FFFF;
	_ =	strace $0x9FFFFFFF  }
0xc8: {  	(tm) =	ssettm $0x7FFFFFFF  }
0xc9: {  	_ =	shalt  }
tec
execute0_lowered:
.L_overlay_start_1:
0x0: {  	(tag) =	ssettag $0x1  }
0x1: {  	s0 =	srdreg.scid;
	s2 =	stileid.u32  }
0x2: {  	s1 =	rddreg [dreg:$0x0];
	s12 =	simm.s32 $0x1F300;
	s15 =	simm.s32 $0x3300  }
0x3: {  	s16 =	simm.s32 $0x32;
	s20 =	simm.s32 $0x1700;
	s21 =	simm.s32 $0x11300  }
0x4: {  	s28 =	simm.s32 $0x1EB00;
	s29 =	simm.s32 $0x1580;
	s30 =	simm.s32 $0x1680  }
0x5: {  	s31 =	simm.s32 $0x1480;
	s0 =	sand.u32 $0x1, s0;
	s3 =	sshll.u32 s2, $0x1  }
0x6: {  	s2 =	rddreg [dreg:$0x1];
	s6 =	sadd.s32 $0x1200, s1;
	s5 =	sor.u32 s0, s3  }
0x7: {  	s3 =	simm.s32 $0x0;
	s0 =	ssub.s32 $0x2, s0;
	s4 =	smul.u32 $0xC8, s5  }
0x8: {  	[smem:$0x7FF] =	sst s3;
	s7 =	sshll.u32 s5, $0x4;
	s9 =	sshrl.u32 s0, $0x1  }
0x9: {  	_ =	strace $0x80000047;
	[dreg:$0x3] =	wrdreg s6;
	s0 =	ssub.s32 s0, s9  }
0xa: {  	s6 =	sadd.s32 $0x23400, s1;
	s8 =	sadd.s32 s4, s1;
	s0 =	smax.u32 s0, $0x1  }
0xb: {  	s4 =	sadd.s32 $0x1400, s1;
	s25 =	sadd.s32 $0x1FE00, s8;
	[dreg:$0x7] =	wrdreg s0  }
0xc: {  	v3 =	vlaneseq.u32;
	v0 =	vimm.f32 $0.0e+00;
	vm0 =	vmmov $0xff;
	s1 =	sadd.s32 s7, s1;
	s26 =	sadd.s32 $0x21800, s8;
	[dreg:$0x4] =	wrdreg s25  }
0xd: {  	vm1 =	vmmov $0x3;
	vm2 =	vmmov $0x3fff;
	v2 =	vshrl.u32 v3, $0x3;
	s7 =	sshll.u32 s5, $0x5;
	s1 =	sadd.s32 $0x23200, s1;
	[dreg:$0x5] =	wrdreg s26  }
0xe: {  	v1 =	vand.u32 $0x7, v3;
	v3 =	vor.u32 $0x8, v3;
	v2 =	vmul.u32 $0x8, v2;
	s5 =	simm.s32 $0x0;
	[dreg:$0x6] =	wrdreg s1;
	s1 =	simm.s32 $0x6  }
.LBB2_1:
0xf: {  	[dreg:$0x8] =	wrdreg s5  }
0x10: {  	s0 =	rddreg [dreg:$0x3]  }
0x11: {  	[tilespmem:s12], [sflag:$0x6] =	stream.linear.gather [hbm4b:s0+s3], $0x400, $0x38;
	[tilespmem:$0x1F780] =	vst v63  }
0x12: {  	_ =	swait.ge [sflag:s1], $0x400  }
0x13: {  	[sflag:s1] =	ssyncset.done $0x0  }
0x14: {  	s24 =	rddreg [dreg:$0x4];
	[sflag:s1] =	ssyncadd.s32 $0xFFFFFC00  }
0x15: {  	[tilespmem:s3], [sflag:$0x6] =	stream.linear.gather [hbm4b:s24+s3], $0x640, $0x38;
	[tilespmem:$0x1F780] =	vst v63  }
0x16: {  	_ =	swait.ge [sflag:s1], $0x640  }
0x17: {  	[sflag:s1] =	ssyncset.done $0x0  }
0x18: {  	s26 =	simm.s32 $0x680;
	s25 =	rddreg [dreg:$0x5];
	[sflag:s1] =	ssyncadd.s32 $0xFFFFF9C0  }
0x19: {  	[tilespmem:s26], [sflag:$0x6] =	stream.linear.gather [hbm4b:s25+s3], $0x640, $0x38;
	[tilespmem:$0x1F780] =	vst v63  }
0x1a: {  	_ =	swait.ge [sflag:s1], $0x640  }
0x1b: {  	[sflag:s1] =	ssyncset.done $0x0  }
0x1c: {  	[sflag:s1] =	ssyncadd.s32 $0xFFFFF9C0  }
0x1d: {  	s1 =	simm.s32 $0x0;
	[tilespmem:$0x1F700] =	vst v0  }
.LBB2_2:
0x1e: {  	p0 =	seq.s32 s1, $0x0  }
0x1f: {  	s5 =	simm.s32 @!p0 $0x4  }
0x20: {  	_ =	swait.ge @!p0 [sflag:s5], $0xE000  }
0x21: {  	s0 =	smul.u32 $0x64, s1;
	[sflag:s5] =	ssyncset.done @!p0 $0x0  }
0x22: {  	[sflag:s5] =	ssyncadd.s32 @!p0 $0xFFFF2000  }
0x23: {  	v4 =	vld [tilespmem:s0+$0x0];
	_ =	sdelay $0x1  }
0x24: {  	v5 =	vld [tilespmem:s0+$0x680];
	_ =	sdelay $0x2  }
0x25: {  	v6 =	vmul.u32 $0x3E8, v4  }
0x26: {  	v4 =	vshll.u32 v4, $0x3  }
0x27: {  	[tilespmem:$0xD00] =	vst v4;
	v5 =	vadd.s32 v5, v6  }
0x28: {  	[tilespmem:$0x1500] =	vst v5;
	v5 =	vor.u32 $0x1, v4  }
0x29: {  	[tilespmem:$0xD80] =	vst v5;
	v5 =	vor.u32 $0x2, v4  }
0x2a: {  	[tilespmem:$0xE00] =	vst v5;
	v5 =	vor.u32 $0x3, v4  }
0x2b: {  	[tilespmem:$0xE80] =	vst v5;
	v5 =	vor.u32 $0x4, v4  }
0x2c: {  	[tilespmem:$0xF00] =	vst v5;
	v5 =	vor.u32 $0x5, v4  }
0x2d: {  	[tilespmem:$0xF80] =	vst v5;
	v5 =	vor.u32 $0x6, v4  }
0x2e: {  	v4 =	vor.u32 $0x7, v4;
	[tilespmem:$0x1000] =	vst v5  }
0x2f: {  	[tilespmem:$0x1080] =	vst v4  }
0x30: {  	v4 =	vld [tilespmem:s0+$0x10];
	_ =	sdelay $0x1  }
0x31: {  	v5 =	vld [tilespmem:s0+$0x690];
	_ =	sdelay $0x2  }
0x32: {  	v54 =	vmul.u32 $0x3E8, v4  }
0x33: {  	v4 =	vshll.u32 v4, $0x3  }
0x34: {  	[tilespmem:$0xD10] =	vst v4;
	v5 =	vadd.s32 v5, v54  }
0x35: {  	[tilespmem:$0x1510] =	vst v5;
	v5 =	vor.u32 $0x1, v4  }
0x36: {  	[tilespmem:$0xD90] =	vst v5;
	v5 =	vor.u32 $0x2, v4  }
0x37: {  	[tilespmem:$0xE10] =	vst v5;
	v5 =	vor.u32 $0x3, v4  }
0x38: {  	[tilespmem:$0xE90] =	vst v5;
	v5 =	vor.u32 $0x4, v4  }
0x39: {  	[tilespmem:$0xF10] =	vst v5;
	v5 =	vor.u32 $0x5, v4  }
0x3a: {  	[tilespmem:$0xF90] =	vst v5;
	v5 =	vor.u32 $0x6, v4  }
0x3b: {  	v4 =	vor.u32 $0x7, v4;
	[tilespmem:$0x1010] =	vst v5  }
0x3c: {  	[tilespmem:$0x1090] =	vst v4  }
0x3d: {  	v4 =	vld [tilespmem:s0+$0x20];
	_ =	sdelay $0x1  }
0x3e: {  	v5 =	vld [tilespmem:s0+$0x6A0];
	_ =	sdelay $0x2  }
0x3f: {  	v55 =	vmul.u32 $0x3E8, v4  }
0x40: {  	v4 =	vshll.u32 v4, $0x3  }
0x41: {  	[tilespmem:$0xD20] =	vst v4;
	v5 =	vadd.s32 v5, v55  }
0x42: {  	[tilespmem:$0x1520] =	vst v5;
	v5 =	vor.u32 $0x1, v4  }
0x43: {  	[tilespmem:$0xDA0] =	vst v5;
	v5 =	vor.u32 $0x2, v4  }
0x44: {  	[tilespmem:$0xE20] =	vst v5;
	v5 =	vor.u32 $0x3, v4  }
0x45: {  	[tilespmem:$0xEA0] =	vst v5;
	v5 =	vor.u32 $0x4, v4  }
0x46: {  	[tilespmem:$0xF20] =	vst v5;
	v5 =	vor.u32 $0x5, v4  }
0x47: {  	[tilespmem:$0xFA0] =	vst v5;
	v5 =	vor.u32 $0x6, v4  }
0x48: {  	v4 =	vor.u32 $0x7, v4;
	[tilespmem:$0x1020] =	vst v5  }
0x49: {  	[tilespmem:$0x10A0] =	vst v4  }
0x4a: {  	v4 =	vld [tilespmem:s0+$0x22];
	_ =	sdelay $0x1  }
0x4b: {  	v5 =	vld [tilespmem:s0+$0x6A2];
	_ =	sdelay $0x1  }
0x4c: {  	v7 =	vld [tilespmem:$0xD00]  }
0x4d: {  	v56 =	vmul.u32 $0x3E8, v4  }
0x4e: {  	v4 =	vshll.u32 v4, $0x3  }
0x4f: {  	[tilespmem:$0xD22] =	vst v4;
	v5 =	vadd.s32 v5, v56  }
0x50: {  	[tilespmem:$0x1522] =	vst v5;
	v5 =	vor.u32 $0x1, v4  }
0x51: {  	v57 =	vperm.xlane v7, v1;
	[tilespmem:$0xDA2] =	vst v5;
	v5 =	vor.u32 $0x2, v4  }
0x52: {  	[tilespmem:$0xE22] =	vst v5;
	v5 =	vor.u32 $0x3, v4  }
0x53: {  	v7 =	vperm.xlane v7, v3;
	v6 =	vadd.s32 v2, v57;
	[tilespmem:$0xEA2] =	vst v5;
	v5 =	vor.u32 $0x4, v4  }
0x54: {  	[tilespmem:$0xF22] =	vst v5;
	v5 =	vor.u32 $0x5, v4  }
0x55: {  	v7 =	vadd.s32 v2, v7;
	[tilespmem:$0xFA2] =	vst v5;
	v5 =	vor.u32 $0x6, v4  }
0x56: {  	v4 =	vor.u32 $0x7, v4;
	[tilespmem:$0x1022] =	vst v5  }
0x57: {  	[tilespmem:$0x10A2] =	vst v4  }
0x58: {  	[tilespmem:s15], [sflag:$0x1] =	stream.indirect_vreg.gather [hbm4b:s2+s3], $0x80, v6, vm0, $0xb8;
	[tilespmem:$0x1F780] =	vst v63  }
0x59: {  	s13 =	simm.s32 $0x5300  }
0x5a: {  	[tilespmem:s13], [sflag:$0x1] =	stream.indirect_vreg.gather [hbm4b:s2+s3], $0x80, v7, vm0, $0xb8;
	[tilespmem:$0x1F780] =	vst v63  }
0x5b: {  	v4 =	vld [tilespmem:$0xD10];
	_ =	sdelay $0x4  }
0x5c: {  	v5 =	vperm.xlane v4, v1;
	_ =	sdelay $0x1  }
0x5d: {  	v4 =	vperm.xlane v4, v3;
	v5 =	vadd.s32 v2, v5;
	_ =	sdelay $0x1  }
0x5e: {  	v4 =	vadd.s32 v2, v4;
	_ =	sdelay $0x1  }
0x5f: {  	s14 =	simm.s32 $0x7300  }
0x60: {  	[tilespmem:s14], [sflag:$0x1] =	stream.indirect_vreg.gather [hbm4b:s2+s3], $0x80, v5, vm0, $0xb8;
	[tilespmem:$0x1F780] =	vst v63  }
0x61: {  	s17 =	simm.s32 $0x9300  }
0x62: {  	[tilespmem:s17], [sflag:$0x1] =	stream.indirect_vreg.gather [hbm4b:s2+s3], $0x80, v4, vm0, $0xb8;
	[tilespmem:$0x1F780] =	vst v63  }
0x63: {  	v4 =	vld [tilespmem:$0xD20];
	_ =	sdelay $0x4  }
0x64: {  	v5 =	vperm.xlane v4, v1;
	_ =	sdelay $0x1  }
0x65: {  	v4 =	vperm.xlane v4, v3;
	v5 =	vadd.s32 v2, v5;
	_ =	sdelay $0x1  }
0x66: {  	v4 =	vadd.s32 v2, v4;
	_ =	sdelay $0x1  }
0x67: {  	s18 =	simm.s32 $0xB300  }
0x68: {  	[tilespmem:s18], [sflag:$0x1] =	stream.indirect_vreg.gather [hbm4b:s2+s3], $0x80, v5, vm0, $0xb8;
	[tilespmem:$0x1F780] =	vst v63  }
0x69: {  	s19 =	simm.s32 $0xD300  }
0x6a: {  	[tilespmem:s19], [sflag:$0x1] =	stream.indirect_vreg.gather [hbm4b:s2+s3], $0x80, v4, vm0, $0xb8;
	[tilespmem:$0x1F780] =	vst v63  }
0x6b: {  	v4 =	vld.msk [tilespmem:$0xD30], $0x3;
	_ =	sdelay $0x4  }
0x6c: {  	v4 =	vperm.xlane v4, v1;
	_ =	sdelay $0x1  }
0x6d: {  	v4 =	vadd.s32 v2, v4;
	_ =	sdelay $0x3  }
0x6e: {  	s22 =	simm.s32 $0xF300  }
0x6f: {  	[tilespmem:s22], [sflag:$0x1] =	stream.indirect_vreg.gather [hbm4b:s2+s3], $0x80, v4, vm1, $0xb8;
	[tilespmem:$0x1F780] =	vst v63  }
0x70: {  	v4 =	vld [tilespmem:$0xD80];
	_ =	sdelay $0x4  }
0x71: {  	v5 =	vperm.xlane v4, v1;
	_ =	sdelay $0x1  }
0x72: {  	v4 =	vperm.xlane v4, v3;
	v5 =	vadd.s32 v2, v5;
	_ =	sdelay $0x1  }
0x73: {  	v4 =	vadd.s32 v2, v4;
	_ =	sdelay $0x1  }
0x74: {  	s23 =	simm.s32 $0x3700  }
0x75: {  	[tilespmem:s23], [sflag:$0x1] =	stream.indirect_vreg.gather [hbm4b:s2+s3], $0x80, v5, vm0, $0xb8;
	[tilespmem:$0x1F780] =	vst v63  }
0x76: {  	s24 =	simm.s32 $0x5700  }
0x77: {  	[tilespmem:s24], [sflag:$0x1] =	stream.indirect_vreg.gather [hbm4b:s2+s3], $0x80, v4, vm0, $0xb8;
	[tilespmem:$0x1F780] =	vst v63  }
0x78: {  	v4 =	vld [tilespmem:$0xD90];
	_ =	sdelay $0x4  }
0x79: {  	v5 =	vperm.xlane v4, v1;
	_ =	sdelay $0x1  }
0x7a: {  	v4 =	vperm.xlane v4, v3;
	v5 =	vadd.s32 v2, v5;
	_ =	sdelay $0x1  }
0x7b: {  	v4 =	vadd.s32 v2, v4;
	_ =	sdelay $0x1  }
0x7c: {  	s25 =	simm.s32 $0x7700  }
0x7d: {  	[tilespmem:s25], [sflag:$0x1] =	stream.indirect_vreg.gather [hbm4b:s2+s3], $0x80, v5, vm0, $0xb8;
	[tilespmem:$0x1F780] =	vst v63  }
0x7e: {  	s26 =	simm.s32 $0x9700  }
0x7f: {  	[tilespmem:s26], [sflag:$0x1] =	stream.indirect_vreg.gather [hbm4b:s2+s3], $0x80, v4, vm0, $0xb8;
	[tilespmem:$0x1F780] =	vst v63  }
0x80: {  	v4 =	vld [tilespmem:$0xDA0];
	_ =	sdelay $0x4  }
0x81: {  	v5 =	vperm.xlane v4, v1;
	_ =	sdelay $0x1  }
0x82: {  	v4 =	vperm.xlane v4, v3;
	v5 =	vadd.s32 v2, v5;
	_ =	sdelay $0x1  }
0x83: {  	v4 =	vadd.s32 v2, v4;
	_ =	sdelay $0x1  }
0x84: {  	s8 =	simm.s32 $0xB700  }
0x85: {  	[tilespmem:s8], [sflag:$0x1] =	stream.indirect_vreg.gather [hbm4b:s2+s3], $0x80, v5, vm0, $0xb8;
	[tilespmem:$0x1F780] =	vst v63  }
0x86: {  	s9 =	simm.s32 $0xD700  }
0x87: {  	[tilespmem:s9], [sflag:$0x1] =	stream.indirect_vreg.gather [hbm4b:s2+s3], $0x80, v4, vm0, $0xb8;
	[tilespmem:$0x1F780] =	vst v63  }
0x88: {  	v4 =	vld.msk [tilespmem:$0xDB0], $0x3;
	_ =	sdelay $0x4  }
0x89: {  	v4 =	vperm.xlane v4, v1;
	_ =	sdelay $0x1  }
0x8a: {  	v4 =	vadd.s32 v2, v4;
	_ =	sdelay $0x3  }
0x8b: {  	s10 =	simm.s32 $0xF700  }
0x8c: {  	[tilespmem:s10], [sflag:$0x1] =	stream.indirect_vreg.gather [hbm4b:s2+s3], $0x80, v4, vm1, $0xb8;
	[tilespmem:$0x1F780] =	vst v63  }
0x8d: {  	v4 =	vld [tilespmem:$0xE00];
	_ =	sdelay $0x4  }
0x8e: {  	v5 =	vperm.xlane v4, v1;
	_ =	sdelay $0x1  }
0x8f: {  	v4 =	vperm.xlane v4, v3;
	v5 =	vadd.s32 v2, v5;
	_ =	sdelay $0x1  }
0x90: {  	v4 =	vadd.s32 v2, v4;
	_ =	sdelay $0x1  }
0x91: {  	s11 =	simm.s32 $0x3B00  }
0x92: {  	[tilespmem:s11], [sflag:$0x1] =	stream.indirect_vreg.gather [hbm4b:s2+s3], $0x80, v5, vm0, $0xb8;
	[tilespmem:$0x1F780] =	vst v63  }
0x93: {  	s13 =	simm.s32 $0x5B00  }
0x94: {  	[tilespmem:s13], [sflag:$0x1] =	stream.indirect_vreg.gather [hbm4b:s2+s3], $0x80, v4, vm0, $0xb8;
	[tilespmem:$0x1F780] =	vst v63  }
0x95: {  	v4 =	vld [tilespmem:$0xE10];
	_ =	sdelay $0x4  }
0x96: {  	v5 =	vperm.xlane v4, v1;
	_ =	sdelay $0x1  }
0x97: {  	v4 =	vperm.xlane v4, v3;
	v5 =	vadd.s32 v2, v5;
	_ =	sdelay $0x1  }
0x98: {  	v4 =	vadd.s32 v2, v4;
	_ =	sdelay $0x1  }
0x99: {  	s14 =	simm.s32 $0x7B00  }
0x9a: {  	[tilespmem:s14], [sflag:$0x1] =	stream.indirect_vreg.gather [hbm4b:s2+s3], $0x80, v5, vm0, $0xb8;
	[tilespmem:$0x1F780] =	vst v63  }
0x9b: {  	s17 =	simm.s32 $0x9B00  }
0x9c: {  	[tilespmem:s17], [sflag:$0x1] =	stream.indirect_vreg.gather [hbm4b:s2+s3], $0x80, v4, vm0, $0xb8;
	[tilespmem:$0x1F780] =	vst v63  }
0x9d: {  	v4 =	vld [tilespmem:$0xE20];
	_ =	sdelay $0x4  }
0x9e: {  	v5 =	vperm.xlane v4, v1;
	_ =	sdelay $0x1  }
0x9f: {  	v4 =	vperm.xlane v4, v3;
	v5 =	vadd.s32 v2, v5;
	_ =	sdelay $0x1  }
0xa0: {  	v4 =	vadd.s32 v2, v4;
	_ =	sdelay $0x1  }
0xa1: {  	s18 =	simm.s32 $0xBB00  }
0xa2: {  	[tilespmem:s18], [sflag:$0x1] =	stream.indirect_vreg.gather [hbm4b:s2+s3], $0x80, v5, vm0, $0xb8;
	[tilespmem:$0x1F780] =	vst v63  }
0xa3: {  	s19 =	simm.s32 $0xDB00  }
0xa4: {  	[tilespmem:s19], [sflag:$0x1] =	stream.indirect_vreg.gather [hbm4b:s2+s3], $0x80, v4, vm0, $0xb8;
	[tilespmem:$0x1F780] =	vst v63  }
0xa5: {  	v4 =	vld.msk [tilespmem:$0xE30], $0x3;
	_ =	sdelay $0x4  }
0xa6: {  	v4 =	vperm.xlane v4, v1;
	_ =	sdelay $0x1  }
0xa7: {  	v4 =	vadd.s32 v2, v4;
	_ =	sdelay $0x3  }
0xa8: {  	s22 =	simm.s32 $0xFB00  }
0xa9: {  	[tilespmem:s22], [sflag:$0x1] =	stream.indirect_vreg.gather [hbm4b:s2+s3], $0x80, v4, vm1, $0xb8;
	[tilespmem:$0x1F780] =	vst v63  }
0xaa: {  	v4 =	vld [tilespmem:$0xE80];
	_ =	sdelay $0x4  }
0xab: {  	v5 =	vperm.xlane v4, v1;
	_ =	sdelay $0x1  }
0xac: {  	v4 =	vperm.xlane v4, v3;
	v5 =	vadd.s32 v2, v5;
	_ =	sdelay $0x1  }
0xad: {  	v4 =	vadd.s32 v2, v4;
	_ =	sdelay $0x1  }
0xae: {  	s23 =	simm.s32 $0x3F00  }
0xaf: {  	[tilespmem:s23], [sflag:$0x1] =	stream.indirect_vreg.gather [hbm4b:s2+s3], $0x80, v5, vm0, $0xb8;
	[tilespmem:$0x1F780] =	vst v63  }
0xb0: {  	s24 =	simm.s32 $0x5F00  }
0xb1: {  	[tilespmem:s24], [sflag:$0x1] =	stream.indirect_vreg.gather [hbm4b:s2+s3], $0x80, v4, vm0, $0xb8;
	[tilespmem:$0x1F780] =	vst v63  }
0xb2: {  	v4 =	vld [tilespmem:$0xE90];
	_ =	sdelay $0x4  }
0xb3: {  	v5 =	vperm.xlane v4, v1;
	_ =	sdelay $0x1  }
0xb4: {  	v4 =	vperm.xlane v4, v3;
	v5 =	vadd.s32 v2, v5;
	_ =	sdelay $0x1  }
0xb5: {  	v4 =	vadd.s32 v2, v4;
	_ =	sdelay $0x1  }
0xb6: {  	s25 =	simm.s32 $0x7F00  }
0xb7: {  	[tilespmem:s25], [sflag:$0x1] =	stream.indirect_vreg.gather [hbm4b:s2+s3], $0x80, v5, vm0, $0xb8;
	[tilespmem:$0x1F780] =	vst v63  }
0xb8: {  	s26 =	simm.s32 $0x9F00  }
0xb9: {  	[tilespmem:s26], [sflag:$0x1] =	stream.indirect_vreg.gather [hbm4b:s2+s3], $0x80, v4, vm0, $0xb8;
	[tilespmem:$0x1F780] =	vst v63  }
0xba: {  	v4 =	vld [tilespmem:$0xEA0];
	_ =	sdelay $0x4  }
0xbb: {  	v5 =	vperm.xlane v4, v1;
	_ =	sdelay $0x1  }
0xbc: {  	v4 =	vperm.xlane v4, v3;
	v5 =	vadd.s32 v2, v5;
	_ =	sdelay $0x1  }
0xbd: {  	v4 =	vadd.s32 v2, v4;
	_ =	sdelay $0x1  }
0xbe: {  	s8 =	simm.s32 $0xBF00  }
0xbf: {  	[tilespmem:s8], [sflag:$0x1] =	stream.indirect_vreg.gather [hbm4b:s2+s3], $0x80, v5, vm0, $0xb8;
	[tilespmem:$0x1F780] =	vst v63  }
0xc0: {  	s9 =	simm.s32 $0xDF00  }
0xc1: {  	[tilespmem:s9], [sflag:$0x1] =	stream.indirect_vreg.gather [hbm4b:s2+s3], $0x80, v4, vm0, $0xb8;
	[tilespmem:$0x1F780] =	vst v63  }
0xc2: {  	v4 =	vld.msk [tilespmem:$0xEB0], $0x3;
	_ =	sdelay $0x4  }
0xc3: {  	v4 =	vperm.xlane v4, v1;
	_ =	sdelay $0x1  }
0xc4: {  	v4 =	vadd.s32 v2, v4;
	_ =	sdelay $0x3  }
0xc5: {  	s10 =	simm.s32 $0xFF00  }
0xc6: {  	[tilespmem:s10], [sflag:$0x1] =	stream.indirect_vreg.gather [hbm4b:s2+s3], $0x80, v4, vm1, $0xb8;
	[tilespmem:$0x1F780] =	vst v63  }
0xc7: {  	v4 =	vld [tilespmem:$0xF00];
	_ =	sdelay $0x4  }
0xc8: {  	v5 =	vperm.xlane v4, v1;
	_ =	sdelay $0x1  }
0xc9: {  	v4 =	vperm.xlane v4, v3;
	v5 =	vadd.s32 v2, v5;
	_ =	sdelay $0x1  }
0xca: {  	v4 =	vadd.s32 v2, v4;
	_ =	sdelay $0x1  }
0xcb: {  	s11 =	simm.s32 $0x4300  }
0xcc: {  	[tilespmem:s11], [sflag:$0x1] =	stream.indirect_vreg.gather [hbm4b:s2+s3], $0x80, v5, vm0, $0xb8;
	[tilespmem:$0x1F780] =	vst v63  }
0xcd: {  	s13 =	simm.s32 $0x6300  }
0xce: {  	[tilespmem:s13], [sflag:$0x1] =	stream.indirect_vreg.gather [hbm4b:s2+s3], $0x80, v4, vm0, $0xb8;
	[tilespmem:$0x1F780] =	vst v63  }
0xcf: {  	v4 =	vld [tilespmem:$0xF10];
	_ =	sdelay $0x4  }
0xd0: {  	v5 =	vperm.xlane v4, v1;
	_ =	sdelay $0x1  }
0xd1: {  	v4 =	vperm.xlane v4, v3;
	v5 =	vadd.s32 v2, v5;
	_ =	sdelay $0x1  }
0xd2: {  	v4 =	vadd.s32 v2, v4;
	_ =	sdelay $0x1  }
0xd3: {  	s14 =	simm.s32 $0x8300  }
0xd4: {  	[tilespmem:s14], [sflag:$0x1] =	stream.indirect_vreg.gather [hbm4b:s2+s3], $0x80, v5, vm0, $0xb8;
	[tilespmem:$0x1F780] =	vst v63  }
0xd5: {  	s17 =	simm.s32 $0xA300  }
0xd6: {  	[tilespmem:s17], [sflag:$0x1] =	stream.indirect_vreg.gather [hbm4b:s2+s3], $0x80, v4, vm0, $0xb8;
	[tilespmem:$0x1F780] =	vst v63  }
0xd7: {  	v4 =	vld [tilespmem:$0xF20];
	_ =	sdelay $0x4  }
0xd8: {  	v5 =	vperm.xlane v4, v1;
	_ =	sdelay $0x1  }
0xd9: {  	v4 =	vperm.xlane v4, v3;
	v5 =	vadd.s32 v2, v5;
	_ =	sdelay $0x1  }
0xda: {  	v4 =	vadd.s32 v2, v4;
	_ =	sdelay $0x1  }
0xdb: {  	s18 =	simm.s32 $0xC300  }
0xdc: {  	[tilespmem:s18], [sflag:$0x1] =	stream.indirect_vreg.gather [hbm4b:s2+s3], $0x80, v5, vm0, $0xb8;
	[tilespmem:$0x1F780] =	vst v63  }
0xdd: {  	s19 =	simm.s32 $0xE300  }
0xde: {  	[tilespmem:s19], [sflag:$0x1] =	stream.indirect_vreg.gather [hbm4b:s2+s3], $0x80, v4, vm0, $0xb8;
	[tilespmem:$0x1F780] =	vst v63  }
0xdf: {  	v4 =	vld.msk [tilespmem:$0xF30], $0x3;
	_ =	sdelay $0x4  }
0xe0: {  	v4 =	vperm.xlane v4, v1;
	_ =	sdelay $0x1  }
0xe1: {  	v4 =	vadd.s32 v2, v4;
	_ =	sdelay $0x3  }
0xe2: {  	s22 =	simm.s32 $0x10300  }
0xe3: {  	[tilespmem:s22], [sflag:$0x1] =	stream.indirect_vreg.gather [hbm4b:s2+s3], $0x80, v4, vm1, $0xb8;
	[tilespmem:$0x1F780] =	vst v63  }
0xe4: {  	v4 =	vld [tilespmem:$0xF80];
	_ =	sdelay $0x4  }
0xe5: {  	v5 =	vperm.xlane v4, v1;
	_ =	sdelay $0x1  }
0xe6: {  	v4 =	vperm.xlane v4, v3;
	v5 =	vadd.s32 v2, v5;
	_ =	sdelay $0x1  }
0xe7: {  	v4 =	vadd.s32 v2, v4;
	_ =	sdelay $0x1  }
0xe8: {  	s23 =	simm.s32 $0x4700  }
0xe9: {  	[tilespmem:s23], [sflag:$0x1] =	stream.indirect_vreg.gather [hbm4b:s2+s3], $0x80, v5, vm0, $0xb8;
	[tilespmem:$0x1F780] =	vst v63  }
0xea: {  	s24 =	simm.s32 $0x6700  }
0xeb: {  	[tilespmem:s24], [sflag:$0x1] =	stream.indirect_vreg.gather [hbm4b:s2+s3], $0x80, v4, vm0, $0xb8;
	[tilespmem:$0x1F780] =	vst v63  }
0xec: {  	v4 =	vld [tilespmem:$0xF90];
	_ =	sdelay $0x4  }
0xed: {  	v5 =	vperm.xlane v4, v1;
	_ =	sdelay $0x1  }
0xee: {  	v4 =	vperm.xlane v4, v3;
	v5 =	vadd.s32 v2, v5;
	_ =	sdelay $0x1  }
0xef: {  	v4 =	vadd.s32 v2, v4;
	_ =	sdelay $0x1  }
0xf0: {  	s25 =	simm.s32 $0x8700  }
0xf1: {  	[tilespmem:s25], [sflag:$0x1] =	stream.indirect_vreg.gather [hbm4b:s2+s3], $0x80, v5, vm0, $0xb8;
	[tilespmem:$0x1F780] =	vst v63  }
0xf2: {  	s26 =	simm.s32 $0xA700  }
0xf3: {  	[tilespmem:s26], [sflag:$0x1] =	stream.indirect_vreg.gather [hbm4b:s2+s3], $0x80, v4, vm0, $0xb8;
	[tilespmem:$0x1F780] =	vst v63  }
0xf4: {  	v4 =	vld [tilespmem:$0xFA0];
	_ =	sdelay $0x4  }
0xf5: {  	v5 =	vperm.xlane v4, v1;
	_ =	sdelay $0x1  }
0xf6: {  	v4 =	vperm.xlane v4, v3;
	v5 =	vadd.s32 v2, v5;
	_ =	sdelay $0x1  }
0xf7: {  	v4 =	vadd.s32 v2, v4;
	_ =	sdelay $0x1  }
0xf8: {  	s8 =	simm.s32 $0xC700  }
0xf9: {  	[tilespmem:s8], [sflag:$0x1] =	stream.indirect_vreg.gather [hbm4b:s2+s3], $0x80, v5, vm0, $0xb8;
	[tilespmem:$0x1F780] =	vst v63  }
0xfa: {  	s9 =	simm.s32 $0xE700  }
0xfb: {  	[tilespmem:s9], [sflag:$0x1] =	stream.indirect_vreg.gather [hbm4b:s2+s3], $0x80, v4, vm0, $0xb8;
	[tilespmem:$0x1F780] =	vst v63  }
0xfc: {  	v4 =	vld.msk [tilespmem:$0xFB0], $0x3;
	_ =	sdelay $0x4  }
0xfd: {  	v4 =	vperm.xlane v4, v1;
	_ =	sdelay $0x1  }
0xfe: {  	v4 =	vadd.s32 v2, v4;
	_ =	sdelay $0x3  }
0xff: {  	s10 =	simm.s32 $0x10700  }
0x100: {  	[tilespmem:s10], [sflag:$0x1] =	stream.indirect_vreg.gather [hbm4b:s2+s3], $0x80, v4, vm1, $0xb8;
	[tilespmem:$0x1F780] =	vst v63  }
0x101: {  	v4 =	vld [tilespmem:$0x1000];
	_ =	sdelay $0x4  }
0x102: {  	v5 =	vperm.xlane v4, v1;
	_ =	sdelay $0x1  }
0x103: {  	v4 =	vperm.xlane v4, v3;
	v5 =	vadd.s32 v2, v5;
	_ =	sdelay $0x1  }
0x104: {  	v4 =	vadd.s32 v2, v4;
	_ =	sdelay $0x1  }
0x105: {  	s11 =	simm.s32 $0x4B00  }
0x106: {  	[tilespmem:s11], [sflag:$0x1] =	stream.indirect_vreg.gather [hbm4b:s2+s3], $0x80, v5, vm0, $0xb8;
	[tilespmem:$0x1F780] =	vst v63  }
0x107: {  	s13 =	simm.s32 $0x6B00  }
0x108: {  	[tilespmem:s13], [sflag:$0x1] =	stream.indirect_vreg.gather [hbm4b:s2+s3], $0x80, v4, vm0, $0xb8;
	[tilespmem:$0x1F780] =	vst v63  }
0x109: {  	v4 =	vld [tilespmem:$0x1010];
	_ =	sdelay $0x4  }
0x10a: {  	v5 =	vperm.xlane v4, v1;
	_ =	sdelay $0x1  }
0x10b: {  	v4 =	vperm.xlane v4, v3;
	v5 =	vadd.s32 v2, v5;
	_ =	sdelay $0x1  }
0x10c: {  	v4 =	vadd.s32 v2, v4;
	_ =	sdelay $0x1  }
0x10d: {  	s14 =	simm.s32 $0x8B00  }
0x10e: {  	[tilespmem:s14], [sflag:$0x1] =	stream.indirect_vreg.gather [hbm4b:s2+s3], $0x80, v5, vm0, $0xb8;
	[tilespmem:$0x1F780] =	vst v63  }
0x10f: {  	s17 =	simm.s32 $0xAB00  }
0x110: {  	[tilespmem:s17], [sflag:$0x1] =	stream.indirect_vreg.gather [hbm4b:s2+s3], $0x80, v4, vm0, $0xb8;
	[tilespmem:$0x1F780] =	vst v63  }
0x111: {  	v4 =	vld [tilespmem:$0x1020];
	_ =	sdelay $0x4  }
0x112: {  	v5 =	vperm.xlane v4, v1;
	_ =	sdelay $0x1  }
0x113: {  	v4 =	vperm.xlane v4, v3;
	v5 =	vadd.s32 v2, v5;
	_ =	sdelay $0x1  }
0x114: {  	v4 =	vadd.s32 v2, v4;
	_ =	sdelay $0x1  }
0x115: {  	s18 =	simm.s32 $0xCB00  }
0x116: {  	[tilespmem:s18], [sflag:$0x1] =	stream.indirect_vreg.gather [hbm4b:s2+s3], $0x80, v5, vm0, $0xb8;
	[tilespmem:$0x1F780] =	vst v63  }
0x117: {  	s19 =	simm.s32 $0xEB00  }
0x118: {  	[tilespmem:s19], [sflag:$0x1] =	stream.indirect_vreg.gather [hbm4b:s2+s3], $0x80, v4, vm0, $0xb8;
	[tilespmem:$0x1F780] =	vst v63  }
0x119: {  	v4 =	vld.msk [tilespmem:$0x1030], $0x3;
	_ =	sdelay $0x4  }
0x11a: {  	v4 =	vperm.xlane v4, v1;
	_ =	sdelay $0x1  }
0x11b: {  	v4 =	vadd.s32 v2, v4;
	_ =	sdelay $0x3  }
0x11c: {  	s22 =	simm.s32 $0x10B00  }
0x11d: {  	[tilespmem:s22], [sflag:$0x1] =	stream.indirect_vreg.gather [hbm4b:s2+s3], $0x80, v4, vm1, $0xb8;
	[tilespmem:$0x1F780] =	vst v63  }
0x11e: {  	s23 =	simm.s32 $0x1500;
	s8 =	simm.s32 $0x1600  }
0x11f: {  	[tilespmem:s8], [sflag:$0x1] =	stream.indirect.gather [hbm4b:s4+s16], $0x1, s23, s16, $0xb8;
	[tilespmem:$0x1F780] =	vst v63  }
0x120: {  	s5 =	simm.s32 @!p0 $0x5;
	s24 =	simm.s32 $0x1080  }
0x121: {  	[tilespmem:s20], [sflag:$0x3] =	stream.indirect.gather [hbm4b:s2+s16], $0x80, s24, s16, $0xb8;
	[tilespmem:$0x1F780] =	vst v63  }
0x122: {  	_ =	swait.ge @!p0 [sflag:s5], $0xE000  }
0x123: {  	[sflag:s5] =	ssyncset.done @!p0 $0x0  }
0x124: {  	[sflag:s5] =	ssyncadd.s32 @!p0 $0xFFFF2000  }
0x125: {  	v4 =	vld [tilespmem:s0+$0x32];
	_ =	sdelay $0x1  }
0x126: {  	v5 =	vld [tilespmem:s0+$0x6B2];
	_ =	sdelay $0x2  }
0x127: {  	v58 =	vmul.u32 $0x3E8, v4  }
0x128: {  	v4 =	vshll.u32 v4, $0x3  }
0x129: {  	[tilespmem:$0x1100] =	vst v4;
	v5 =	vadd.s32 v5, v58  }
0x12a: {  	[tilespmem:$0x1580] =	vst v5;
	v5 =	vor.u32 $0x1, v4  }
0x12b: {  	[tilespmem:$0x1180] =	vst v5;
	v5 =	vor.u32 $0x2, v4  }
0x12c: {  	[tilespmem:$0x1200] =	vst v5;
	v5 =	vor.u32 $0x3, v4  }
0x12d: {  	[tilespmem:$0x1280] =	vst v5;
	v5 =	vor.u32 $0x4, v4  }
0x12e: {  	[tilespmem:$0x1300] =	vst v5;
	v5 =	vor.u32 $0x5, v4  }
0x12f: {  	[tilespmem:$0x1380] =	vst v5;
	v5 =	vor.u32 $0x6, v4  }
0x130: {  	v4 =	vor.u32 $0x7, v4;
	[tilespmem:$0x1400] =	vst v5  }
0x131: {  	[tilespmem:$0x1480] =	vst v4  }
0x132: {  	v4 =	vld [tilespmem:s0+$0x42];
	_ =	sdelay $0x1  }
0x133: {  	v5 =	vld [tilespmem:s0+$0x6C2];
	_ =	sdelay $0x2  }
0x134: {  	v59 =	vmul.u32 $0x3E8, v4  }
0x135: {  	v4 =	vshll.u32 v4, $0x3  }
0x136: {  	[tilespmem:$0x1110] =	vst v4;
	v5 =	vadd.s32 v5, v59  }
0x137: {  	[tilespmem:$0x1590] =	vst v5;
	v5 =	vor.u32 $0x1, v4  }
0x138: {  	[tilespmem:$0x1190] =	vst v5;
	v5 =	vor.u32 $0x2, v4  }
0x139: {  	[tilespmem:$0x1210] =	vst v5;
	v5 =	vor.u32 $0x3, v4  }
0x13a: {  	[tilespmem:$0x1290] =	vst v5;
	v5 =	vor.u32 $0x4, v4  }
0x13b: {  	[tilespmem:$0x1310] =	vst v5;
	v5 =	vor.u32 $0x5, v4  }
0x13c: {  	[tilespmem:$0x1390] =	vst v5;
	v5 =	vor.u32 $0x6, v4  }
0x13d: {  	v4 =	vor.u32 $0x7, v4;
	[tilespmem:$0x1410] =	vst v5  }
0x13e: {  	[tilespmem:$0x1490] =	vst v4  }
0x13f: {  	v4 =	vld [tilespmem:s0+$0x52];
	_ =	sdelay $0x1  }
0x140: {  	v5 =	vld [tilespmem:s0+$0x6D2];
	_ =	sdelay $0x2  }
0x141: {  	v60 =	vmul.u32 $0x3E8, v4  }
0x142: {  	v4 =	vshll.u32 v4, $0x3  }
0x143: {  	[tilespmem:$0x1120] =	vst v4;
	v5 =	vadd.s32 v5, v60  }
0x144: {  	[tilespmem:$0x15A0] =	vst v5;
	v5 =	vor.u32 $0x1, v4  }
0x145: {  	[tilespmem:$0x11A0] =	vst v5;
	v5 =	vor.u32 $0x2, v4  }
0x146: {  	[tilespmem:$0x1220] =	vst v5;
	v5 =	vor.u32 $0x3, v4  }
0x147: {  	[tilespmem:$0x12A0] =	vst v5;
	v5 =	vor.u32 $0x4, v4  }
0x148: {  	[tilespmem:$0x1320] =	vst v5;
	v5 =	vor.u32 $0x5, v4  }
0x149: {  	[tilespmem:$0x13A0] =	vst v5;
	v5 =	vor.u32 $0x6, v4  }
0x14a: {  	v4 =	vor.u32 $0x7, v4;
	[tilespmem:$0x1420] =	vst v5  }
0x14b: {  	[tilespmem:$0x14A0] =	vst v4  }
0x14c: {  	v4 =	vld [tilespmem:s0+$0x54];
	_ =	sdelay $0x1  }
0x14d: {  	v5 =	vld [tilespmem:s0+$0x6D4];
	_ =	sdelay $0x2  }
0x14e: {  	v62 =	vld [tilespmem:$0x1100];
	v61 =	vmul.u32 $0x3E8, v4;
	_ =	sdelay $0x1  }
0x14f: {  	v4 =	vshll.u32 v4, $0x3;
	v5 =	vadd.s32 v5, v61  }
0x150: {  	[tilespmem:$0x15A2] =	vst v5;
	v5 =	vor.u32 $0x1, v4  }
0x151: {  	[tilespmem:$0x11A2] =	vst v5;
	v5 =	vor.u32 $0x2, v4  }
0x152: {  	v63 =	vperm.xlane v62, v1;
	[tilespmem:$0x1222] =	vst v5;
	v5 =	vor.u32 $0x3, v4  }
0x153: {  	[tilespmem:$0x12A2] =	vst v5;
	v5 =	vor.u32 $0x4, v4  }
0x154: {  	v7 =	vperm.xlane v62, v3;
	v6 =	vadd.s32 v2, v63;
	[tilespmem:$0x1322] =	vst v5;
	v5 =	vor.u32 $0x5, v4  }
0x155: {  	[tilespmem:$0x13A2] =	vst v5;
	v5 =	vor.u32 $0x6, v4  }
0x156: {  	[tilespmem:$0x1422] =	vst v5;
	v5 =	vadd.s32 v2, v7  }
0x157: {  	[tilespmem:$0x1122] =	vst v4;
	v4 =	vor.u32 $0x7, v4  }
0x158: {  	s14 =	simm.s32 $0x0;
	[tilespmem:$0x14A2] =	vst v4  }
0x159: {  	[tilespmem:s21], [sflag:$0x2] =	stream.indirect_vreg.gather [hbm4b:s2+s14], $0x80, v6, vm0, $0xb8;
	[tilespmem:$0x1F780] =	vst v63  }
0x15a: {  	s25 =	simm.s32 $0x13300  }
0x15b: {  	[tilespmem:s25], [sflag:$0x2] =	stream.indirect_vreg.gather [hbm4b:s2+s14], $0x80, v5, vm0, $0xb8;
	[tilespmem:$0x1F780] =	vst v63  }
0x15c: {  	v4 =	vld [tilespmem:$0x1110];
	_ =	sdelay $0x4  }
0x15d: {  	v5 =	vperm.xlane v4, v1;
	_ =	sdelay $0x1  }
0x15e: {  	v4 =	vperm.xlane v4, v3;
	v5 =	vadd.s32 v2, v5;
	_ =	sdelay $0x1  }
0x15f: {  	v4 =	vadd.s32 v2, v4;
	_ =	sdelay $0x1  }
0x160: {  	s26 =	simm.s32 $0x15300  }
0x161: {  	[tilespmem:s26], [sflag:$0x2] =	stream.indirect_vreg.gather [hbm4b:s2+s14], $0x80, v5, vm0, $0xb8;
	[tilespmem:$0x1F780] =	vst v63  }
0x162: {  	s8 =	simm.s32 $0x17300  }
0x163: {  	[tilespmem:s8], [sflag:$0x2] =	stream.indirect_vreg.gather [hbm4b:s2+s14], $0x80, v4, vm0, $0xb8;
	[tilespmem:$0x1F780] =	vst v63  }
0x164: {  	v4 =	vld [tilespmem:$0x1120];
	_ =	sdelay $0x4  }
0x165: {  	v5 =	vperm.xlane v4, v1;
	_ =	sdelay $0x1  }
0x166: {  	v4 =	vperm.xlane v4, v3;
	v5 =	vadd.s32 v2, v5;
	_ =	sdelay $0x1  }
0x167: {  	v4 =	vadd.s32 v2, v4;
	_ =	sdelay $0x1  }
0x168: {  	s9 =	simm.s32 $0x19300  }
0x169: {  	[tilespmem:s9], [sflag:$0x2] =	stream.indirect_vreg.gather [hbm4b:s2+s14], $0x80, v5, vm0, $0xb8;
	[tilespmem:$0x1F780] =	vst v63  }
0x16a: {  	s10 =	simm.s32 $0x1B300  }
0x16b: {  	[tilespmem:s10], [sflag:$0x2] =	stream.indirect_vreg.gather [hbm4b:s2+s14], $0x80, v4, vm0, $0xb8;
	[tilespmem:$0x1F780] =	vst v63  }
0x16c: {  	v4 =	vld.msk [tilespmem:$0x1130], $0x3;
	_ =	sdelay $0x4  }
0x16d: {  	v4 =	vperm.xlane v4, v1;
	_ =	sdelay $0x1  }
0x16e: {  	v4 =	vadd.s32 v2, v4;
	_ =	sdelay $0x3  }
0x16f: {  	s11 =	simm.s32 $0x1D300  }
0x170: {  	[tilespmem:s11], [sflag:$0x2] =	stream.indirect_vreg.gather [hbm4b:s2+s14], $0x80, v4, vm1, $0xb8;
	[tilespmem:$0x1F780] =	vst v63  }
0x171: {  	v4 =	vld [tilespmem:$0x1180];
	_ =	sdelay $0x4  }
0x172: {  	v5 =	vperm.xlane v4, v1;
	_ =	sdelay $0x1  }
0x173: {  	v4 =	vperm.xlane v4, v3;
	v5 =	vadd.s32 v2, v5;
	_ =	sdelay $0x1  }
0x174: {  	v4 =	vadd.s32 v2, v4;
	_ =	sdelay $0x1  }
0x175: {  	s13 =	simm.s32 $0x11700  }
0x176: {  	[tilespmem:s13], [sflag:$0x2] =	stream.indirect_vreg.gather [hbm4b:s2+s14], $0x80, v5, vm0, $0xb8;
	[tilespmem:$0x1F780] =	vst v63  }
0x177: {  	s17 =	simm.s32 $0x13700  }
0x178: {  	[tilespmem:s17], [sflag:$0x2] =	stream.indirect_vreg.gather [hbm4b:s2+s14], $0x80, v4, vm0, $0xb8;
	[tilespmem:$0x1F780] =	vst v63  }
0x179: {  	v4 =	vld [tilespmem:$0x1190];
	_ =	sdelay $0x4  }
0x17a: {  	v5 =	vperm.xlane v4, v1;
	_ =	sdelay $0x1  }
0x17b: {  	v4 =	vperm.xlane v4, v3;
	v5 =	vadd.s32 v2, v5;
	_ =	sdelay $0x1  }
0x17c: {  	v4 =	vadd.s32 v2, v4;
	_ =	sdelay $0x1  }
0x17d: {  	s18 =	simm.s32 $0x15700  }
0x17e: {  	[tilespmem:s18], [sflag:$0x2] =	stream.indirect_vreg.gather [hbm4b:s2+s14], $0x80, v5, vm0, $0xb8;
	[tilespmem:$0x1F780] =	vst v63  }
0x17f: {  	s19 =	simm.s32 $0x17700  }
0x180: {  	[tilespmem:s19], [sflag:$0x2] =	stream.indirect_vreg.gather [hbm4b:s2+s14], $0x80, v4, vm0, $0xb8;
	[tilespmem:$0x1F780] =	vst v63  }
0x181: {  	v4 =	vld [tilespmem:$0x11A0];
	_ =	sdelay $0x4  }
0x182: {  	v5 =	vperm.xlane v4, v1;
	_ =	sdelay $0x1  }
0x183: {  	v4 =	vperm.xlane v4, v3;
	v5 =	vadd.s32 v2, v5;
	_ =	sdelay $0x1  }
0x184: {  	v4 =	vadd.s32 v2, v4;
	_ =	sdelay $0x1  }
0x185: {  	s22 =	simm.s32 $0x19700  }
0x186: {  	[tilespmem:s22], [sflag:$0x2] =	stream.indirect_vreg.gather [hbm4b:s2+s14], $0x80, v5, vm0, $0xb8;
	[tilespmem:$0x1F780] =	vst v63  }
0x187: {  	s23 =	simm.s32 $0x1B700  }
0x188: {  	[tilespmem:s23], [sflag:$0x2] =	stream.indirect_vreg.gather [hbm4b:s2+s14], $0x80, v4, vm0, $0xb8;
	[tilespmem:$0x1F780] =	vst v63  }
0x189: {  	v4 =	vld.msk [tilespmem:$0x11B0], $0x3;
	_ =	sdelay $0x4  }
0x18a: {  	v4 =	vperm.xlane v4, v1;
	_ =	sdelay $0x1  }
0x18b: {  	v4 =	vadd.s32 v2, v4;
	_ =	sdelay $0x3  }
0x18c: {  	s24 =	simm.s32 $0x1D700  }
0x18d: {  	[tilespmem:s24], [sflag:$0x2] =	stream.indirect_vreg.gather [hbm4b:s2+s14], $0x80, v4, vm1, $0xb8;
	[tilespmem:$0x1F780] =	vst v63  }
0x18e: {  	v4 =	vld [tilespmem:$0x1200];
	_ =	sdelay $0x4  }
0x18f: {  	v5 =	vperm.xlane v4, v1;
	_ =	sdelay $0x1  }
0x190: {  	v4 =	vperm.xlane v4, v3;
	v5 =	vadd.s32 v2, v5;
	_ =	sdelay $0x1  }
0x191: {  	v4 =	vadd.s32 v2, v4;
	_ =	sdelay $0x1  }
0x192: {  	s25 =	simm.s32 $0x11B00  }
0x193: {  	[tilespmem:s25], [sflag:$0x2] =	stream.indirect_vreg.gather [hbm4b:s2+s14], $0x80, v5, vm0, $0xb8;
	[tilespmem:$0x1F780] =	vst v63  }
0x194: {  	s26 =	simm.s32 $0x13B00  }
0x195: {  	[tilespmem:s26], [sflag:$0x2] =	stream.indirect_vreg.gather [hbm4b:s2+s14], $0x80, v4, vm0, $0xb8;
	[tilespmem:$0x1F780] =	vst v63  }
0x196: {  	v4 =	vld [tilespmem:$0x1210];
	_ =	sdelay $0x4  }
0x197: {  	v5 =	vperm.xlane v4, v1;
	_ =	sdelay $0x1  }
0x198: {  	v4 =	vperm.xlane v4, v3;
	v5 =	vadd.s32 v2, v5;
	_ =	sdelay $0x1  }
0x199: {  	v4 =	vadd.s32 v2, v4;
	_ =	sdelay $0x1  }
0x19a: {  	s8 =	simm.s32 $0x15B00  }
0x19b: {  	[tilespmem:s8], [sflag:$0x2] =	stream.indirect_vreg.gather [hbm4b:s2+s14], $0x80, v5, vm0, $0xb8;
	[tilespmem:$0x1F780] =	vst v63  }
0x19c: {  	s9 =	simm.s32 $0x17B00  }
0x19d: {  	[tilespmem:s9], [sflag:$0x2] =	stream.indirect_vreg.gather [hbm4b:s2+s14], $0x80, v4, vm0, $0xb8;
	[tilespmem:$0x1F780] =	vst v63  }
0x19e: {  	v4 =	vld [tilespmem:$0x1220];
	_ =	sdelay $0x4  }
0x19f: {  	v5 =	vperm.xlane v4, v1;
	_ =	sdelay $0x1  }
0x1a0: {  	v4 =	vperm.xlane v4, v3;
	v5 =	vadd.s32 v2, v5;
	_ =	sdelay $0x1  }
0x1a1: {  	v4 =	vadd.s32 v2, v4;
	_ =	sdelay $0x1  }
0x1a2: {  	s10 =	simm.s32 $0x19B00  }
0x1a3: {  	[tilespmem:s10], [sflag:$0x2] =	stream.indirect_vreg.gather [hbm4b:s2+s14], $0x80, v5, vm0, $0xb8;
	[tilespmem:$0x1F780] =	vst v63  }
0x1a4: {  	s11 =	simm.s32 $0x1BB00  }
0x1a5: {  	[tilespmem:s11], [sflag:$0x2] =	stream.indirect_vreg.gather [hbm4b:s2+s14], $0x80, v4, vm0, $0xb8;
	[tilespmem:$0x1F780] =	vst v63  }
0x1a6: {  	v4 =	vld.msk [tilespmem:$0x1230], $0x3;
	_ =	sdelay $0x4  }
0x1a7: {  	v4 =	vperm.xlane v4, v1;
	_ =	sdelay $0x1  }
0x1a8: {  	v4 =	vadd.s32 v2, v4;
	_ =	sdelay $0x3  }
0x1a9: {  	s13 =	simm.s32 $0x1DB00  }
0x1aa: {  	[tilespmem:s13], [sflag:$0x2] =	stream.indirect_vreg.gather [hbm4b:s2+s14], $0x80, v4, vm1, $0xb8;
	[tilespmem:$0x1F780] =	vst v63  }
0x1ab: {  	v4 =	vld [tilespmem:$0x1280];
	_ =	sdelay $0x4  }
0x1ac: {  	v5 =	vperm.xlane v4, v1;
	_ =	sdelay $0x1  }
0x1ad: {  	v4 =	vperm.xlane v4, v3;
	v5 =	vadd.s32 v2, v5;
	_ =	sdelay $0x1  }
0x1ae: {  	v4 =	vadd.s32 v2, v4;
	_ =	sdelay $0x1  }
0x1af: {  	s17 =	simm.s32 $0x11F00  }
0x1b0: {  	[tilespmem:s17], [sflag:$0x2] =	stream.indirect_vreg.gather [hbm4b:s2+s14], $0x80, v5, vm0, $0xb8;
	[tilespmem:$0x1F780] =	vst v63  }
0x1b1: {  	s18 =	simm.s32 $0x13F00  }
0x1b2: {  	[tilespmem:s18], [sflag:$0x2] =	stream.indirect_vreg.gather [hbm4b:s2+s14], $0x80, v4, vm0, $0xb8;
	[tilespmem:$0x1F780] =	vst v63  }
0x1b3: {  	v4 =	vld [tilespmem:$0x1290];
	_ =	sdelay $0x4  }
0x1b4: {  	v5 =	vperm.xlane v4, v1;
	_ =	sdelay $0x1  }
0x1b5: {  	v4 =	vperm.xlane v4, v3;
	v5 =	vadd.s32 v2, v5;
	_ =	sdelay $0x1  }
0x1b6: {  	v4 =	vadd.s32 v2, v4;
	_ =	sdelay $0x1  }
0x1b7: {  	s19 =	simm.s32 $0x15F00  }
0x1b8: {  	[tilespmem:s19], [sflag:$0x2] =	stream.indirect_vreg.gather [hbm4b:s2+s14], $0x80, v5, vm0, $0xb8;
	[tilespmem:$0x1F780] =	vst v63  }
0x1b9: {  	s22 =	simm.s32 $0x17F00  }
0x1ba: {  	[tilespmem:s22], [sflag:$0x2] =	stream.indirect_vreg.gather [hbm4b:s2+s14], $0x80, v4, vm0, $0xb8;
	[tilespmem:$0x1F780] =	vst v63  }
0x1bb: {  	v4 =	vld [tilespmem:$0x12A0];
	_ =	sdelay $0x4  }
0x1bc: {  	v5 =	vperm.xlane v4, v1;
	_ =	sdelay $0x1  }
0x1bd: {  	v4 =	vperm.xlane v4, v3;
	v5 =	vadd.s32 v2, v5;
	_ =	sdelay $0x1  }
0x1be: {  	v4 =	vadd.s32 v2, v4;
	_ =	sdelay $0x1  }
0x1bf: {  	s23 =	simm.s32 $0x19F00  }
0x1c0: {  	[tilespmem:s23], [sflag:$0x2] =	stream.indirect_vreg.gather [hbm4b:s2+s14], $0x80, v5, vm0, $0xb8;
	[tilespmem:$0x1F780] =	vst v63  }
0x1c1: {  	s24 =	simm.s32 $0x1BF00  }
0x1c2: {  	[tilespmem:s24], [sflag:$0x2] =	stream.indirect_vreg.gather [hbm4b:s2+s14], $0x80, v4, vm0, $0xb8;
	[tilespmem:$0x1F780] =	vst v63  }
0x1c3: {  	v4 =	vld.msk [tilespmem:$0x12B0], $0x3;
	_ =	sdelay $0x4  }
0x1c4: {  	v4 =	vperm.xlane v4, v1;
	_ =	sdelay $0x1  }
0x1c5: {  	v4 =	vadd.s32 v2, v4;
	_ =	sdelay $0x3  }
0x1c6: {  	s25 =	simm.s32 $0x1DF00  }
0x1c7: {  	[tilespmem:s25], [sflag:$0x2] =	stream.indirect_vreg.gather [hbm4b:s2+s14], $0x80, v4, vm1, $0xb8;
	[tilespmem:$0x1F780] =	vst v63  }
0x1c8: {  	v4 =	vld [tilespmem:$0x1300];
	_ =	sdelay $0x4  }
0x1c9: {  	v5 =	vperm.xlane v4, v1;
	_ =	sdelay $0x1  }
0x1ca: {  	v4 =	vperm.xlane v4, v3;
	v5 =	vadd.s32 v2, v5;
	_ =	sdelay $0x1  }
0x1cb: {  	v4 =	vadd.s32 v2, v4;
	_ =	sdelay $0x1  }
0x1cc: {  	s26 =	simm.s32 $0x12300  }
0x1cd: {  	[tilespmem:s26], [sflag:$0x2] =	stream.indirect_vreg.gather [hbm4b:s2+s14], $0x80, v5, vm0, $0xb8;
	[tilespmem:$0x1F780] =	vst v63  }
0x1ce: {  	s8 =	simm.s32 $0x14300  }
0x1cf: {  	[tilespmem:s8], [sflag:$0x2] =	stream.indirect_vreg.gather [hbm4b:s2+s14], $0x80, v4, vm0, $0xb8;
	[tilespmem:$0x1F780] =	vst v63  }
0x1d0: {  	v4 =	vld [tilespmem:$0x1310];
	_ =	sdelay $0x4  }
0x1d1: {  	v5 =	vperm.xlane v4, v1;
	_ =	sdelay $0x1  }
0x1d2: {  	v4 =	vperm.xlane v4, v3;
	v5 =	vadd.s32 v2, v5;
	_ =	sdelay $0x1  }
0x1d3: {  	v4 =	vadd.s32 v2, v4;
	_ =	sdelay $0x1  }
0x1d4: {  	s9 =	simm.s32 $0x16300  }
0x1d5: {  	[tilespmem:s9], [sflag:$0x2] =	stream.indirect_vreg.gather [hbm4b:s2+s14], $0x80, v5, vm0, $0xb8;
	[tilespmem:$0x1F780] =	vst v63  }
0x1d6: {  	s10 =	simm.s32 $0x18300  }
0x1d7: {  	[tilespmem:s10], [sflag:$0x2] =	stream.indirect_vreg.gather [hbm4b:s2+s14], $0x80, v4, vm0, $0xb8;
	[tilespmem:$0x1F780] =	vst v63  }
0x1d8: {  	v4 =	vld [tilespmem:$0x1320];
	_ =	sdelay $0x4  }
0x1d9: {  	v5 =	vperm.xlane v4, v1;
	_ =	sdelay $0x1  }
0x1da: {  	v4 =	vperm.xlane v4, v3;
	v5 =	vadd.s32 v2, v5;
	_ =	sdelay $0x1  }
0x1db: {  	v4 =	vadd.s32 v2, v4;
	_ =	sdelay $0x1  }
0x1dc: {  	s11 =	simm.s32 $0x1A300  }
0x1dd: {  	[tilespmem:s11], [sflag:$0x2] =	stream.indirect_vreg.gather [hbm4b:s2+s14], $0x80, v5, vm0, $0xb8;
	[tilespmem:$0x1F780] =	vst v63  }
0x1de: {  	s13 =	simm.s32 $0x1C300  }
0x1df: {  	[tilespmem:s13], [sflag:$0x2] =	stream.indirect_vreg.gather [hbm4b:s2+s14], $0x80, v4, vm0, $0xb8;
	[tilespmem:$0x1F780] =	vst v63  }
0x1e0: {  	v4 =	vld.msk [tilespmem:$0x1330], $0x3;
	_ =	sdelay $0x4  }
0x1e1: {  	v4 =	vperm.xlane v4, v1;
	_ =	sdelay $0x1  }
0x1e2: {  	v4 =	vadd.s32 v2, v4;
	_ =	sdelay $0x3  }
0x1e3: {  	s17 =	simm.s32 $0x1E300  }
0x1e4: {  	[tilespmem:s17], [sflag:$0x2] =	stream.indirect_vreg.gather [hbm4b:s2+s14], $0x80, v4, vm1, $0xb8;
	[tilespmem:$0x1F780] =	vst v63  }
0x1e5: {  	v4 =	vld [tilespmem:$0x1380];
	_ =	sdelay $0x4  }
0x1e6: {  	v5 =	vperm.xlane v4, v1;
	_ =	sdelay $0x1  }
0x1e7: {  	v4 =	vperm.xlane v4, v3;
	v5 =	vadd.s32 v2, v5;
	_ =	sdelay $0x1  }
0x1e8: {  	v4 =	vadd.s32 v2, v4;
	_ =	sdelay $0x1  }
0x1e9: {  	s18 =	simm.s32 $0x12700  }
0x1ea: {  	[tilespmem:s18], [sflag:$0x2] =	stream.indirect_vreg.gather [hbm4b:s2+s14], $0x80, v5, vm0, $0xb8;
	[tilespmem:$0x1F780] =	vst v63  }
0x1eb: {  	s19 =	simm.s32 $0x14700  }
0x1ec: {  	[tilespmem:s19], [sflag:$0x2] =	stream.indirect_vreg.gather [hbm4b:s2+s14], $0x80, v4, vm0, $0xb8;
	[tilespmem:$0x1F780] =	vst v63  }
0x1ed: {  	v4 =	vld [tilespmem:$0x1390];
	_ =	sdelay $0x4  }
0x1ee: {  	v5 =	vperm.xlane v4, v1;
	_ =	sdelay $0x1  }
0x1ef: {  	v4 =	vperm.xlane v4, v3;
	v5 =	vadd.s32 v2, v5;
	_ =	sdelay $0x1  }
0x1f0: {  	v4 =	vadd.s32 v2, v4;
	_ =	sdelay $0x1  }
0x1f1: {  	s22 =	simm.s32 $0x16700  }
0x1f2: {  	[tilespmem:s22], [sflag:$0x2] =	stream.indirect_vreg.gather [hbm4b:s2+s14], $0x80, v5, vm0, $0xb8;
	[tilespmem:$0x1F780] =	vst v63  }
0x1f3: {  	s23 =	simm.s32 $0x18700  }
0x1f4: {  	[tilespmem:s23], [sflag:$0x2] =	stream.indirect_vreg.gather [hbm4b:s2+s14], $0x80, v4, vm0, $0xb8;
	[tilespmem:$0x1F780] =	vst v63  }
0x1f5: {  	v4 =	vld [tilespmem:$0x13A0];
	_ =	sdelay $0x4  }
0x1f6: {  	v5 =	vperm.xlane v4, v1;
	_ =	sdelay $0x1  }
0x1f7: {  	v4 =	vperm.xlane v4, v3;
	v5 =	vadd.s32 v2, v5;
	_ =	sdelay $0x1  }
0x1f8: {  	v4 =	vadd.s32 v2, v4;
	_ =	sdelay $0x1  }
0x1f9: {  	s24 =	simm.s32 $0x1A700  }
0x1fa: {  	[tilespmem:s24], [sflag:$0x2] =	stream.indirect_vreg.gather [hbm4b:s2+s14], $0x80, v5, vm0, $0xb8;
	[tilespmem:$0x1F780] =	vst v63  }
0x1fb: {  	s25 =	simm.s32 $0x1C700  }
0x1fc: {  	[tilespmem:s25], [sflag:$0x2] =	stream.indirect_vreg.gather [hbm4b:s2+s14], $0x80, v4, vm0, $0xb8;
	[tilespmem:$0x1F780] =	vst v63  }
0x1fd: {  	v4 =	vld.msk [tilespmem:$0x13B0], $0x3;
	_ =	sdelay $0x4  }
0x1fe: {  	v4 =	vperm.xlane v4, v1;
	_ =	sdelay $0x1  }
0x1ff: {  	v4 =	vadd.s32 v2, v4;
	_ =	sdelay $0x3  }
0x200: {  	s26 =	simm.s32 $0x1E700  }
0x201: {  	[tilespmem:s26], [sflag:$0x2] =	stream.indirect_vreg.gather [hbm4b:s2+s14], $0x80, v4, vm1, $0xb8;
	[tilespmem:$0x1F780] =	vst v63  }
0x202: {  	v4 =	vld [tilespmem:$0x1400];
	_ =	sdelay $0x4  }
0x203: {  	v5 =	vperm.xlane v4, v1;
	_ =	sdelay $0x1  }
0x204: {  	v4 =	vperm.xlane v4, v3;
	v5 =	vadd.s32 v2, v5;
	_ =	sdelay $0x1  }
0x205: {  	v4 =	vadd.s32 v2, v4;
	_ =	sdelay $0x1  }
0x206: {  	s8 =	simm.s32 $0x12B00  }
0x207: {  	[tilespmem:s8], [sflag:$0x2] =	stream.indirect_vreg.gather [hbm4b:s2+s14], $0x80, v5, vm0, $0xb8;
	[tilespmem:$0x1F780] =	vst v63  }
0x208: {  	s9 =	simm.s32 $0x14B00  }
0x209: {  	[tilespmem:s9], [sflag:$0x2] =	stream.indirect_vreg.gather [hbm4b:s2+s14], $0x80, v4, vm0, $0xb8;
	[tilespmem:$0x1F780] =	vst v63  }
0x20a: {  	v4 =	vld [tilespmem:$0x1410];
	_ =	sdelay $0x4  }
0x20b: {  	v5 =	vperm.xlane v4, v1;
	_ =	sdelay $0x1  }
0x20c: {  	v4 =	vperm.xlane v4, v3;
	v5 =	vadd.s32 v2, v5;
	_ =	sdelay $0x1  }
0x20d: {  	v4 =	vadd.s32 v2, v4;
	_ =	sdelay $0x1  }
0x20e: {  	s10 =	simm.s32 $0x16B00  }
0x20f: {  	[tilespmem:s10], [sflag:$0x2] =	stream.indirect_vreg.gather [hbm4b:s2+s14], $0x80, v5, vm0, $0xb8;
	[tilespmem:$0x1F780] =	vst v63  }
0x210: {  	s11 =	simm.s32 $0x18B00  }
0x211: {  	[tilespmem:s11], [sflag:$0x2] =	stream.indirect_vreg.gather [hbm4b:s2+s14], $0x80, v4, vm0, $0xb8;
	[tilespmem:$0x1F780] =	vst v63  }
0x212: {  	v4 =	vld [tilespmem:$0x1420];
	_ =	sdelay $0x4  }
0x213: {  	v5 =	vperm.xlane v4, v1;
	_ =	sdelay $0x1  }
0x214: {  	v4 =	vperm.xlane v4, v3;
	v5 =	vadd.s32 v2, v5;
	_ =	sdelay $0x1  }
0x215: {  	v4 =	vadd.s32 v2, v4;
	_ =	sdelay $0x1  }
0x216: {  	s13 =	simm.s32 $0x1AB00  }
0x217: {  	[tilespmem:s13], [sflag:$0x2] =	stream.indirect_vreg.gather [hbm4b:s2+s14], $0x80, v5, vm0, $0xb8;
	[tilespmem:$0x1F780] =	vst v63  }
0x218: {  	s17 =	simm.s32 $0x1CB00  }
0x219: {  	[tilespmem:s17], [sflag:$0x2] =	stream.indirect_vreg.gather [hbm4b:s2+s14], $0x80, v4, vm0, $0xb8;
	[tilespmem:$0x1F780] =	vst v63  }
0x21a: {  	v4 =	vld.msk [tilespmem:$0x1430], $0x3;
	_ =	sdelay $0x4  }
0x21b: {  	v4 =	vperm.xlane v4, v1;
	_ =	sdelay $0x1  }
0x21c: {  	v4 =	vadd.s32 v2, v4;
	_ =	sdelay $0x4  }
0x21d: {  	[tilespmem:s28], [sflag:$0x2] =	stream.indirect_vreg.gather [hbm4b:s2+s14], $0x80, v4, vm1, $0xb8;
	[tilespmem:$0x1F780] =	vst v63  }
0x21e: {  	s5 =	simm.s32 $0x1  }
0x21f: {  	[tilespmem:s30], [sflag:$0x2] =	stream.indirect.gather [hbm4b:s4+s16], $0x1, s29, s16, $0xb8;
	[tilespmem:$0x1F780] =	vst v63  }
0x220: {  	_ =	swait.ge [sflag:s5], $0x1900  }
0x221: {  	[sflag:s5] =	ssyncset.done $0x0  }
0x222: {  	[sflag:s5] =	ssyncadd.s32 $0xFFFFE700  }
0x223: {  	_ =	swait.ge [sflag:s5], $0x1900  }
0x224: {  	[sflag:s5] =	ssyncset.done $0x0  }
0x225: {  	[sflag:s5] =	ssyncadd.s32 $0xFFFFE700  }
0x226: {  	_ =	swait.ge [sflag:s5], $0x1900  }
0x227: {  	[sflag:s5] =	ssyncset.done $0x0  }
0x228: {  	[sflag:s5] =	ssyncadd.s32 $0xFFFFE700  }
0x229: {  	_ =	swait.ge [sflag:s5], $0x1900  }
0x22a: {  	[sflag:s5] =	ssyncset.done $0x0  }
0x22b: {  	[sflag:s5] =	ssyncadd.s32 $0xFFFFE700  }
0x22c: {  	_ =	swait.ge [sflag:s5], $0x1900  }
0x22d: {  	[sflag:s5] =	ssyncset.done $0x0  }
0x22e: {  	[sflag:s5] =	ssyncadd.s32 $0xFFFFE700  }
0x22f: {  	_ =	swait.ge [sflag:s5], $0x1900  }
0x230: {  	[sflag:s5] =	ssyncset.done $0x0  }
0x231: {  	[sflag:s5] =	ssyncadd.s32 $0xFFFFE700  }
0x232: {  	_ =	swait.ge [sflag:s5], $0x1900  }
0x233: {  	[sflag:s5] =	ssyncset.done $0x0  }
0x234: {  	[sflag:s5] =	ssyncadd.s32 $0xFFFFE700  }
0x235: {  	_ =	swait.ge [sflag:s5], $0x32  }
0x236: {  	[sflag:s5] =	ssyncset.done $0x0  }
0x237: {  	s8 =	simm.s32 $0x3;
	[sflag:s5] =	ssyncadd.s32 $0xFFFFFFCE  }
0x238: {  	_ =	swait.ge [sflag:s8], $0x1900  }
0x239: {  	[sflag:s8] =	ssyncset.done $0x0  }
0x23a: {  	s11 =	simm.s32 $0x1830;
	[sflag:s8] =	ssyncadd.s32 $0xFFFFE700  }
0x23b: {  	v4 =	vld [tilespmem:s11+$0xFFFFFED0]  }
0x23c: {  	s9 =	sand.u32 $0x7, s14  }
0x23d: {  	s9 =	sshll.u32 s9, $0x7  }
0x23e: {  	s9 =	sadd.s32 $0x0, s9  }
0x23f: {  	s10 =	sor.u32 $0x1C00, s9  }
0x240: {  	[tilespmem:s10+$0x3300] =	vst v4  }
0x241: {  	v4 =	vld [tilespmem:s11+$0xFFFFFEE0];
	_ =	sdelay $0x3  }
0x242: {  	s18 =	sor.u32 $0x1C10, s9  }
0x243: {  	[tilespmem:s18+$0x3300] =	vst v4  }
0x244: {  	v4 =	vld [tilespmem:s11+$0xFFFFFEF0];
	_ =	sdelay $0x3  }
0x245: {  	s19 =	sor.u32 $0x1C20, s9  }
0x246: {  	[tilespmem:s19+$0x3300] =	vst v4  }
0x247: {  	v4 =	vld [tilespmem:s11+$0xFFFFFF00];
	_ =	sdelay $0x3  }
0x248: {  	s22 =	sor.u32 $0x1C30, s9  }
0x249: {  	[tilespmem:s22+$0x3300] =	vst v4  }
0x24a: {  	v4 =	vld [tilespmem:s11+$0xFFFFFF10];
	_ =	sdelay $0x3  }
0x24b: {  	s23 =	sor.u32 $0x1C40, s9  }
0x24c: {  	[tilespmem:s23+$0x3300] =	vst v4  }
0x24d: {  	v4 =	vld [tilespmem:s11+$0xFFFFFF20];
	_ =	sdelay $0x3  }
0x24e: {  	s24 =	sor.u32 $0x1C50, s9  }
0x24f: {  	[tilespmem:s24+$0x3300] =	vst v4  }
0x250: {  	v4 =	vld [tilespmem:s11+$0xFFFFFF28];
	_ =	sdelay $0x3  }
0x251: {  	s9 =	sor.u32 $0x1C58, s9  }
0x252: {  	[tilespmem:s9+$0x3300] =	vst v4  }
0x253: {  	v4 =	vld [tilespmem:s11+$0xFFFFFF50]  }
0x254: {  	s25 =	sand.u32 $0x7, s5  }
0x255: {  	s9 =	sshll.u32 s25, $0x7  }
0x256: {  	s9 =	sadd.s32 $0x400, s9  }
0x257: {  	s26 =	sor.u32 $0x1C00, s9  }
0x258: {  	[tilespmem:s26+$0x3300] =	vst v4  }
0x259: {  	v4 =	vld [tilespmem:s11+$0xFFFFFF60];
	_ =	sdelay $0x3  }
0x25a: {  	s13 =	sor.u32 $0x1C10, s9  }
0x25b: {  	[tilespmem:s13+$0x3300] =	vst v4  }
0x25c: {  	v4 =	vld [tilespmem:s11+$0xFFFFFF70];
	_ =	sdelay $0x3  }
0x25d: {  	s17 =	sor.u32 $0x1C20, s9  }
0x25e: {  	[tilespmem:s17+$0x3300] =	vst v4  }
0x25f: {  	v4 =	vld [tilespmem:s11+$0xFFFFFF80];
	_ =	sdelay $0x3  }
0x260: {  	s18 =	sor.u32 $0x1C30, s9  }
0x261: {  	[tilespmem:s18+$0x3300] =	vst v4  }
0x262: {  	v4 =	vld [tilespmem:s11+$0xFFFFFF90];
	_ =	sdelay $0x3  }
0x263: {  	s19 =	sor.u32 $0x1C40, s9  }
0x264: {  	[tilespmem:s19+$0x3300] =	vst v4  }
0x265: {  	v4 =	vld [tilespmem:s11+$0xFFFFFFA0];
	_ =	sdelay $0x3  }
0x266: {  	s22 =	sor.u32 $0x1C50, s9  }
0x267: {  	[tilespmem:s22+$0x3300] =	vst v4  }
0x268: {  	v4 =	vld [tilespmem:s11+$0xFFFFFFA8];
	_ =	sdelay $0x3  }
0x269: {  	s9 =	sor.u32 $0x1C58, s9  }
0x26a: {  	[tilespmem:s9+$0x3300] =	vst v4  }
0x26b: {  	s9 =	simm.s32 $0x2;
	v4 =	vld [tilespmem:s11+$0xFFFFFFD0]  }
0x26c: {  	s23 =	sand.u32 $0x7, s9  }
0x26d: {  	s10 =	sshll.u32 s23, $0x7  }
0x26e: {  	s10 =	sadd.s32 $0x800, s10  }
0x26f: {  	s13 =	sor.u32 $0x1C00, s10  }
0x270: {  	[tilespmem:s13+$0x3300] =	vst v4  }
0x271: {  	v4 =	vld [tilespmem:s11+$0xFFFFFFE0];
	_ =	sdelay $0x3  }
0x272: {  	s24 =	sor.u32 $0x1C10, s10  }
0x273: {  	[tilespmem:s24+$0x3300] =	vst v4  }
0x274: {  	v4 =	vld [tilespmem:s11+$0xFFFFFFF0];
	_ =	sdelay $0x3  }
0x275: {  	s25 =	sor.u32 $0x1C20, s10  }
0x276: {  	[tilespmem:s25+$0x3300] =	vst v4  }
0x277: {  	v4 =	vld [tilespmem:s11+$0x0];
	_ =	sdelay $0x3  }
0x278: {  	s26 =	sor.u32 $0x1C30, s10  }
0x279: {  	[tilespmem:s26+$0x3300] =	vst v4  }
0x27a: {  	v4 =	vld [tilespmem:s11+$0x10];
	_ =	sdelay $0x3  }
0x27b: {  	s17 =	sor.u32 $0x1C40, s10  }
0x27c: {  	[tilespmem:s17+$0x3300] =	vst v4  }
0x27d: {  	v4 =	vld [tilespmem:s11+$0x20];
	_ =	sdelay $0x3  }
0x27e: {  	s18 =	sor.u32 $0x1C50, s10  }
0x27f: {  	[tilespmem:s18+$0x3300] =	vst v4  }
0x280: {  	v4 =	vld [tilespmem:s11+$0x28];
	_ =	sdelay $0x3  }
0x281: {  	s10 =	sor.u32 $0x1C58, s10  }
0x282: {  	[tilespmem:s10+$0x3300] =	vst v4  }
0x283: {  	v4 =	vld [tilespmem:s11+$0x50]  }
0x284: {  	s19 =	sand.u32 $0x7, s8  }
0x285: {  	s10 =	sshll.u32 s19, $0x7  }
0x286: {  	s10 =	sadd.s32 $0xC00, s10  }
0x287: {  	s22 =	sor.u32 $0x1C00, s10  }
0x288: {  	[tilespmem:s22+$0x3300] =	vst v4  }
0x289: {  	v4 =	vld [tilespmem:s11+$0x60];
	_ =	sdelay $0x3  }
0x28a: {  	s23 =	sor.u32 $0x1C10, s10  }
0x28b: {  	[tilespmem:s23+$0x3300] =	vst v4  }
0x28c: {  	v4 =	vld [tilespmem:s11+$0x70];
	_ =	sdelay $0x3  }
0x28d: {  	s24 =	sor.u32 $0x1C20, s10  }
0x28e: {  	[tilespmem:s24+$0x3300] =	vst v4  }
0x28f: {  	v4 =	vld [tilespmem:s11+$0x80];
	_ =	sdelay $0x3  }
0x290: {  	s25 =	sor.u32 $0x1C30, s10  }
0x291: {  	[tilespmem:s25+$0x3300] =	vst v4  }
0x292: {  	v4 =	vld [tilespmem:s11+$0x90];
	_ =	sdelay $0x3  }
0x293: {  	s26 =	sor.u32 $0x1C40, s10  }
0x294: {  	[tilespmem:s26+$0x3300] =	vst v4  }
0x295: {  	v4 =	vld [tilespmem:s11+$0xA0];
	_ =	sdelay $0x3  }
0x296: {  	s17 =	sor.u32 $0x1C50, s10  }
0x297: {  	[tilespmem:s17+$0x3300] =	vst v4  }
0x298: {  	v4 =	vld [tilespmem:s11+$0xA8];
	_ =	sdelay $0x3  }
0x299: {  	s10 =	sor.u32 $0x1C58, s10  }
0x29a: {  	[tilespmem:s10+$0x3300] =	vst v4  }
0x29b: {  	s10 =	simm.s32 $0x4;
	v4 =	vld [tilespmem:s11+$0xD0]  }
0x29c: {  	s18 =	sand.u32 $0x7, s10  }
0x29d: {  	s13 =	sshll.u32 s18, $0x7  }
0x29e: {  	s22 =	sadd.s32 $0x1000, s13  }
0x29f: {  	s13 =	sor.u32 $0x1C00, s22  }
0x2a0: {  	[tilespmem:s13+$0x3300] =	vst v4  }
0x2a1: {  	v4 =	vld [tilespmem:s11+$0xE0];
	_ =	sdelay $0x3  }
0x2a2: {  	s19 =	sor.u32 $0x1C10, s22  }
0x2a3: {  	[tilespmem:s19+$0x3300] =	vst v4  }
0x2a4: {  	v4 =	vld [tilespmem:s11+$0xF0];
	_ =	sdelay $0x3  }
0x2a5: {  	s23 =	sor.u32 $0x1C20, s22  }
0x2a6: {  	[tilespmem:s23+$0x3300] =	vst v4  }
0x2a7: {  	v4 =	vld [tilespmem:s11+$0x100];
	_ =	sdelay $0x3  }
0x2a8: {  	s24 =	sor.u32 $0x1C30, s22  }
0x2a9: {  	[tilespmem:s24+$0x3300] =	vst v4  }
0x2aa: {  	v4 =	vld [tilespmem:s11+$0x110];
	_ =	sdelay $0x3  }
0x2ab: {  	s25 =	sor.u32 $0x1C40, s22  }
0x2ac: {  	[tilespmem:s25+$0x3300] =	vst v4  }
0x2ad: {  	v4 =	vld [tilespmem:s11+$0x120];
	_ =	sdelay $0x3  }
0x2ae: {  	s26 =	sor.u32 $0x1C50, s22  }
0x2af: {  	[tilespmem:s26+$0x3300] =	vst v4  }
0x2b0: {  	v4 =	vld [tilespmem:s11+$0x128];
	_ =	sdelay $0x2  }
0x2b1: {  	s17 =	simm.s32 $0x400;
	s18 =	simm.s32 $0x800;
	s13 =	simm.s32 $0x1000  }
0x2b2: {  	s19 =	simm.s32 $0xC00;
	s23 =	sor.u32 $0x1C58, s22;
	s22 =	simm.s32 $0x0  }
0x2b3: {  	s24 =	simm.s32 $0x0;
	s11 =	sshll.u32 s1, $0x1;
	[tilespmem:s23+$0x3300] =	vst v4;
	s23 =	simm.s32 $0x1AB0  }
.LBB2_3:
0x2b4: {  	v4 =	vld [tilespmem:s23+$0xFFFFFED0];
	s22 =	sadd.s32 $0x5, s22;
	s14 =	sadd.s32 $0x5, s14  }
0x2b5: {  	s25 =	sand.u32 $0x7, s14;
	p0 =	slt.u32 s22, $0x2D  }
0x2b6: {  	s24 =	sadd.s32 $0x1400, s24;
	s25 =	sshll.u32 s25, $0x7  }
0x2b7: {  	s25 =	sadd.s32 s25, s24  }
0x2b8: {  	s26 =	sor.u32 $0x1C00, s25  }
0x2b9: {  	[tilespmem:s26+$0x3300] =	vst v4  }
0x2ba: {  	v4 =	vld [tilespmem:s23+$0xFFFFFEE0];
	_ =	sdelay $0x3  }
0x2bb: {  	s26 =	sor.u32 $0x1C10, s25  }
0x2bc: {  	[tilespmem:s26+$0x3300] =	vst v4  }
0x2bd: {  	v4 =	vld [tilespmem:s23+$0xFFFFFEF0];
	_ =	sdelay $0x3  }
0x2be: {  	s26 =	sor.u32 $0x1C20, s25  }
0x2bf: {  	[tilespmem:s26+$0x3300] =	vst v4  }
0x2c0: {  	v4 =	vld [tilespmem:s23+$0xFFFFFF00];
	_ =	sdelay $0x3  }
0x2c1: {  	s26 =	sor.u32 $0x1C30, s25  }
0x2c2: {  	[tilespmem:s26+$0x3300] =	vst v4  }
0x2c3: {  	v4 =	vld [tilespmem:s23+$0xFFFFFF10];
	_ =	sdelay $0x3  }
0x2c4: {  	s26 =	sor.u32 $0x1C40, s25  }
0x2c5: {  	[tilespmem:s26+$0x3300] =	vst v4  }
0x2c6: {  	v4 =	vld [tilespmem:s23+$0xFFFFFF20];
	_ =	sdelay $0x3  }
0x2c7: {  	s26 =	sor.u32 $0x1C50, s25  }
0x2c8: {  	[tilespmem:s26+$0x3300] =	vst v4  }
0x2c9: {  	v4 =	vld [tilespmem:s23+$0xFFFFFF28];
	_ =	sdelay $0x3  }
0x2ca: {  	s25 =	sor.u32 $0x1C58, s25  }
0x2cb: {  	[tilespmem:s25+$0x3300] =	vst v4  }
0x2cc: {  	s5 =	sadd.s32 $0x5, s5;
	v4 =	vld [tilespmem:s23+$0xFFFFFF50]  }
0x2cd: {  	s25 =	sand.u32 $0x7, s5  }
0x2ce: {  	s17 =	sadd.s32 $0x1400, s17;
	s25 =	sshll.u32 s25, $0x7  }
0x2cf: {  	s25 =	sadd.s32 s25, s17  }
0x2d0: {  	s26 =	sor.u32 $0x1C00, s25  }
0x2d1: {  	[tilespmem:s26+$0x3300] =	vst v4  }
0x2d2: {  	v4 =	vld [tilespmem:s23+$0xFFFFFF60];
	_ =	sdelay $0x3  }
0x2d3: {  	s26 =	sor.u32 $0x1C10, s25  }
0x2d4: {  	[tilespmem:s26+$0x3300] =	vst v4  }
0x2d5: {  	v4 =	vld [tilespmem:s23+$0xFFFFFF70];
	_ =	sdelay $0x3  }
0x2d6: {  	s26 =	sor.u32 $0x1C20, s25  }
0x2d7: {  	[tilespmem:s26+$0x3300] =	vst v4  }
0x2d8: {  	v4 =	vld [tilespmem:s23+$0xFFFFFF80];
	_ =	sdelay $0x3  }
0x2d9: {  	s26 =	sor.u32 $0x1C30, s25  }
0x2da: {  	[tilespmem:s26+$0x3300] =	vst v4  }
0x2db: {  	v4 =	vld [tilespmem:s23+$0xFFFFFF90];
	_ =	sdelay $0x3  }
0x2dc: {  	s26 =	sor.u32 $0x1C40, s25  }
0x2dd: {  	[tilespmem:s26+$0x3300] =	vst v4  }
0x2de: {  	v4 =	vld [tilespmem:s23+$0xFFFFFFA0];
	_ =	sdelay $0x3  }
0x2df: {  	s26 =	sor.u32 $0x1C50, s25  }
0x2e0: {  	[tilespmem:s26+$0x3300] =	vst v4  }
0x2e1: {  	v4 =	vld [tilespmem:s23+$0xFFFFFFA8];
	_ =	sdelay $0x3  }
0x2e2: {  	s25 =	sor.u32 $0x1C58, s25  }
0x2e3: {  	[tilespmem:s25+$0x3300] =	vst v4  }
0x2e4: {  	s9 =	sadd.s32 $0x5, s9;
	v4 =	vld [tilespmem:s23+$0xFFFFFFD0]  }
0x2e5: {  	s25 =	sand.u32 $0x7, s9  }
0x2e6: {  	s18 =	sadd.s32 $0x1400, s18;
	s25 =	sshll.u32 s25, $0x7  }
0x2e7: {  	s25 =	sadd.s32 s25, s18  }
0x2e8: {  	s26 =	sor.u32 $0x1C00, s25  }
0x2e9: {  	[tilespmem:s26+$0x3300] =	vst v4  }
0x2ea: {  	v4 =	vld [tilespmem:s23+$0xFFFFFFE0];
	_ =	sdelay $0x3  }
0x2eb: {  	s26 =	sor.u32 $0x1C10, s25  }
0x2ec: {  	[tilespmem:s26+$0x3300] =	vst v4  }
0x2ed: {  	v4 =	vld [tilespmem:s23+$0xFFFFFFF0];
	_ =	sdelay $0x3  }
0x2ee: {  	s26 =	sor.u32 $0x1C20, s25  }
0x2ef: {  	[tilespmem:s26+$0x3300] =	vst v4  }
0x2f0: {  	v4 =	vld [tilespmem:s23+$0x0];
	_ =	sdelay $0x3  }
0x2f1: {  	s26 =	sor.u32 $0x1C30, s25  }
0x2f2: {  	[tilespmem:s26+$0x3300] =	vst v4  }
0x2f3: {  	v4 =	vld [tilespmem:s23+$0x10];
	_ =	sdelay $0x3  }
0x2f4: {  	s26 =	sor.u32 $0x1C40, s25  }
0x2f5: {  	[tilespmem:s26+$0x3300] =	vst v4  }
0x2f6: {  	v4 =	vld [tilespmem:s23+$0x20];
	_ =	sdelay $0x3  }
0x2f7: {  	s26 =	sor.u32 $0x1C50, s25  }
0x2f8: {  	[tilespmem:s26+$0x3300] =	vst v4  }
0x2f9: {  	v4 =	vld [tilespmem:s23+$0x28];
	_ =	sdelay $0x3  }
0x2fa: {  	s25 =	sor.u32 $0x1C58, s25  }
0x2fb: {  	[tilespmem:s25+$0x3300] =	vst v4  }
0x2fc: {  	s8 =	sadd.s32 $0x5, s8;
	v4 =	vld [tilespmem:s23+$0x50]  }
0x2fd: {  	s25 =	sand.u32 $0x7, s8  }
0x2fe: {  	s19 =	sadd.s32 $0x1400, s19;
	s25 =	sshll.u32 s25, $0x7  }
0x2ff: {  	s25 =	sadd.s32 s25, s19  }
0x300: {  	s26 =	sor.u32 $0x1C00, s25  }
0x301: {  	[tilespmem:s26+$0x3300] =	vst v4  }
0x302: {  	v4 =	vld [tilespmem:s23+$0x60];
	_ =	sdelay $0x3  }
0x303: {  	s26 =	sor.u32 $0x1C10, s25  }
0x304: {  	[tilespmem:s26+$0x3300] =	vst v4  }
0x305: {  	v4 =	vld [tilespmem:s23+$0x70];
	_ =	sdelay $0x3  }
0x306: {  	s26 =	sor.u32 $0x1C20, s25  }
0x307: {  	[tilespmem:s26+$0x3300] =	vst v4  }
0x308: {  	v4 =	vld [tilespmem:s23+$0x80];
	_ =	sdelay $0x3  }
0x309: {  	s26 =	sor.u32 $0x1C30, s25  }
0x30a: {  	[tilespmem:s26+$0x3300] =	vst v4  }
0x30b: {  	v4 =	vld [tilespmem:s23+$0x90];
	_ =	sdelay $0x3  }
0x30c: {  	s26 =	sor.u32 $0x1C40, s25  }
0x30d: {  	[tilespmem:s26+$0x3300] =	vst v4  }
0x30e: {  	v4 =	vld [tilespmem:s23+$0xA0];
	_ =	sdelay $0x3  }
0x30f: {  	s26 =	sor.u32 $0x1C50, s25  }
0x310: {  	[tilespmem:s26+$0x3300] =	vst v4  }
0x311: {  	v4 =	vld [tilespmem:s23+$0xA8];
	_ =	sdelay $0x3  }
0x312: {  	s25 =	sor.u32 $0x1C58, s25  }
0x313: {  	[tilespmem:s25+$0x3300] =	vst v4  }
0x314: {  	s10 =	sadd.s32 $0x5, s10;
	v4 =	vld [tilespmem:s23+$0xD0]  }
0x315: {  	s25 =	sand.u32 $0x7, s10  }
0x316: {  	s13 =	sadd.s32 $0x1400, s13;
	s25 =	sshll.u32 s25, $0x7  }
0x317: {  	s25 =	sadd.s32 s25, s13  }
0x318: {  	s26 =	sor.u32 $0x1C00, s25  }
0x319: {  	[tilespmem:s26+$0x3300] =	vst v4  }
0x31a: {  	v4 =	vld [tilespmem:s23+$0xE0];
	_ =	sdelay $0x3  }
0x31b: {  	s26 =	sor.u32 $0x1C10, s25  }
0x31c: {  	[tilespmem:s26+$0x3300] =	vst v4  }
0x31d: {  	v4 =	vld [tilespmem:s23+$0xF0];
	_ =	sdelay $0x3  }
0x31e: {  	s26 =	sor.u32 $0x1C20, s25  }
0x31f: {  	[tilespmem:s26+$0x3300] =	vst v4  }
0x320: {  	v4 =	vld [tilespmem:s23+$0x100];
	_ =	sdelay $0x3  }
0x321: {  	s26 =	sor.u32 $0x1C30, s25  }
0x322: {  	[tilespmem:s26+$0x3300] =	vst v4  }
0x323: {  	v4 =	vld [tilespmem:s23+$0x110];
	_ =	sdelay $0x3  }
0x324: {  	s26 =	sor.u32 $0x1C40, s25  }
0x325: {  	[tilespmem:s26+$0x3300] =	vst v4  }
0x326: {  	v4 =	vld [tilespmem:s23+$0x120];
	_ =	sdelay $0x3  }
0x327: {  	s26 =	sor.u32 $0x1C50, s25  }
0x328: {  	[tilespmem:s26+$0x3300] =	vst v4  }
0x329: {  	v4 =	vld [tilespmem:s23+$0x128]  }
.Ltmp0:
0x32a: {  	(pc) =	sbr.rel @p0 .LBB2_3-.Ltmp0, $3  }
0x32b: {  	_ =	sdelay $0x1  }
0x32c: {  	s25 =	sor.u32 $0x1C58, s25  }
0x32d: {  	s23 =	sadd.s32 $0x280, s23;
	[tilespmem:s25+$0x3300] =	vst v4  }
0x32e: {  	s14 =	sadd.s32 s7, s11  }
0x32f: {  	s5 =	smul.u32 $0x1C00, s14;
	_ =	sdelay $0x1  }
0x330: {  	s8 =	sadd.s32 s6, s5;
	s5 =	simm.s32 $0x0  }
0x331: {  	[hbm4b:s8+s5] =	stream.linear.scatter [tilespmem:s15], [sflag:$0x4], $0xE000, $0x38;
	[tilespmem:$0x1F780] =	vst v63  }
0x332: {  	_ = 	snop  }
0x333: {  	[tilespmem:s20], [sflag:$0x3] =	stream.indirect.gather [hbm4b:s2+s16], $0x80, s31, s16, $0xb8;
	[tilespmem:$0x1F780] =	vst v63  }
0x334: {  	v4 =	vld [tilespmem:s0+$0x0];
	_ =	sdelay $0x6  }
0x335: {  	v5 =	vld [tilespmem:$0x1600]  }
0x336: {  	v4 =	vld.idx.msk [tilespmem:v4+s12+$0x0], $0xffff;
	_ =	sdelay $0x1  }
0x337: {  	v6 =	vld [tilespmem:$0x1F700];
	_ =	sdelay $0x2  }
0x338: {  	v4 =	vsub.f32 v4, v5;
	_ =	sdelay $0x1  }
0x339: {  	v4 =	vadd.f32 v4, v6;
	_ =	sdelay $0x1  }
0x33a: {  	[tilespmem:$0x1F700] =	vst v4  }
0x33b: {  	v5 =	vld [tilespmem:s0+$0x10];
	_ =	sdelay $0x6  }
0x33c: {  	v61 =	vld [tilespmem:$0x1610]  }
0x33d: {  	v5 =	vld.idx.msk [tilespmem:v5+s12+$0x0], $0xffff;
	_ =	sdelay $0x4  }
0x33e: {  	v5 =	vsub.f32 v5, v61;
	_ =	sdelay $0x1  }
0x33f: {  	v4 =	vadd.f32 v5, v4;
	_ =	sdelay $0x1  }
0x340: {  	[tilespmem:$0x1F700] =	vst v4  }
0x341: {  	v5 =	vld [tilespmem:s0+$0x20];
	_ =	sdelay $0x6  }
0x342: {  	v62 =	vld [tilespmem:$0x1620]  }
0x343: {  	v5 =	vld.idx.msk [tilespmem:v5+s12+$0x0], $0xffff;
	_ =	sdelay $0x4  }
0x344: {  	v5 =	vsub.f32 v5, v62;
	_ =	sdelay $0x1  }
0x345: {  	v4 =	vadd.f32 v5, v4;
	_ =	sdelay $0x1  }
0x346: {  	[tilespmem:$0x1F700] =	vst v4  }
0x347: {  	v5 =	vld [tilespmem:s0+$0x22];
	_ =	sdelay $0x6  }
0x348: {  	v63 =	vld [tilespmem:$0x1622]  }
0x349: {  	v5 =	vld.idx.msk [tilespmem:v5+s12+$0x0], $0xffff;
	_ =	sdelay $0x4  }
0x34a: {  	v5 =	vsub.f32 v5, v63;
	_ =	sdelay $0x1  }
0x34b: {  	v5 =	vsel vm2, $0x0, v5  }
0x34c: {  	v4 =	vadd.f32 v5, v4;
	_ =	sdelay $0x1  }
0x34d: {  	s8 =	simm.s32 $0x2;
	[tilespmem:$0x1F700] =	vst v4  }
0x34e: {  	_ =	swait.ge [sflag:s8], $0x1900  }
0x34f: {  	[sflag:s8] =	ssyncset.done $0x0  }
0x350: {  	[sflag:s8] =	ssyncadd.s32 $0xFFFFE700  }
0x351: {  	_ =	swait.ge [sflag:s8], $0x1900  }
0x352: {  	[sflag:s8] =	ssyncset.done $0x0  }
0x353: {  	[sflag:s8] =	ssyncadd.s32 $0xFFFFE700  }
0x354: {  	_ =	swait.ge [sflag:s8], $0x1900  }
0x355: {  	[sflag:s8] =	ssyncset.done $0x0  }
0x356: {  	[sflag:s8] =	ssyncadd.s32 $0xFFFFE700  }
0x357: {  	_ =	swait.ge [sflag:s8], $0x1900  }
0x358: {  	[sflag:s8] =	ssyncset.done $0x0  }
0x359: {  	[sflag:s8] =	ssyncadd.s32 $0xFFFFE700  }
0x35a: {  	_ =	swait.ge [sflag:s8], $0x1900  }
0x35b: {  	[sflag:s8] =	ssyncset.done $0x0  }
0x35c: {  	[sflag:s8] =	ssyncadd.s32 $0xFFFFE700  }
0x35d: {  	_ =	swait.ge [sflag:s8], $0x1900  }
0x35e: {  	[sflag:s8] =	ssyncset.done $0x0  }
0x35f: {  	[sflag:s8] =	ssyncadd.s32 $0xFFFFE700  }
0x360: {  	_ =	swait.ge [sflag:s8], $0x1900  }
0x361: {  	[sflag:s8] =	ssyncset.done $0x0  }
0x362: {  	[sflag:s8] =	ssyncadd.s32 $0xFFFFE700  }
0x363: {  	_ =	swait.ge [sflag:s8], $0x32  }
0x364: {  	[sflag:s8] =	ssyncset.done $0x0  }
0x365: {  	s9 =	simm.s32 $0x3;
	[sflag:s8] =	ssyncadd.s32 $0xFFFFFFCE  }
0x366: {  	_ =	swait.ge [sflag:s9], $0x1900  }
0x367: {  	[sflag:s9] =	ssyncset.done $0x0  }
0x368: {  	s13 =	simm.s32 $0x1830;
	[sflag:s9] =	ssyncadd.s32 $0xFFFFE700  }
0x369: {  	v4 =	vld [tilespmem:s13+$0xFFFFFED0]  }
0x36a: {  	s10 =	sand.u32 $0x7, s5  }
0x36b: {  	s10 =	sshll.u32 s10, $0x7  }
0x36c: {  	s10 =	sadd.s32 $0x0, s10  }
0x36d: {  	s23 =	sor.u32 $0x1C00, s10  }
0x36e: {  	[tilespmem:s23+$0x11300] =	vst v4  }
0x36f: {  	v4 =	vld [tilespmem:s13+$0xFFFFFEE0];
	_ =	sdelay $0x3  }
0x370: {  	s24 =	sor.u32 $0x1C10, s10  }
0x371: {  	[tilespmem:s24+$0x11300] =	vst v4  }
0x372: {  	v4 =	vld [tilespmem:s13+$0xFFFFFEF0];
	_ =	sdelay $0x3  }
0x373: {  	s25 =	sor.u32 $0x1C20, s10  }
0x374: {  	[tilespmem:s25+$0x11300] =	vst v4  }
0x375: {  	v4 =	vld [tilespmem:s13+$0xFFFFFF00];
	_ =	sdelay $0x3  }
0x376: {  	s26 =	sor.u32 $0x1C30, s10  }
0x377: {  	[tilespmem:s26+$0x11300] =	vst v4  }
0x378: {  	v4 =	vld [tilespmem:s13+$0xFFFFFF10];
	_ =	sdelay $0x3  }
0x379: {  	s17 =	sor.u32 $0x1C40, s10  }
0x37a: {  	[tilespmem:s17+$0x11300] =	vst v4  }
0x37b: {  	v4 =	vld [tilespmem:s13+$0xFFFFFF20];
	_ =	sdelay $0x3  }
0x37c: {  	s18 =	sor.u32 $0x1C50, s10  }
0x37d: {  	[tilespmem:s18+$0x11300] =	vst v4  }
0x37e: {  	v4 =	vld [tilespmem:s13+$0xFFFFFF28];
	_ =	sdelay $0x3  }
0x37f: {  	s10 =	sor.u32 $0x1C58, s10  }
0x380: {  	[tilespmem:s10+$0x11300] =	vst v4  }
0x381: {  	s10 =	simm.s32 $0x1;
	v4 =	vld [tilespmem:s13+$0xFFFFFF50]  }
0x382: {  	s19 =	sand.u32 $0x7, s10  }
0x383: {  	s11 =	sshll.u32 s19, $0x7  }
0x384: {  	s11 =	sadd.s32 $0x400, s11  }
0x385: {  	s17 =	sor.u32 $0x1C00, s11  }
0x386: {  	[tilespmem:s17+$0x11300] =	vst v4  }
0x387: {  	v4 =	vld [tilespmem:s13+$0xFFFFFF60];
	_ =	sdelay $0x3  }
0x388: {  	s22 =	sor.u32 $0x1C10, s11  }
0x389: {  	[tilespmem:s22+$0x11300] =	vst v4  }
0x38a: {  	v4 =	vld [tilespmem:s13+$0xFFFFFF70];
	_ =	sdelay $0x3  }
0x38b: {  	s23 =	sor.u32 $0x1C20, s11  }
0x38c: {  	[tilespmem:s23+$0x11300] =	vst v4  }
0x38d: {  	v4 =	vld [tilespmem:s13+$0xFFFFFF80];
	_ =	sdelay $0x3  }
0x38e: {  	s24 =	sor.u32 $0x1C30, s11  }
0x38f: {  	[tilespmem:s24+$0x11300] =	vst v4  }
0x390: {  	v4 =	vld [tilespmem:s13+$0xFFFFFF90];
	_ =	sdelay $0x3  }
0x391: {  	s25 =	sor.u32 $0x1C40, s11  }
0x392: {  	[tilespmem:s25+$0x11300] =	vst v4  }
0x393: {  	v4 =	vld [tilespmem:s13+$0xFFFFFFA0];
	_ =	sdelay $0x3  }
0x394: {  	s26 =	sor.u32 $0x1C50, s11  }
0x395: {  	[tilespmem:s26+$0x11300] =	vst v4  }
0x396: {  	v4 =	vld [tilespmem:s13+$0xFFFFFFA8];
	_ =	sdelay $0x3  }
0x397: {  	s11 =	sor.u32 $0x1C58, s11  }
0x398: {  	[tilespmem:s11+$0x11300] =	vst v4  }
0x399: {  	v4 =	vld [tilespmem:s13+$0xFFFFFFD0]  }
0x39a: {  	s18 =	sand.u32 $0x7, s8  }
0x39b: {  	s11 =	sshll.u32 s18, $0x7  }
0x39c: {  	s11 =	sadd.s32 $0x800, s11  }
0x39d: {  	s19 =	sor.u32 $0x1C00, s11  }
0x39e: {  	[tilespmem:s19+$0x11300] =	vst v4  }
0x39f: {  	v4 =	vld [tilespmem:s13+$0xFFFFFFE0];
	_ =	sdelay $0x3  }
0x3a0: {  	s22 =	sor.u32 $0x1C10, s11  }
0x3a1: {  	[tilespmem:s22+$0x11300] =	vst v4  }
0x3a2: {  	v4 =	vld [tilespmem:s13+$0xFFFFFFF0];
	_ =	sdelay $0x3  }
0x3a3: {  	s23 =	sor.u32 $0x1C20, s11  }
0x3a4: {  	[tilespmem:s23+$0x11300] =	vst v4  }
0x3a5: {  	v4 =	vld [tilespmem:s13+$0x0];
	_ =	sdelay $0x3  }
0x3a6: {  	s24 =	sor.u32 $0x1C30, s11  }
0x3a7: {  	[tilespmem:s24+$0x11300] =	vst v4  }
0x3a8: {  	v4 =	vld [tilespmem:s13+$0x10];
	_ =	sdelay $0x3  }
0x3a9: {  	s25 =	sor.u32 $0x1C40, s11  }
0x3aa: {  	[tilespmem:s25+$0x11300] =	vst v4  }
0x3ab: {  	v4 =	vld [tilespmem:s13+$0x20];
	_ =	sdelay $0x3  }
0x3ac: {  	s26 =	sor.u32 $0x1C50, s11  }
0x3ad: {  	[tilespmem:s26+$0x11300] =	vst v4  }
0x3ae: {  	v4 =	vld [tilespmem:s13+$0x28];
	_ =	sdelay $0x3  }
0x3af: {  	s11 =	sor.u32 $0x1C58, s11  }
0x3b0: {  	[tilespmem:s11+$0x11300] =	vst v4  }
0x3b1: {  	v4 =	vld [tilespmem:s13+$0x50]  }
0x3b2: {  	s18 =	sand.u32 $0x7, s9  }
0x3b3: {  	s11 =	sshll.u32 s18, $0x7  }
0x3b4: {  	s11 =	sadd.s32 $0xC00, s11  }
0x3b5: {  	s19 =	sor.u32 $0x1C00, s11  }
0x3b6: {  	[tilespmem:s19+$0x11300] =	vst v4  }
0x3b7: {  	v4 =	vld [tilespmem:s13+$0x60];
	_ =	sdelay $0x3  }
0x3b8: {  	s22 =	sor.u32 $0x1C10, s11  }
0x3b9: {  	[tilespmem:s22+$0x11300] =	vst v4  }
0x3ba: {  	v4 =	vld [tilespmem:s13+$0x70];
	_ =	sdelay $0x3  }
0x3bb: {  	s23 =	sor.u32 $0x1C20, s11  }
0x3bc: {  	[tilespmem:s23+$0x11300] =	vst v4  }
0x3bd: {  	v4 =	vld [tilespmem:s13+$0x80];
	_ =	sdelay $0x3  }
0x3be: {  	s24 =	sor.u32 $0x1C30, s11  }
0x3bf: {  	[tilespmem:s24+$0x11300] =	vst v4  }
0x3c0: {  	v4 =	vld [tilespmem:s13+$0x90];
	_ =	sdelay $0x3  }
0x3c1: {  	s25 =	sor.u32 $0x1C40, s11  }
0x3c2: {  	[tilespmem:s25+$0x11300] =	vst v4  }
0x3c3: {  	v4 =	vld [tilespmem:s13+$0xA0];
	_ =	sdelay $0x3  }
0x3c4: {  	s26 =	sor.u32 $0x1C50, s11  }
0x3c5: {  	[tilespmem:s26+$0x11300] =	vst v4  }
0x3c6: {  	v4 =	vld [tilespmem:s13+$0xA8];
	_ =	sdelay $0x3  }
0x3c7: {  	s11 =	sor.u32 $0x1C58, s11  }
0x3c8: {  	[tilespmem:s11+$0x11300] =	vst v4  }
0x3c9: {  	s11 =	simm.s32 $0x4;
	v4 =	vld [tilespmem:s13+$0xD0]  }
0x3ca: {  	s18 =	sand.u32 $0x7, s11  }
0x3cb: {  	s17 =	sshll.u32 s18, $0x7  }
0x3cc: {  	s22 =	sadd.s32 $0x1000, s17  }
0x3cd: {  	s17 =	sor.u32 $0x1C00, s22  }
0x3ce: {  	[tilespmem:s17+$0x11300] =	vst v4  }
0x3cf: {  	v4 =	vld [tilespmem:s13+$0xE0];
	_ =	sdelay $0x3  }
0x3d0: {  	s19 =	sor.u32 $0x1C10, s22  }
0x3d1: {  	[tilespmem:s19+$0x11300] =	vst v4  }
0x3d2: {  	v4 =	vld [tilespmem:s13+$0xF0];
	_ =	sdelay $0x3  }
0x3d3: {  	s23 =	sor.u32 $0x1C20, s22  }
0x3d4: {  	[tilespmem:s23+$0x11300] =	vst v4  }
0x3d5: {  	v4 =	vld [tilespmem:s13+$0x100];
	_ =	sdelay $0x3  }
0x3d6: {  	s24 =	sor.u32 $0x1C30, s22  }
0x3d7: {  	[tilespmem:s24+$0x11300] =	vst v4  }
0x3d8: {  	v4 =	vld [tilespmem:s13+$0x110];
	_ =	sdelay $0x3  }
0x3d9: {  	s25 =	sor.u32 $0x1C40, s22  }
0x3da: {  	[tilespmem:s25+$0x11300] =	vst v4  }
0x3db: {  	v4 =	vld [tilespmem:s13+$0x120];
	_ =	sdelay $0x3  }
0x3dc: {  	s26 =	sor.u32 $0x1C50, s22  }
0x3dd: {  	[tilespmem:s26+$0x11300] =	vst v4  }
0x3de: {  	v4 =	vld [tilespmem:s13+$0x128];
	_ =	sdelay $0x2  }
0x3df: {  	s18 =	simm.s32 $0x800;
	s17 =	simm.s32 $0x400  }
0x3e0: {  	s19 =	simm.s32 $0xC00;
	s23 =	sor.u32 $0x1C58, s22;
	s22 =	simm.s32 $0x0  }
0x3e1: {  	s24 =	simm.s32 $0x0;
	s13 =	simm.s32 $0x1000;
	[tilespmem:s23+$0x11300] =	vst v4;
	s23 =	simm.s32 $0x1AB0  }
.LBB2_5:
0x3e2: {  	v4 =	vld [tilespmem:s23+$0xFFFFFED0];
	s22 =	sadd.s32 $0x5, s22;
	s5 =	sadd.s32 $0x5, s5  }
0x3e3: {  	s25 =	sand.u32 $0x7, s5;
	p0 =	slt.u32 s22, $0x2D  }
0x3e4: {  	s24 =	sadd.s32 $0x1400, s24;
	s25 =	sshll.u32 s25, $0x7  }
0x3e5: {  	s25 =	sadd.s32 s25, s24  }
0x3e6: {  	s26 =	sor.u32 $0x1C00, s25  }
0x3e7: {  	[tilespmem:s26+$0x11300] =	vst v4  }
0x3e8: {  	v4 =	vld [tilespmem:s23+$0xFFFFFEE0];
	_ =	sdelay $0x3  }
0x3e9: {  	s26 =	sor.u32 $0x1C10, s25  }
0x3ea: {  	[tilespmem:s26+$0x11300] =	vst v4  }
0x3eb: {  	v4 =	vld [tilespmem:s23+$0xFFFFFEF0];
	_ =	sdelay $0x3  }
0x3ec: {  	s26 =	sor.u32 $0x1C20, s25  }
0x3ed: {  	[tilespmem:s26+$0x11300] =	vst v4  }
0x3ee: {  	v4 =	vld [tilespmem:s23+$0xFFFFFF00];
	_ =	sdelay $0x3  }
0x3ef: {  	s26 =	sor.u32 $0x1C30, s25  }
0x3f0: {  	[tilespmem:s26+$0x11300] =	vst v4  }
0x3f1: {  	v4 =	vld [tilespmem:s23+$0xFFFFFF10];
	_ =	sdelay $0x3  }
0x3f2: {  	s26 =	sor.u32 $0x1C40, s25  }
0x3f3: {  	[tilespmem:s26+$0x11300] =	vst v4  }
0x3f4: {  	v4 =	vld [tilespmem:s23+$0xFFFFFF20];
	_ =	sdelay $0x3  }
0x3f5: {  	s26 =	sor.u32 $0x1C50, s25  }
0x3f6: {  	[tilespmem:s26+$0x11300] =	vst v4  }
0x3f7: {  	v4 =	vld [tilespmem:s23+$0xFFFFFF28];
	_ =	sdelay $0x3  }
0x3f8: {  	s25 =	sor.u32 $0x1C58, s25  }
0x3f9: {  	[tilespmem:s25+$0x11300] =	vst v4  }
0x3fa: {  	s10 =	sadd.s32 $0x5, s10;
	v4 =	vld [tilespmem:s23+$0xFFFFFF50]  }
0x3fb: {  	s25 =	sand.u32 $0x7, s10  }
0x3fc: {  	s17 =	sadd.s32 $0x1400, s17;
	s25 =	sshll.u32 s25, $0x7  }
0x3fd: {  	s25 =	sadd.s32 s25, s17  }
0x3fe: {  	s26 =	sor.u32 $0x1C00, s25  }
0x3ff: {  	[tilespmem:s26+$0x11300] =	vst v4  }
0x400: {  	v4 =	vld [tilespmem:s23+$0xFFFFFF60];
	_ =	sdelay $0x3  }
0x401: {  	s26 =	sor.u32 $0x1C10, s25  }
0x402: {  	[tilespmem:s26+$0x11300] =	vst v4  }
0x403: {  	v4 =	vld [tilespmem:s23+$0xFFFFFF70];
	_ =	sdelay $0x3  }
0x404: {  	s26 =	sor.u32 $0x1C20, s25  }
0x405: {  	[tilespmem:s26+$0x11300] =	vst v4  }
0x406: {  	v4 =	vld [tilespmem:s23+$0xFFFFFF80];
	_ =	sdelay $0x3  }
0x407: {  	s26 =	sor.u32 $0x1C30, s25  }
0x408: {  	[tilespmem:s26+$0x11300] =	vst v4  }
0x409: {  	v4 =	vld [tilespmem:s23+$0xFFFFFF90];
	_ =	sdelay $0x3  }
0x40a: {  	s26 =	sor.u32 $0x1C40, s25  }
0x40b: {  	[tilespmem:s26+$0x11300] =	vst v4  }
0x40c: {  	v4 =	vld [tilespmem:s23+$0xFFFFFFA0];
	_ =	sdelay $0x3  }
0x40d: {  	s26 =	sor.u32 $0x1C50, s25  }
0x40e: {  	[tilespmem:s26+$0x11300] =	vst v4  }
0x40f: {  	v4 =	vld [tilespmem:s23+$0xFFFFFFA8];
	_ =	sdelay $0x3  }
0x410: {  	s25 =	sor.u32 $0x1C58, s25  }
0x411: {  	[tilespmem:s25+$0x11300] =	vst v4  }
0x412: {  	s8 =	sadd.s32 $0x5, s8;
	v4 =	vld [tilespmem:s23+$0xFFFFFFD0]  }
0x413: {  	s25 =	sand.u32 $0x7, s8  }
0x414: {  	s18 =	sadd.s32 $0x1400, s18;
	s25 =	sshll.u32 s25, $0x7  }
0x415: {  	s25 =	sadd.s32 s25, s18  }
0x416: {  	s26 =	sor.u32 $0x1C00, s25  }
0x417: {  	[tilespmem:s26+$0x11300] =	vst v4  }
0x418: {  	v4 =	vld [tilespmem:s23+$0xFFFFFFE0];
	_ =	sdelay $0x3  }
0x419: {  	s26 =	sor.u32 $0x1C10, s25  }
0x41a: {  	[tilespmem:s26+$0x11300] =	vst v4  }
0x41b: {  	v4 =	vld [tilespmem:s23+$0xFFFFFFF0];
	_ =	sdelay $0x3  }
0x41c: {  	s26 =	sor.u32 $0x1C20, s25  }
0x41d: {  	[tilespmem:s26+$0x11300] =	vst v4  }
0x41e: {  	v4 =	vld [tilespmem:s23+$0x0];
	_ =	sdelay $0x3  }
0x41f: {  	s26 =	sor.u32 $0x1C30, s25  }
0x420: {  	[tilespmem:s26+$0x11300] =	vst v4  }
0x421: {  	v4 =	vld [tilespmem:s23+$0x10];
	_ =	sdelay $0x3  }
0x422: {  	s26 =	sor.u32 $0x1C40, s25  }
0x423: {  	[tilespmem:s26+$0x11300] =	vst v4  }
0x424: {  	v4 =	vld [tilespmem:s23+$0x20];
	_ =	sdelay $0x3  }
0x425: {  	s26 =	sor.u32 $0x1C50, s25  }
0x426: {  	[tilespmem:s26+$0x11300] =	vst v4  }
0x427: {  	v4 =	vld [tilespmem:s23+$0x28];
	_ =	sdelay $0x3  }
0x428: {  	s25 =	sor.u32 $0x1C58, s25  }
0x429: {  	[tilespmem:s25+$0x11300] =	vst v4  }
0x42a: {  	s9 =	sadd.s32 $0x5, s9;
	v4 =	vld [tilespmem:s23+$0x50]  }
0x42b: {  	s25 =	sand.u32 $0x7, s9  }
0x42c: {  	s19 =	sadd.s32 $0x1400, s19;
	s25 =	sshll.u32 s25, $0x7  }
0x42d: {  	s25 =	sadd.s32 s25, s19  }
0x42e: {  	s26 =	sor.u32 $0x1C00, s25  }
0x42f: {  	[tilespmem:s26+$0x11300] =	vst v4  }
0x430: {  	v4 =	vld [tilespmem:s23+$0x60];
	_ =	sdelay $0x3  }
0x431: {  	s26 =	sor.u32 $0x1C10, s25  }
0x432: {  	[tilespmem:s26+$0x11300] =	vst v4  }
0x433: {  	v4 =	vld [tilespmem:s23+$0x70];
	_ =	sdelay $0x3  }
0x434: {  	s26 =	sor.u32 $0x1C20, s25  }
0x435: {  	[tilespmem:s26+$0x11300] =	vst v4  }
0x436: {  	v4 =	vld [tilespmem:s23+$0x80];
	_ =	sdelay $0x3  }
0x437: {  	s26 =	sor.u32 $0x1C30, s25  }
0x438: {  	[tilespmem:s26+$0x11300] =	vst v4  }
0x439: {  	v4 =	vld [tilespmem:s23+$0x90];
	_ =	sdelay $0x3  }
0x43a: {  	s26 =	sor.u32 $0x1C40, s25  }
0x43b: {  	[tilespmem:s26+$0x11300] =	vst v4  }
0x43c: {  	v4 =	vld [tilespmem:s23+$0xA0];
	_ =	sdelay $0x3  }
0x43d: {  	s26 =	sor.u32 $0x1C50, s25  }
0x43e: {  	[tilespmem:s26+$0x11300] =	vst v4  }
0x43f: {  	v4 =	vld [tilespmem:s23+$0xA8];
	_ =	sdelay $0x3  }
0x440: {  	s25 =	sor.u32 $0x1C58, s25  }
0x441: {  	[tilespmem:s25+$0x11300] =	vst v4  }
0x442: {  	s11 =	sadd.s32 $0x5, s11;
	v4 =	vld [tilespmem:s23+$0xD0]  }
0x443: {  	s25 =	sand.u32 $0x7, s11  }
0x444: {  	s13 =	sadd.s32 $0x1400, s13;
	s25 =	sshll.u32 s25, $0x7  }
0x445: {  	s25 =	sadd.s32 s25, s13  }
0x446: {  	s26 =	sor.u32 $0x1C00, s25  }
0x447: {  	[tilespmem:s26+$0x11300] =	vst v4  }
0x448: {  	v4 =	vld [tilespmem:s23+$0xE0];
	_ =	sdelay $0x3  }
0x449: {  	s26 =	sor.u32 $0x1C10, s25  }
0x44a: {  	[tilespmem:s26+$0x11300] =	vst v4  }
0x44b: {  	v4 =	vld [tilespmem:s23+$0xF0];
	_ =	sdelay $0x3  }
0x44c: {  	s26 =	sor.u32 $0x1C20, s25  }
0x44d: {  	[tilespmem:s26+$0x11300] =	vst v4  }
0x44e: {  	v4 =	vld [tilespmem:s23+$0x100];
	_ =	sdelay $0x3  }
0x44f: {  	s26 =	sor.u32 $0x1C30, s25  }
0x450: {  	[tilespmem:s26+$0x11300] =	vst v4  }
0x451: {  	v4 =	vld [tilespmem:s23+$0x110];
	_ =	sdelay $0x3  }
0x452: {  	s26 =	sor.u32 $0x1C40, s25  }
0x453: {  	[tilespmem:s26+$0x11300] =	vst v4  }
0x454: {  	v4 =	vld [tilespmem:s23+$0x120];
	_ =	sdelay $0x3  }
0x455: {  	s26 =	sor.u32 $0x1C50, s25  }
0x456: {  	[tilespmem:s26+$0x11300] =	vst v4  }
0x457: {  	v4 =	vld [tilespmem:s23+$0x128]  }
.Ltmp1:
0x458: {  	(pc) =	sbr.rel @p0 .LBB2_5-.Ltmp1, $3  }
0x459: {  	_ =	sdelay $0x1  }
0x45a: {  	s25 =	sor.u32 $0x1C58, s25  }
0x45b: {  	s23 =	sadd.s32 $0x280, s23;
	[tilespmem:s25+$0x11300] =	vst v4  }
0x45c: {  	s5 =	smul.u32 $0xE000, s14;
	_ =	sdelay $0x1  }
0x45d: {  	s5 =	sshrl.u32 s5, $0x3  }
0x45e: {  	s5 =	sadd.s32 s6, s5  }
0x45f: {  	s5 =	sadd.s32 $0x1C00, s5  }
0x460: {  	[hbm4b:s5+s3] =	stream.linear.scatter [tilespmem:s21], [sflag:$0x5], $0xE000, $0x38;
	[tilespmem:$0x1F780] =	vst v63  }
0x461: {  	v4 =	vld [tilespmem:s0+$0x32];
	_ =	sdelay $0x6  }
0x462: {  	v5 =	vld [tilespmem:$0x1680]  }
0x463: {  	v4 =	vld.idx.msk [tilespmem:v4+s12+$0x0], $0xffff;
	_ =	sdelay $0x1  }
0x464: {  	v6 =	vld [tilespmem:$0x1F700];
	_ =	sdelay $0x2  }
0x465: {  	v4 =	vsub.f32 v4, v5;
	_ =	sdelay $0x1  }
0x466: {  	v4 =	vadd.f32 v4, v6;
	_ =	sdelay $0x1  }
0x467: {  	[tilespmem:$0x1F700] =	vst v4  }
0x468: {  	v5 =	vld [tilespmem:s0+$0x42];
	_ =	sdelay $0x6  }
0x469: {  	v61 =	vld [tilespmem:$0x1690]  }
0x46a: {  	v5 =	vld.idx.msk [tilespmem:v5+s12+$0x0], $0xffff;
	_ =	sdelay $0x4  }
0x46b: {  	v5 =	vsub.f32 v5, v61;
	_ =	sdelay $0x1  }
0x46c: {  	v4 =	vadd.f32 v5, v4;
	_ =	sdelay $0x1  }
0x46d: {  	[tilespmem:$0x1F700] =	vst v4  }
0x46e: {  	v5 =	vld [tilespmem:s0+$0x52];
	_ =	sdelay $0x6  }
0x46f: {  	v62 =	vld [tilespmem:$0x16A0]  }
0x470: {  	v5 =	vld.idx.msk [tilespmem:v5+s12+$0x0], $0xffff;
	_ =	sdelay $0x4  }
0x471: {  	v5 =	vsub.f32 v5, v62;
	_ =	sdelay $0x1  }
0x472: {  	v4 =	vadd.f32 v5, v4;
	_ =	sdelay $0x1  }
0x473: {  	[tilespmem:$0x1F700] =	vst v4  }
0x474: {  	v5 =	vld [tilespmem:s0+$0x54];
	_ =	sdelay $0x6  }
0x475: {  	v63 =	vld [tilespmem:$0x16A2]  }
0x476: {  	v5 =	vld.idx.msk [tilespmem:v5+s12+$0x0], $0xffff;
	_ =	sdelay $0x3  }
0x477: {  	s1 =	sadd.s32 $0x1, s1  }
0x478: {  	p0 =	sne.s32 s1, $0x10;
	v5 =	vsub.f32 v5, v63  }
.Ltmp2:
0x479: {  	_ = 	snop;
	(pc) =	sbr.rel @p0 .LBB2_2-.Ltmp2, $3  }
0x47a: {  	v5 =	vsel vm2, $0x0, v5  }
0x47b: {  	v4 =	vadd.f32 v5, v4;
	_ =	sdelay $0x1  }
0x47c: {  	[tilespmem:$0x1F700] =	vst v4  }
0x47d: {  	s0 =	simm.s32 $0x4  }
0x47e: {  	_ =	swait.ge [sflag:s0], $0xE000  }
0x47f: {  	[sflag:s0] =	ssyncset.done $0x0  }
0x480: {  	s24 =	simm.s32 $0x5;
	[sflag:s0] =	ssyncadd.s32 $0xFFFF2000  }
0x481: {  	_ =	swait.ge [sflag:s24], $0xE000  }
0x482: {  	[sflag:s24] =	ssyncset.done $0x0  }
0x483: {  	s1 =	simm.s32 $0x1F700;
	s25 =	rddreg [dreg:$0x6];
	[sflag:s24] =	ssyncadd.s32 $0xFFFF2000  }
0x484: {  	[hbm4b:s25+s3] =	stream.linear.scatter [tilespmem:s1], [sflag:$0x6], $0x80, $0x38;
	[tilespmem:$0x1F780] =	vst v63  }
0x485: {  	s1 =	simm.s32 $0x6  }
0x486: {  	_ =	swait.ge [sflag:s1], $0x80  }
0x487: {  	s5 =	rddreg [dreg:$0x8]  }
0x488: {  	s26 =	rddreg [dreg:$0x7];
	s5 =	sadd.s32 $0x1, s5  }
0x489: {  	p0 =	sne.s32 s5, s26  }
.Ltmp3:
0x48a: {  	_ = 	snop;
	(pc) =	sbr.rel @p0 .LBB2_1-.Ltmp3, $3  }
0x48b: {  	_ =	sdelay $0x1  }
0x48c: {  	[sflag:s1] =	ssyncset.done $0x0  }
0x48d: {  	[sflag:s1] =	ssyncadd.s32 $0xFFFFFF80  }
0x48e: {  	_ =	sfence.sel $0x180000  }
0x48f: {  	[bflag:$0x0] =	sbarrier.arrive $0xFFFF  }
0x490: {  	_ =	strace $0x90000047  }
0x491: {  	s0 =	stileid.u32;
	[bflag:$0x2] =	sbarrier.arrive $0xFFFF  }
0x492: {  	p0 =	sne.s32 s0, $0x0;
	s0 =	rddreg [dreg:$0x2]  }
0x493: {  	s0 =	sadd.s32 @!p0 $0x100000, s0  }
0x494: {  	[sflag:s0] =	ssyncadd.tile.s32 @!p0 $0x1;
	_ =	shalt  }
.Lfunc_end2:
_tile_overlayer_lowered:
.L_overlay_start_2:
0x495: {  	(tag) =	ssettag $0x2  }
0x496: {  	s0 =	rddreg [dreg:$0x0];
	s2 =	stileid.u32  }
0x497: {  	s1 =	rddreg [dreg:$0x1];
	p0 =	sne.s32 s2, $0x0  }
0x498: {  	s3 =	rddreg [dreg:$0x2];
	[bflag:$0x3] =	sbarrier.arrive $0xFFFF;
	s2 =	simm.s32 @!p0 $0x1C06  }
0x499: {  	[timem:s3], [sflag:s2] =	dma.local @!p0 [hbm:s0], s1  }
0x49a: {  	s0 =	simm.s32 @!p0 $0x6  }
0x49b: {  	_ =	swait.ge @!p0 [sflag:s0], s1  }
0x49c: {  	s1 =	ssub.s32 @!p0 $0x0, s1;
	[sflag:s0] =	ssyncset.done @!p0 $0x0  }
0x49d: {  	[sflag:s0] =	ssyncadd.s32 @!p0 s1  }
0x49e: {  	[bflag:$0x3] =	sbarrier.arrive $0xFFFF  }
0x49f: {  	_ =	shalt  }

</sc_bundles>
